<compile_context>
chip_gen: v7x
topology: tpu7x:2x2x1
jax: 0.10.2.dev20260603
libtpu: 0.0.44.dev20260713+nightly
codegen_flags: <defaults>
</compile_context>

<pallas_src>
import functools

import jax
import jax.numpy as jnp
from jax import lax
from jax.experimental import pallas as pl
from jax.experimental.pallas import tpu as pltpu
from jax.experimental.pallas import tpu_sc as plsc

B = 16384
NCAT = 26
NCONT = 26
NCOLS = 52
V = 100000
D = 32
OUT_W = NCONT + NCAT * D
XP = 128
HC = NCAT // 2

NC = 2
NS = 16
NW = NC * NS
RW = B // NW
M = 64
NG = RW // M
NROW = M * HC
GROUP = 104
NGRP = NROW // GROUP

QA = 25088
TK = 7
TV = QA // TK
TAIL = 3200
LAST = 32
HROWS = HC * QA
TSTEPS = HC * TK


def _transpose_body(c0, tab_ref, last_ref, out_ref, buf, sems):
    c = pl.program_id(0)
    k = pl.program_id(1)
    i = c * TK + k
    slot = lax.rem(i, 2)
    nxt = lax.rem(i + 1, 2)

    def copy_descs(cc, kk, sl, tail):
        descs = []
        for r in range(3):
            descs.append(pltpu.make_async_copy(
                tab_ref.at[cc + c0, :, pl.ds(r * QA + kk * TV, TV)],
                buf.at[sl, pl.ds(r * D, D)], sems.at[sl, r]))
        if tail:
            descs.append(pltpu.make_async_copy(
                tab_ref.at[cc + c0, :, pl.ds(3 * QA + kk * TV, TAIL)],
                buf.at[sl, pl.ds(3 * D, D)].at[:, pl.ds(0, TAIL)],
                sems.at[sl, 3]))
        else:
            descs.append(pltpu.make_async_copy(
                tab_ref.at[cc + c0, :, pl.ds(3 * QA + kk * TV, TV)],
                buf.at[sl, pl.ds(3 * D, D)], sems.at[sl, 3]))
        return descs

    def start_copies(cc, kk, sl):
        @pl.when(kk < TK - 1)
        def _full():
            for d in copy_descs(cc, kk, sl, False):
                d.start()

        @pl.when(kk == TK - 1)
        def _tail():
            for d in copy_descs(cc, kk, sl, True):
                d.start()

    def wait_copies(cc, kk, sl):
        @pl.when(kk < TK - 1)
        def _full():
            for d in copy_descs(cc, kk, sl, False):
                d.wait()

        @pl.when(kk == TK - 1)
        def _tail():
            for d in copy_descs(cc, kk, sl, True):
                d.wait()

    @pl.when(i == 0)
    def _first():
        start_copies(c, k, slot)

    @pl.when(i < TSTEPS - 1)
    def _prefetch():
        start_copies(lax.div(i + 1, TK), lax.rem(i + 1, TK), nxt)

    wait_copies(c, k, slot)

    @pl.when(k == TK - 1)
    def _merge_tail():
        buf[slot, pl.ds(3 * D, D), pl.ds(TAIL, LAST)] = last_ref[c + c0]

    eye = (lax.broadcasted_iota(jnp.int32, (128, 128), 0)
           == lax.broadcasted_iota(jnp.int32, (128, 128), 1)
           ).astype(jnp.float32)
    out_ref[...] = lax.dot_general(
        buf[slot], eye,
        dimension_numbers=(((0,), (0,)), ((), ())),
        preferred_element_type=jnp.float32,
        precision=lax.Precision.HIGHEST)


def _gather_body(c0, x_hbm, tab_hbm, emb_hbm, x_v, idx_v, rows_v, stage_v,
                 sem):
    wid = lax.axis_index("s") * NC + lax.axis_index("c")
    iota = lax.iota(jnp.int32, 16)
    pat = iota * QA

    @pl.loop(0, NG)
    def _chunk(g):
        base = wid * RW + g * M

        pltpu.sync_copy(x_hbm.at[pl.ds(base, M)], x_v)

        @pl.loop(0, M)
        def _build(b):
            va = x_v[b, pl.ds(NCONT + c0, 16)]
            ra = ((va >= QA).astype(jnp.int32) + (va >= 2 * QA)
                  + (va >= 3 * QA))
            idx = (pat + va - ra * QA) * 4 + ra
            idx_v[pl.ds(b * HC, 16)] = jnp.where(iota < HC, idx, 0)

        @pl.loop(0, NGRP)
        def _fire(j):
            pltpu.async_copy(
                tab_hbm.at[idx_v.at[pl.ds(j * GROUP, GROUP)]],
                rows_v.at[pl.ds(j * GROUP, GROUP)],
                sem,
            )

        pltpu.make_async_copy(tab_hbm.at[pl.ds(0, NROW)], rows_v, sem).wait()

        @pl.loop(0, M)
        def _extract(b):
            for ci in range(HC):
                p = b * HC + ci
                stage_v[b, pl.ds(ci * D, 16)] = rows_v[p, pl.ds(0, 16)]
                stage_v[b, pl.ds(ci * D + 16, 16)] = rows_v[p, pl.ds(16, 16)]

        pltpu.sync_copy(stage_v, emb_hbm.at[pl.ds(base, M)])


def _interleave_body(x_ref, e1_ref, e2_ref, out_ref):
    cont = x_ref[:, :NCONT].astype(jnp.float32)
    blk = jnp.concatenate([cont, e1_ref[...], e2_ref[...]], axis=1)
    out_ref[...] = blk.T


BM = 512


def _make_transpose(c0):
    return pl.pallas_call(
        functools.partial(_transpose_body, c0),
        out_shape=jax.ShapeDtypeStruct((HROWS, 128), jnp.float32),
        grid=(HC, TK),
        in_specs=[
            pl.BlockSpec(memory_space=pltpu.MemorySpace.HBM),
            pl.BlockSpec((NCAT, D, LAST), lambda c, k: (0, 0, 0)),
        ],
        out_specs=pl.BlockSpec((TV, 128), lambda c, k: (c * TK + k, 0)),
        scratch_shapes=[
            pltpu.VMEM((2, 128, TV), jnp.float32),
            pltpu.SemaphoreType.DMA((2, 4)),
        ],
    )


def _make_gather(c0):
    return pl.kernel(
        functools.partial(_gather_body, c0),
        out_type=jax.ShapeDtypeStruct((B, HC * D), jnp.float32),
        mesh=plsc.VectorSubcoreMesh(core_axis_name="c", subcore_axis_name="s"),
        compiler_params=pltpu.CompilerParams(use_tc_tiling_on_sc=False,
                                             needs_layout_passes=False),
        scratch_types=[
            pltpu.VMEM((M, XP), jnp.int32),
            pltpu.VMEM((NROW + 16,), jnp.int32),
            pltpu.VMEM((NROW, D), jnp.float32),
            pltpu.VMEM((M, HC * D), jnp.float32),
            pltpu.SemaphoreType.DMA,
        ],
    )


@jax.jit
def _run(x, tab_t):
    last = tab_t[:, :, V - LAST:V]
    xp = jnp.pad(x, ((0, 0), (0, XP - NCOLS)))

    t1 = _make_transpose(0)(tab_t, last)
    e1 = _make_gather(0)(xp, t1.reshape(4 * HROWS, D))
    t2 = _make_transpose(HC)(tab_t, last)
    e2 = _make_gather(HC)(xp, t2.reshape(4 * HROWS, D))

    out_t = pl.pallas_call(
        _interleave_body,
        out_shape=jax.ShapeDtypeStruct((OUT_W, B), jnp.float32),
        grid=(B // BM,),
        in_specs=[
            pl.BlockSpec((BM, NCOLS), lambda i: (i, 0)),
            pl.BlockSpec((BM, HC * D), lambda i: (i, 0)),
            pl.BlockSpec((BM, HC * D), lambda i: (i, 0)),
        ],
        out_specs=pl.BlockSpec((OUT_W, BM), lambda i: (0, i)),
    )(x, e1, e2)
    return out_t.T


def kernel(x, tables):
    return _run(x, tables.transpose(0, 2, 1))

# --- scband reference (transcript-rebuilt; emitter-appended) ---
"""Pipeline reference for scband-embedding-generator-3375844294769 (READ-ONLY COPY).

The authoritative reference and input builder live on the scoring server;
editing this copy changes nothing except your own understanding.
"""

import jax, jax.numpy as jnp
import numpy as np

BATCH = 16384
INPUT_DIM = 52
N_CAT = 26
VOCAB = 100000
EMB = 32


def setup_inputs(seed: int = 0) -> dict:
    key = jax.random.key(seed)
    k1, k2 = jax.random.split(key)
    # x holds integer values; continuous columns are cast to float in forward,
    # categorical columns (indices 26..51) are used as embedding indices.
    x = jax.random.randint(k1, (BATCH, INPUT_DIM), 0, VOCAB, dtype=jnp.int32)
    # 26 embedding tables of shape [VOCAB, EMB], stacked for convenience.
    tables = jax.random.normal(k2, (N_CAT, VOCAB, EMB), dtype=jnp.float32)
    return {"x": x, "tables": tables}


def reference(x, tables):
    # continuous_idx: True for features 0..25, False (categorical) for 26..51
    cols = []
    cat_feat_counter = 0
    for feat_init_idx in range(INPUT_DIM):
        is_continuous = feat_init_idx < N_CAT
        if is_continuous:
            cols.append(x[:, feat_init_idx].astype(jnp.float32)[:, None])
        else:
            idx = x[:, feat_init_idx]
            cols.append(jnp.take(tables[cat_feat_counter], idx, axis=0))
            cat_feat_counter += 1
    post_embeddings = jnp.concatenate(cols, axis=1)
    return post_embeddings

if __name__ == "__main__":
    import jax
    _d = setup_inputs()
    print(jax.jit(kernel)(*tuple(_d.values())))

</pallas_src>

<mosaic_0001>
#map = affine_map<(d0, d1) -> (0, 0)>
module attributes {stable_mosaic.version = 14 : i64} {
  func.func @_gather_body(%arg0: i32, %arg1: i32, %arg2: memref<16384x128xi32, #tpu.memory_space<hbm>>, %arg3: memref<1304576x32xf32, #tpu.memory_space<hbm>>, %arg4: memref<16384x416xf32, #tpu.memory_space<hbm>>, %arg5: memref<64x128xi32, #tpu.memory_space<vmem>>, %arg6: memref<848xi32, #tpu.memory_space<vmem>>, %arg7: memref<832x32xf32, #tpu.memory_space<vmem>>, %arg8: memref<64x416xf32, #tpu.memory_space<vmem>>, %arg9: memref<!tpu.dma_semaphore, #tpu.memory_space<semaphore_mem>>) attributes {dimension_semantics = [#tpu.dimension_semantics<core_parallel>, #tpu.dimension_semantics<subcore_parallel>], iteration_bounds = array<i64: 2, 16>, scalar_prefetch = 0 : i64, scratch_operands = 5 : i64, tpu.core_type = #tpu.core_type<sc_vector_subcore>, window_params = [{transform_indices = #map}, {transform_indices = #map}, {transform_indices = #map}]} {
    %mul3A = arith.constant 2 : i32
    %mul3A_0 = arith.muli %arg1, %mul3A : i32
    %add3A = arith.addi %mul3A_0, %arg0 : i32
    %iota3A = tpu.iota {dimensions = array<i32: 0>} : vector<16xi32>
    %mul3A_1 = arith.constant 25088 : i32
    %mul3A_2 = vector.broadcast %mul3A_1 : i32 to vector<16xi32>
    %mul3A_3 = arith.muli %iota3A, %mul3A_2 : vector<16xi32>
    %scan3A = arith.constant 0 : i32
    %scan3A_4 = arith.constant 8 : i32
    %scan3A_5 = arith.addi %scan3A, %scan3A_4 : i32
    %scan3A_6 = arith.constant 1 : i32
    scf.for %scan3A_8 = %scan3A to %scan3A_5 step %scan3A_6  : i32 {
      %mul3A_9 = arith.constant 1 : i32
      %mul3A_10 = arith.muli %scan3A_8, %mul3A_9 : i32
      %add3A_11 = arith.constant 0 : i32
      %add3A_12 = arith.addi %add3A_11, %mul3A_10 : i32
      %mul3A_13 = arith.constant 512 : i32
      %mul3A_14 = arith.muli %add3A, %mul3A_13 : i32
      %mul3A_15 = arith.constant 64 : i32
      %mul3A_16 = arith.muli %add3A_12, %mul3A_15 : i32
      %add3A_17 = arith.addi %mul3A_14, %mul3A_16 : i32
      "tpu.region"() ({
        %run_scoped3A = tpu.sem_alloc : memref<!tpu.dma_semaphore, #tpu.memory_space<semaphore_mem>>
        %dma_start3A = arith.constant 0 : i32
        %dma_start3A_38 = tpu.memref_slice %arg2[%add3A_17, %dma_start3A] : memref<16384x128xi32, #tpu.memory_space<hbm>> -> memref<64x128xi32, #tpu.memory_space<hbm>>
        %dma_start3A_39 = arith.constant 0 : i32
        %dma_start3A_40 = tpu.memref_slice %arg2[%add3A_17, %dma_start3A_39] : memref<16384x128xi32, #tpu.memory_space<hbm>> -> memref<64x128xi32, #tpu.memory_space<hbm>>
        tpu.enqueue_dma source(%dma_start3A_40 : memref<64x128xi32, #tpu.memory_space<hbm>>) target(%arg5 : memref<64x128xi32, #tpu.memory_space<vmem>>) target_semaphore(%run_scoped3A : memref<!tpu.dma_semaphore, #tpu.memory_space<semaphore_mem>>)
        %dma_wait3A_41 = arith.constant 0 : i32
        %dma_wait3A_42 = tpu.memref_slice %arg2[%add3A_17, %dma_wait3A_41] : memref<16384x128xi32, #tpu.memory_space<hbm>> -> memref<64x128xi32, #tpu.memory_space<hbm>>
        %dma_wait3A_43 = arith.constant 0 : i32
        %dma_wait3A_44 = tpu.memref_slice %arg2[%add3A_17, %dma_wait3A_43] : memref<16384x128xi32, #tpu.memory_space<hbm>> -> memref<64x128xi32, #tpu.memory_space<hbm>>
        tpu.wait_dma2 semaphore(%run_scoped3A : memref<!tpu.dma_semaphore, #tpu.memory_space<semaphore_mem>>) src(%dma_wait3A_44 : memref<64x128xi32, #tpu.memory_space<hbm>>) dst(%arg5 : memref<64x128xi32, #tpu.memory_space<vmem>>)
        tpu.yield
      }) : () -> ()
      %scan3A_18 = arith.constant 0 : i32
      %scan3A_19 = arith.constant 64 : i32
      %scan3A_20 = arith.addi %scan3A_18, %scan3A_19 : i32
      %scan3A_21 = arith.constant 1 : i32
      scf.for %scan3A_38 = %scan3A_18 to %scan3A_20 step %scan3A_21  : i32 {
        %mul3A_39 = arith.constant 1 : i32
        %mul3A_40 = arith.muli %scan3A_38, %mul3A_39 : i32
        %add3A_41 = arith.constant 0 : i32
        %add3A_42 = arith.addi %add3A_41, %mul3A_40 : i32
        %get3A = arith.index_cast %add3A_42 : i32 to index
        %get3A_43 = arith.constant 26 : index
        %get3A_44 = tpu.vector_load %arg5[%get3A, %get3A_43] {strides = array<i32>} : memref<64x128xi32, #tpu.memory_space<vmem>>, vector<16xi32>,
        %ge3A = arith.constant 25088 : i32
        %ge3A_45 = vector.broadcast %ge3A : i32 to vector<16xi32>
        %ge3A_46 = arith.cmpi sge, %get3A_44, %ge3A_45 : vector<16xi32>
        %convert_element_type3A = arith.extui %ge3A_46 : vector<16xi1> to vector<16xi32>
        %ge3A_47 = arith.constant 50176 : i32
        %ge3A_48 = vector.broadcast %ge3A_47 : i32 to vector<16xi32>
        %ge3A_49 = arith.cmpi sge, %get3A_44, %ge3A_48 : vector<16xi32>
        %convert_element_type3A_50 = arith.extui %ge3A_49 : vector<16xi1> to vector<16xi32>
        %add3A_51 = arith.addi %convert_element_type3A, %convert_element_type3A_50 : vector<16xi32>
        %ge3A_52 = arith.constant 75264 : i32
        %ge3A_53 = vector.broadcast %ge3A_52 : i32 to vector<16xi32>
        %ge3A_54 = arith.cmpi sge, %get3A_44, %ge3A_53 : vector<16xi32>
        %convert_element_type3A_55 = arith.extui %ge3A_54 : vector<16xi1> to vector<16xi32>
        %add3A_56 = arith.addi %add3A_51, %convert_element_type3A_55 : vector<16xi32>
        %add3A_57 = arith.addi %mul3A_3, %get3A_44 : vector<16xi32>
        %mul3A_58 = arith.constant 25088 : i32
        %mul3A_59 = vector.broadcast %mul3A_58 : i32 to vector<16xi32>
        %mul3A_60 = arith.muli %add3A_56, %mul3A_59 : vector<16xi32>
        %sub3A = arith.subi %add3A_57, %mul3A_60 : vector<16xi32>
        %mul3A_61 = arith.constant 4 : i32
        %mul3A_62 = vector.broadcast %mul3A_61 : i32 to vector<16xi32>
        %mul3A_63 = arith.muli %sub3A, %mul3A_62 : vector<16xi32>
        %add3A_64 = arith.addi %mul3A_63, %add3A_56 : vector<16xi32>
        %lt3A = arith.constant 13 : i32
        %lt3A_65 = vector.broadcast %lt3A : i32 to vector<16xi32>
        %lt3A_66 = arith.cmpi slt, %iota3A, %lt3A_65 : vector<16xi32>
        %jit3A = arith.constant 0 : i32
        %broadcast_in_dim3A = vector.broadcast %jit3A : i32 to vector<16xi32>
        %select_n3A = arith.select %lt3A_66, %add3A_64, %broadcast_in_dim3A : vector<16xi1>, vector<16xi32>
        %mul3A_67 = arith.constant 13 : i32
        %mul3A_68 = arith.muli %add3A_42, %mul3A_67 : i32
        %swap3A = arith.index_cast %mul3A_68 : i32 to index
        %swap3A_69 = tpu.vector_load %arg6[%swap3A] {strides = array<i32>} : memref<848xi32, #tpu.memory_space<vmem>>, vector<16xi32>,
        tpu.vector_store %arg6[%swap3A], %select_n3A {strides = array<i32>} : memref<848xi32, #tpu.memory_space<vmem>>, vector<16xi32>,
      }
      %scan3A_22 = arith.constant 64 : i32
      %scan3A_23 = arith.constant 0 : i32
      %scan3A_24 = arith.constant 8 : i32
      %scan3A_25 = arith.addi %scan3A_23, %scan3A_24 : i32
      %scan3A_26 = arith.constant 1 : i32
      scf.for %scan3A_38 = %scan3A_23 to %scan3A_25 step %scan3A_26  : i32 {
        %mul3A_39 = arith.constant 1 : i32
        %mul3A_40 = arith.muli %scan3A_38, %mul3A_39 : i32
        %add3A_41 = arith.constant 0 : i32
        %add3A_42 = arith.addi %add3A_41, %mul3A_40 : i32
        %mul3A_43 = arith.constant 104 : i32
        %mul3A_44 = arith.muli %add3A_42, %mul3A_43 : i32
        %mul3A_45 = arith.constant 104 : i32
        %mul3A_46 = arith.muli %add3A_42, %mul3A_45 : i32
        %dma_start3A = arith.constant 0 : i32
        %dma_start3A_47 = tpu.memref_slice %arg7[%mul3A_46, %dma_start3A] : memref<832x32xf32, #tpu.memory_space<vmem>> -> memref<104x32xf32, #tpu.memory_space<vmem>>
        %dma_start3A_48 = tpu.memref_slice %arg6[%mul3A_44] : memref<848xi32, #tpu.memory_space<vmem>> -> memref<104xi32, #tpu.memory_space<vmem>>
        %dma_start3A_49 = arith.constant 0 : i32
        %dma_start3A_50 = arith.constant 0 : i32
        %dma_start3A_51 = tpu.memref_slice %arg3[%dma_start3A_49, %dma_start3A_50] : memref<1304576x32xf32, #tpu.memory_space<hbm>> -> memref<1304576x32xf32, #tpu.memory_space<hbm>>
        tpu.enqueue_indirect_dma source(%dma_start3A_51 : memref<1304576x32xf32, #tpu.memory_space<hbm>>) target(%dma_start3A_47 : memref<104x32xf32, #tpu.memory_space<vmem>>) offsets(%dma_start3A_48 : memref<104xi32, #tpu.memory_space<vmem>>) semaphore(%arg9 : memref<!tpu.dma_semaphore, #tpu.memory_space<semaphore_mem>>)
      }
      %scan3A_27 = arith.constant 8 : i32
      %dma_wait3A = arith.constant 0 : i32
      %dma_wait3A_28 = arith.constant 0 : i32
      %dma_wait3A_29 = tpu.memref_slice %arg3[%dma_wait3A, %dma_wait3A_28] : memref<1304576x32xf32, #tpu.memory_space<hbm>> -> memref<832x32xf32, #tpu.memory_space<hbm>>
      %dma_wait3A_30 = arith.constant 0 : i32
      %dma_wait3A_31 = arith.constant 0 : i32
      %dma_wait3A_32 = tpu.memref_slice %arg3[%dma_wait3A_30, %dma_wait3A_31] : memref<1304576x32xf32, #tpu.memory_space<hbm>> -> memref<832x32xf32, #tpu.memory_space<hbm>>
      tpu.wait_dma2 semaphore(%arg9 : memref<!tpu.dma_semaphore, #tpu.memory_space<semaphore_mem>>) src(%dma_wait3A_32 : memref<832x32xf32, #tpu.memory_space<hbm>>) dst(%arg7 : memref<832x32xf32, #tpu.memory_space<vmem>>)
      %scan3A_33 = arith.constant 0 : i32
      %scan3A_34 = arith.constant 64 : i32
      %scan3A_35 = arith.addi %scan3A_33, %scan3A_34 : i32
      %scan3A_36 = arith.constant 1 : i32
      scf.for %scan3A_38 = %scan3A_33 to %scan3A_35 step %scan3A_36  : i32 {
        %mul3A_39 = arith.constant 1 : i32
        %mul3A_40 = arith.muli %scan3A_38, %mul3A_39 : i32
        %add3A_41 = arith.constant 0 : i32
        %add3A_42 = arith.addi %add3A_41, %mul3A_40 : i32
        %mul3A_43 = arith.constant 13 : i32
        %mul3A_44 = arith.muli %add3A_42, %mul3A_43 : i32
        %add3A_45 = arith.constant 0 : i32
        %add3A_46 = arith.addi %mul3A_44, %add3A_45 : i32
        %get3A = arith.index_cast %add3A_46 : i32 to index
        %get3A_47 = arith.constant 0 : index
        %get3A_48 = tpu.vector_load %arg7[%get3A, %get3A_47] {strides = array<i32>} : memref<832x32xf32, #tpu.memory_space<vmem>>, vector<16xf32>,
        %swap3A = arith.index_cast %add3A_42 : i32 to index
        %swap3A_49 = arith.constant 0 : index
        %swap3A_50 = tpu.vector_load %arg8[%swap3A, %swap3A_49] {strides = array<i32>} : memref<64x416xf32, #tpu.memory_space<vmem>>, vector<16xf32>,
        tpu.vector_store %arg8[%swap3A, %swap3A_49], %get3A_48 {strides = array<i32>} : memref<64x416xf32, #tpu.memory_space<vmem>>, vector<16xf32>,
        %get3A_51 = arith.index_cast %add3A_46 : i32 to index
        %get3A_52 = arith.constant 16 : index
        %get3A_53 = tpu.vector_load %arg7[%get3A_51, %get3A_52] {strides = array<i32>} : memref<832x32xf32, #tpu.memory_space<vmem>>, vector<16xf32>,
        %swap3A_54 = arith.index_cast %add3A_42 : i32 to index
        %swap3A_55 = arith.constant 16 : index
        %swap3A_56 = tpu.vector_load %arg8[%swap3A_54, %swap3A_55] {strides = array<i32>} : memref<64x416xf32, #tpu.memory_space<vmem>>, vector<16xf32>,
        tpu.vector_store %arg8[%swap3A_54, %swap3A_55], %get3A_53 {strides = array<i32>} : memref<64x416xf32, #tpu.memory_space<vmem>>, vector<16xf32>,
        %mul3A_57 = arith.constant 13 : i32
        %mul3A_58 = arith.muli %add3A_42, %mul3A_57 : i32
        %add3A_59 = arith.constant 1 : i32
        %add3A_60 = arith.addi %mul3A_58, %add3A_59 : i32
        %get3A_61 = arith.index_cast %add3A_60 : i32 to index
        %get3A_62 = arith.constant 0 : index
        %get3A_63 = tpu.vector_load %arg7[%get3A_61, %get3A_62] {strides = array<i32>} : memref<832x32xf32, #tpu.memory_space<vmem>>, vector<16xf32>,
        %swap3A_64 = arith.index_cast %add3A_42 : i32 to index
        %swap3A_65 = arith.constant 32 : index
        %swap3A_66 = tpu.vector_load %arg8[%swap3A_64, %swap3A_65] {strides = array<i32>} : memref<64x416xf32, #tpu.memory_space<vmem>>, vector<16xf32>,
        tpu.vector_store %arg8[%swap3A_64, %swap3A_65], %get3A_63 {strides = array<i32>} : memref<64x416xf32, #tpu.memory_space<vmem>>, vector<16xf32>,
        %get3A_67 = arith.index_cast %add3A_60 : i32 to index
        %get3A_68 = arith.constant 16 : index
        %get3A_69 = tpu.vector_load %arg7[%get3A_67, %get3A_68] {strides = array<i32>} : memref<832x32xf32, #tpu.memory_space<vmem>>, vector<16xf32>,
        %swap3A_70 = arith.index_cast %add3A_42 : i32 to index
        %swap3A_71 = arith.constant 48 : index
        %swap3A_72 = tpu.vector_load %arg8[%swap3A_70, %swap3A_71] {strides = array<i32>} : memref<64x416xf32, #tpu.memory_space<vmem>>, vector<16xf32>,
        tpu.vector_store %arg8[%swap3A_70, %swap3A_71], %get3A_69 {strides = array<i32>} : memref<64x416xf32, #tpu.memory_space<vmem>>, vector<16xf32>,
        %mul3A_73 = arith.constant 13 : i32
        %mul3A_74 = arith.muli %add3A_42, %mul3A_73 : i32
        %add3A_75 = arith.constant 2 : i32
        %add3A_76 = arith.addi %mul3A_74, %add3A_75 : i32
        %get3A_77 = arith.index_cast %add3A_76 : i32 to index
        %get3A_78 = arith.constant 0 : index
        %get3A_79 = tpu.vector_load %arg7[%get3A_77, %get3A_78] {strides = array<i32>} : memref<832x32xf32, #tpu.memory_space<vmem>>, vector<16xf32>,
        %swap3A_80 = arith.index_cast %add3A_42 : i32 to index
        %swap3A_81 = arith.constant 64 : index
        %swap3A_82 = tpu.vector_load %arg8[%swap3A_80, %swap3A_81] {strides = array<i32>} : memref<64x416xf32, #tpu.memory_space<vmem>>, vector<16xf32>,
        tpu.vector_store %arg8[%swap3A_80, %swap3A_81], %get3A_79 {strides = array<i32>} : memref<64x416xf32, #tpu.memory_space<vmem>>, vector<16xf32>,
        %get3A_83 = arith.index_cast %add3A_76 : i32 to index
        %get3A_84 = arith.constant 16 : index
        %get3A_85 = tpu.vector_load %arg7[%get3A_83, %get3A_84] {strides = array<i32>} : memref<832x32xf32, #tpu.memory_space<vmem>>, vector<16xf32>,
        %swap3A_86 = arith.index_cast %add3A_42 : i32 to index
        %swap3A_87 = arith.constant 80 : index
        %swap3A_88 = tpu.vector_load %arg8[%swap3A_86, %swap3A_87] {strides = array<i32>} : memref<64x416xf32, #tpu.memory_space<vmem>>, vector<16xf32>,
        tpu.vector_store %arg8[%swap3A_86, %swap3A_87], %get3A_85 {strides = array<i32>} : memref<64x416xf32, #tpu.memory_space<vmem>>, vector<16xf32>,
        %mul3A_89 = arith.constant 13 : i32
        %mul3A_90 = arith.muli %add3A_42, %mul3A_89 : i32
        %add3A_91 = arith.constant 3 : i32
        %add3A_92 = arith.addi %mul3A_90, %add3A_91 : i32
        %get3A_93 = arith.index_cast %add3A_92 : i32 to index
        %get3A_94 = arith.constant 0 : index
        %get3A_95 = tpu.vector_load %arg7[%get3A_93, %get3A_94] {strides = array<i32>} : memref<832x32xf32, #tpu.memory_space<vmem>>, vector<16xf32>,
        %swap3A_96 = arith.index_cast %add3A_42 : i32 to index
        %swap3A_97 = arith.constant 96 : index
        %swap3A_98 = tpu.vector_load %arg8[%swap3A_96, %swap3A_97] {strides = array<i32>} : memref<64x416xf32, #tpu.memory_space<vmem>>, vector<16xf32>,
        tpu.vector_store %arg8[%swap3A_96, %swap3A_97], %get3A_95 {strides = array<i32>} : memref<64x416xf32, #tpu.memory_space<vmem>>, vector<16xf32>,
        %get3A_99 = arith.index_cast %add3A_92 : i32 to index
        %get3A_100 = arith.constant 16 : index
        %get3A_101 = tpu.vector_load %arg7[%get3A_99, %get3A_100] {strides = array<i32>} : memref<832x32xf32, #tpu.memory_space<vmem>>, vector<16xf32>,
        %swap3A_102 = arith.index_cast %add3A_42 : i32 to index
        %swap3A_103 = arith.constant 112 : index
        %swap3A_104 = tpu.vector_load %arg8[%swap3A_102, %swap3A_103] {strides = array<i32>} : memref<64x416xf32, #tpu.memory_space<vmem>>, vector<16xf32>,
        tpu.vector_store %arg8[%swap3A_102, %swap3A_103], %get3A_101 {strides = array<i32>} : memref<64x416xf32, #tpu.memory_space<vmem>>, vector<16xf32>,
        %mul3A_105 = arith.constant 13 : i32
        %mul3A_106 = arith.muli %add3A_42, %mul3A_105 : i32
        %add3A_107 = arith.constant 4 : i32
        %add3A_108 = arith.addi %mul3A_106, %add3A_107 : i32
        %get3A_109 = arith.index_cast %add3A_108 : i32 to index
        %get3A_110 = arith.constant 0 : index
        %get3A_111 = tpu.vector_load %arg7[%get3A_109, %get3A_110] {strides = array<i32>} : memref<832x32xf32, #tpu.memory_space<vmem>>, vector<16xf32>,
        %swap3A_112 = arith.index_cast %add3A_42 : i32 to index
        %swap3A_113 = arith.constant 128 : index
        %swap3A_114 = tpu.vector_load %arg8[%swap3A_112, %swap3A_113] {strides = array<i32>} : memref<64x416xf32, #tpu.memory_space<vmem>>, vector<16xf32>,
        tpu.vector_store %arg8[%swap3A_112, %swap3A_113], %get3A_111 {strides = array<i32>} : memref<64x416xf32, #tpu.memory_space<vmem>>, vector<16xf32>,
        %get3A_115 = arith.index_cast %add3A_108 : i32 to index
        %get3A_116 = arith.constant 16 : index
        %get3A_117 = tpu.vector_load %arg7[%get3A_115, %get3A_116] {strides = array<i32>} : memref<832x32xf32, #tpu.memory_space<vmem>>, vector<16xf32>,
        %swap3A_118 = arith.index_cast %add3A_42 : i32 to index
        %swap3A_119 = arith.constant 144 : index
        %swap3A_120 = tpu.vector_load %arg8[%swap3A_118, %swap3A_119] {strides = array<i32>} : memref<64x416xf32, #tpu.memory_space<vmem>>, vector<16xf32>,
        tpu.vector_store %arg8[%swap3A_118, %swap3A_119], %get3A_117 {strides = array<i32>} : memref<64x416xf32, #tpu.memory_space<vmem>>, vector<16xf32>,
        %mul3A_121 = arith.constant 13 : i32
        %mul3A_122 = arith.muli %add3A_42, %mul3A_121 : i32
        %add3A_123 = arith.constant 5 : i32
        %add3A_124 = arith.addi %mul3A_122, %add3A_123 : i32
        %get3A_125 = arith.index_cast %add3A_124 : i32 to index
        %get3A_126 = arith.constant 0 : index
        %get3A_127 = tpu.vector_load %arg7[%get3A_125, %get3A_126] {strides = array<i32>} : memref<832x32xf32, #tpu.memory_space<vmem>>, vector<16xf32>,
        %swap3A_128 = arith.index_cast %add3A_42 : i32 to index
        %swap3A_129 = arith.constant 160 : index
        %swap3A_130 = tpu.vector_load %arg8[%swap3A_128, %swap3A_129] {strides = array<i32>} : memref<64x416xf32, #tpu.memory_space<vmem>>, vector<16xf32>,
        tpu.vector_store %arg8[%swap3A_128, %swap3A_129], %get3A_127 {strides = array<i32>} : memref<64x416xf32, #tpu.memory_space<vmem>>, vector<16xf32>,
        %get3A_131 = arith.index_cast %add3A_124 : i32 to index
        %get3A_132 = arith.constant 16 : index
        %get3A_133 = tpu.vector_load %arg7[%get3A_131, %get3A_132] {strides = array<i32>} : memref<832x32xf32, #tpu.memory_space<vmem>>, vector<16xf32>,
        %swap3A_134 = arith.index_cast %add3A_42 : i32 to index
        %swap3A_135 = arith.constant 176 : index
        %swap3A_136 = tpu.vector_load %arg8[%swap3A_134, %swap3A_135] {strides = array<i32>} : memref<64x416xf32, #tpu.memory_space<vmem>>, vector<16xf32>,
        tpu.vector_store %arg8[%swap3A_134, %swap3A_135], %get3A_133 {strides = array<i32>} : memref<64x416xf32, #tpu.memory_space<vmem>>, vector<16xf32>,
        %mul3A_137 = arith.constant 13 : i32
        %mul3A_138 = arith.muli %add3A_42, %mul3A_137 : i32
        %add3A_139 = arith.constant 6 : i32
        %add3A_140 = arith.addi %mul3A_138, %add3A_139 : i32
        %get3A_141 = arith.index_cast %add3A_140 : i32 to index
        %get3A_142 = arith.constant 0 : index
        %get3A_143 = tpu.vector_load %arg7[%get3A_141, %get3A_142] {strides = array<i32>} : memref<832x32xf32, #tpu.memory_space<vmem>>, vector<16xf32>,
        %swap3A_144 = arith.index_cast %add3A_42 : i32 to index
        %swap3A_145 = arith.constant 192 : index
        %swap3A_146 = tpu.vector_load %arg8[%swap3A_144, %swap3A_145] {strides = array<i32>} : memref<64x416xf32, #tpu.memory_space<vmem>>, vector<16xf32>,
        tpu.vector_store %arg8[%swap3A_144, %swap3A_145], %get3A_143 {strides = array<i32>} : memref<64x416xf32, #tpu.memory_space<vmem>>, vector<16xf32>,
        %get3A_147 = arith.index_cast %add3A_140 : i32 to index
        %get3A_148 = arith.constant 16 : index
        %get3A_149 = tpu.vector_load %arg7[%get3A_147, %get3A_148] {strides = array<i32>} : memref<832x32xf32, #tpu.memory_space<vmem>>, vector<16xf32>,
        %swap3A_150 = arith.index_cast %add3A_42 : i32 to index
        %swap3A_151 = arith.constant 208 : index
        %swap3A_152 = tpu.vector_load %arg8[%swap3A_150, %swap3A_151] {strides = array<i32>} : memref<64x416xf32, #tpu.memory_space<vmem>>, vector<16xf32>,
        tpu.vector_store %arg8[%swap3A_150, %swap3A_151], %get3A_149 {strides = array<i32>} : memref<64x416xf32, #tpu.memory_space<vmem>>, vector<16xf32>,
        %mul3A_153 = arith.constant 13 : i32
        %mul3A_154 = arith.muli %add3A_42, %mul3A_153 : i32
        %add3A_155 = arith.constant 7 : i32
        %add3A_156 = arith.addi %mul3A_154, %add3A_155 : i32
        %get3A_157 = arith.index_cast %add3A_156 : i32 to index
        %get3A_158 = arith.constant 0 : index
        %get3A_159 = tpu.vector_load %arg7[%get3A_157, %get3A_158] {strides = array<i32>} : memref<832x32xf32, #tpu.memory_space<vmem>>, vector<16xf32>,
        %swap3A_160 = arith.index_cast %add3A_42 : i32 to index
        %swap3A_161 = arith.constant 224 : index
        %swap3A_162 = tpu.vector_load %arg8[%swap3A_160, %swap3A_161] {strides = array<i32>} : memref<64x416xf32, #tpu.memory_space<vmem>>, vector<16xf32>,
        tpu.vector_store %arg8[%swap3A_160, %swap3A_161], %get3A_159 {strides = array<i32>} : memref<64x416xf32, #tpu.memory_space<vmem>>, vector<16xf32>,
        %get3A_163 = arith.index_cast %add3A_156 : i32 to index
        %get3A_164 = arith.constant 16 : index
        %get3A_165 = tpu.vector_load %arg7[%get3A_163, %get3A_164] {strides = array<i32>} : memref<832x32xf32, #tpu.memory_space<vmem>>, vector<16xf32>,
        %swap3A_166 = arith.index_cast %add3A_42 : i32 to index
        %swap3A_167 = arith.constant 240 : index
        %swap3A_168 = tpu.vector_load %arg8[%swap3A_166, %swap3A_167] {strides = array<i32>} : memref<64x416xf32, #tpu.memory_space<vmem>>, vector<16xf32>,
        tpu.vector_store %arg8[%swap3A_166, %swap3A_167], %get3A_165 {strides = array<i32>} : memref<64x416xf32, #tpu.memory_space<vmem>>, vector<16xf32>,
        %mul3A_169 = arith.constant 13 : i32
        %mul3A_170 = arith.muli %add3A_42, %mul3A_169 : i32
        %add3A_171 = arith.constant 8 : i32
        %add3A_172 = arith.addi %mul3A_170, %add3A_171 : i32
        %get3A_173 = arith.index_cast %add3A_172 : i32 to index
        %get3A_174 = arith.constant 0 : index
        %get3A_175 = tpu.vector_load %arg7[%get3A_173, %get3A_174] {strides = array<i32>} : memref<832x32xf32, #tpu.memory_space<vmem>>, vector<16xf32>,
        %swap3A_176 = arith.index_cast %add3A_42 : i32 to index
        %swap3A_177 = arith.constant 256 : index
        %swap3A_178 = tpu.vector_load %arg8[%swap3A_176, %swap3A_177] {strides = array<i32>} : memref<64x416xf32, #tpu.memory_space<vmem>>, vector<16xf32>,
        tpu.vector_store %arg8[%swap3A_176, %swap3A_177], %get3A_175 {strides = array<i32>} : memref<64x416xf32, #tpu.memory_space<vmem>>, vector<16xf32>,
        %get3A_179 = arith.index_cast %add3A_172 : i32 to index
        %get3A_180 = arith.constant 16 : index
        %get3A_181 = tpu.vector_load %arg7[%get3A_179, %get3A_180] {strides = array<i32>} : memref<832x32xf32, #tpu.memory_space<vmem>>, vector<16xf32>,
        %swap3A_182 = arith.index_cast %add3A_42 : i32 to index
        %swap3A_183 = arith.constant 272 : index
        %swap3A_184 = tpu.vector_load %arg8[%swap3A_182, %swap3A_183] {strides = array<i32>} : memref<64x416xf32, #tpu.memory_space<vmem>>, vector<16xf32>,
        tpu.vector_store %arg8[%swap3A_182, %swap3A_183], %get3A_181 {strides = array<i32>} : memref<64x416xf32, #tpu.memory_space<vmem>>, vector<16xf32>,
        %mul3A_185 = arith.constant 13 : i32
        %mul3A_186 = arith.muli %add3A_42, %mul3A_185 : i32
        %add3A_187 = arith.constant 9 : i32
        %add3A_188 = arith.addi %mul3A_186, %add3A_187 : i32
        %get3A_189 = arith.index_cast %add3A_188 : i32 to index
        %get3A_190 = arith.constant 0 : index
        %get3A_191 = tpu.vector_load %arg7[%get3A_189, %get3A_190] {strides = array<i32>} : memref<832x32xf32, #tpu.memory_space<vmem>>, vector<16xf32>,
        %swap3A_192 = arith.index_cast %add3A_42 : i32 to index
        %swap3A_193 = arith.constant 288 : index
        %swap3A_194 = tpu.vector_load %arg8[%swap3A_192, %swap3A_193] {strides = array<i32>} : memref<64x416xf32, #tpu.memory_space<vmem>>, vector<16xf32>,
        tpu.vector_store %arg8[%swap3A_192, %swap3A_193], %get3A_191 {strides = array<i32>} : memref<64x416xf32, #tpu.memory_space<vmem>>, vector<16xf32>,
        %get3A_195 = arith.index_cast %add3A_188 : i32 to index
        %get3A_196 = arith.constant 16 : index
        %get3A_197 = tpu.vector_load %arg7[%get3A_195, %get3A_196] {strides = array<i32>} : memref<832x32xf32, #tpu.memory_space<vmem>>, vector<16xf32>,
        %swap3A_198 = arith.index_cast %add3A_42 : i32 to index
        %swap3A_199 = arith.constant 304 : index
        %swap3A_200 = tpu.vector_load %arg8[%swap3A_198, %swap3A_199] {strides = array<i32>} : memref<64x416xf32, #tpu.memory_space<vmem>>, vector<16xf32>,
        tpu.vector_store %arg8[%swap3A_198, %swap3A_199], %get3A_197 {strides = array<i32>} : memref<64x416xf32, #tpu.memory_space<vmem>>, vector<16xf32>,
        %mul3A_201 = arith.constant 13 : i32
        %mul3A_202 = arith.muli %add3A_42, %mul3A_201 : i32
        %add3A_203 = arith.constant 10 : i32
        %add3A_204 = arith.addi %mul3A_202, %add3A_203 : i32
        %get3A_205 = arith.index_cast %add3A_204 : i32 to index
        %get3A_206 = arith.constant 0 : index
        %get3A_207 = tpu.vector_load %arg7[%get3A_205, %get3A_206] {strides = array<i32>} : memref<832x32xf32, #tpu.memory_space<vmem>>, vector<16xf32>,
        %swap3A_208 = arith.index_cast %add3A_42 : i32 to index
        %swap3A_209 = arith.constant 320 : index
        %swap3A_210 = tpu.vector_load %arg8[%swap3A_208, %swap3A_209] {strides = array<i32>} : memref<64x416xf32, #tpu.memory_space<vmem>>, vector<16xf32>,
        tpu.vector_store %arg8[%swap3A_208, %swap3A_209], %get3A_207 {strides = array<i32>} : memref<64x416xf32, #tpu.memory_space<vmem>>, vector<16xf32>,
        %get3A_211 = arith.index_cast %add3A_204 : i32 to index
        %get3A_212 = arith.constant 16 : index
        %get3A_213 = tpu.vector_load %arg7[%get3A_211, %get3A_212] {strides = array<i32>} : memref<832x32xf32, #tpu.memory_space<vmem>>, vector<16xf32>,
        %swap3A_214 = arith.index_cast %add3A_42 : i32 to index
        %swap3A_215 = arith.constant 336 : index
        %swap3A_216 = tpu.vector_load %arg8[%swap3A_214, %swap3A_215] {strides = array<i32>} : memref<64x416xf32, #tpu.memory_space<vmem>>, vector<16xf32>,
        tpu.vector_store %arg8[%swap3A_214, %swap3A_215], %get3A_213 {strides = array<i32>} : memref<64x416xf32, #tpu.memory_space<vmem>>, vector<16xf32>,
        %mul3A_217 = arith.constant 13 : i32
        %mul3A_218 = arith.muli %add3A_42, %mul3A_217 : i32
        %add3A_219 = arith.constant 11 : i32
        %add3A_220 = arith.addi %mul3A_218, %add3A_219 : i32
        %get3A_221 = arith.index_cast %add3A_220 : i32 to index
        %get3A_222 = arith.constant 0 : index
        %get3A_223 = tpu.vector_load %arg7[%get3A_221, %get3A_222] {strides = array<i32>} : memref<832x32xf32, #tpu.memory_space<vmem>>, vector<16xf32>,
        %swap3A_224 = arith.index_cast %add3A_42 : i32 to index
        %swap3A_225 = arith.constant 352 : index
        %swap3A_226 = tpu.vector_load %arg8[%swap3A_224, %swap3A_225] {strides = array<i32>} : memref<64x416xf32, #tpu.memory_space<vmem>>, vector<16xf32>,
        tpu.vector_store %arg8[%swap3A_224, %swap3A_225], %get3A_223 {strides = array<i32>} : memref<64x416xf32, #tpu.memory_space<vmem>>, vector<16xf32>,
        %get3A_227 = arith.index_cast %add3A_220 : i32 to index
        %get3A_228 = arith.constant 16 : index
        %get3A_229 = tpu.vector_load %arg7[%get3A_227, %get3A_228] {strides = array<i32>} : memref<832x32xf32, #tpu.memory_space<vmem>>, vector<16xf32>,
        %swap3A_230 = arith.index_cast %add3A_42 : i32 to index
        %swap3A_231 = arith.constant 368 : index
        %swap3A_232 = tpu.vector_load %arg8[%swap3A_230, %swap3A_231] {strides = array<i32>} : memref<64x416xf32, #tpu.memory_space<vmem>>, vector<16xf32>,
        tpu.vector_store %arg8[%swap3A_230, %swap3A_231], %get3A_229 {strides = array<i32>} : memref<64x416xf32, #tpu.memory_space<vmem>>, vector<16xf32>,
        %mul3A_233 = arith.constant 13 : i32
        %mul3A_234 = arith.muli %add3A_42, %mul3A_233 : i32
        %add3A_235 = arith.constant 12 : i32
        %add3A_236 = arith.addi %mul3A_234, %add3A_235 : i32
        %get3A_237 = arith.index_cast %add3A_236 : i32 to index
        %get3A_238 = arith.constant 0 : index
        %get3A_239 = tpu.vector_load %arg7[%get3A_237, %get3A_238] {strides = array<i32>} : memref<832x32xf32, #tpu.memory_space<vmem>>, vector<16xf32>,
        %swap3A_240 = arith.index_cast %add3A_42 : i32 to index
        %swap3A_241 = arith.constant 384 : index
        %swap3A_242 = tpu.vector_load %arg8[%swap3A_240, %swap3A_241] {strides = array<i32>} : memref<64x416xf32, #tpu.memory_space<vmem>>, vector<16xf32>,
        tpu.vector_store %arg8[%swap3A_240, %swap3A_241], %get3A_239 {strides = array<i32>} : memref<64x416xf32, #tpu.memory_space<vmem>>, vector<16xf32>,
        %get3A_243 = arith.index_cast %add3A_236 : i32 to index
        %get3A_244 = arith.constant 16 : index
        %get3A_245 = tpu.vector_load %arg7[%get3A_243, %get3A_244] {strides = array<i32>} : memref<832x32xf32, #tpu.memory_space<vmem>>, vector<16xf32>,
        %swap3A_246 = arith.index_cast %add3A_42 : i32 to index
        %swap3A_247 = arith.constant 400 : index
        %swap3A_248 = tpu.vector_load %arg8[%swap3A_246, %swap3A_247] {strides = array<i32>} : memref<64x416xf32, #tpu.memory_space<vmem>>, vector<16xf32>,
        tpu.vector_store %arg8[%swap3A_246, %swap3A_247], %get3A_245 {strides = array<i32>} : memref<64x416xf32, #tpu.memory_space<vmem>>, vector<16xf32>,
      }
      %scan3A_37 = arith.constant 64 : i32
      "tpu.region"() ({
        %run_scoped3A = tpu.sem_alloc : memref<!tpu.dma_semaphore, #tpu.memory_space<semaphore_mem>>
        %dma_start3A = arith.constant 0 : i32
        %dma_start3A_38 = tpu.memref_slice %arg4[%add3A_17, %dma_start3A] : memref<16384x416xf32, #tpu.memory_space<hbm>> -> memref<64x416xf32, #tpu.memory_space<hbm>>
        %dma_start3A_39 = arith.constant 0 : i32
        %dma_start3A_40 = tpu.memref_slice %arg4[%add3A_17, %dma_start3A_39] : memref<16384x416xf32, #tpu.memory_space<hbm>> -> memref<64x416xf32, #tpu.memory_space<hbm>>
        tpu.enqueue_dma source(%arg8 : memref<64x416xf32, #tpu.memory_space<vmem>>) target(%dma_start3A_40 : memref<64x416xf32, #tpu.memory_space<hbm>>) target_semaphore(%run_scoped3A : memref<!tpu.dma_semaphore, #tpu.memory_space<semaphore_mem>>)
        %dma_wait3A_41 = arith.constant 0 : i32
        %dma_wait3A_42 = tpu.memref_slice %arg4[%add3A_17, %dma_wait3A_41] : memref<16384x416xf32, #tpu.memory_space<hbm>> -> memref<64x416xf32, #tpu.memory_space<hbm>>
        %dma_wait3A_43 = arith.constant 0 : i32
        %dma_wait3A_44 = tpu.memref_slice %arg4[%add3A_17, %dma_wait3A_43] : memref<16384x416xf32, #tpu.memory_space<hbm>> -> memref<64x416xf32, #tpu.memory_space<hbm>>
        tpu.wait_dma2 semaphore(%run_scoped3A : memref<!tpu.dma_semaphore, #tpu.memory_space<semaphore_mem>>) src(%arg8 : memref<64x416xf32, #tpu.memory_space<vmem>>) dst(%dma_wait3A_44 : memref<64x416xf32, #tpu.memory_space<hbm>>)
        tpu.yield
      }) : () -> ()
    }
    %scan3A_7 = arith.constant 8 : i32
    return
  }
}

#map = affine_map<(d0, d1) -> (0, 0)>
module attributes {stable_mosaic.version = 14 : i64} {
  func.func @_gather_body(%arg0: i32, %arg1: i32, %arg2: memref<16384x128xi32, #tpu.memory_space<hbm>>, %arg3: memref<1304576x32xf32, #tpu.memory_space<hbm>>, %arg4: memref<16384x416xf32, #tpu.memory_space<hbm>>, %arg5: memref<64x128xi32, #tpu.memory_space<vmem>>, %arg6: memref<848xi32, #tpu.memory_space<vmem>>, %arg7: memref<832x32xf32, #tpu.memory_space<vmem>>, %arg8: memref<64x416xf32, #tpu.memory_space<vmem>>, %arg9: memref<!tpu.dma_semaphore, #tpu.memory_space<semaphore_mem>>) attributes {dimension_semantics = [#tpu.dimension_semantics<core_parallel>, #tpu.dimension_semantics<subcore_parallel>], iteration_bounds = array<i64: 2, 16>, scalar_prefetch = 0 : i64, scratch_operands = 5 : i64, tpu.core_type = #tpu.core_type<sc_vector_subcore>, window_params = [{transform_indices = #map}, {transform_indices = #map}, {transform_indices = #map}]} {
    %mul3A = arith.constant 2 : i32
    %mul3A_0 = arith.muli %arg1, %mul3A : i32
    %add3A = arith.addi %mul3A_0, %arg0 : i32
    %iota3A = tpu.iota {dimensions = array<i32: 0>} : vector<16xi32>
    %mul3A_1 = arith.constant 25088 : i32
    %mul3A_2 = vector.broadcast %mul3A_1 : i32 to vector<16xi32>
    %mul3A_3 = arith.muli %iota3A, %mul3A_2 : vector<16xi32>
    %scan3A = arith.constant 0 : i32
    %scan3A_4 = arith.constant 8 : i32
    %scan3A_5 = arith.addi %scan3A, %scan3A_4 : i32
    %scan3A_6 = arith.constant 1 : i32
    scf.for %scan3A_8 = %scan3A to %scan3A_5 step %scan3A_6  : i32 {
      %mul3A_9 = arith.constant 1 : i32
      %mul3A_10 = arith.muli %scan3A_8, %mul3A_9 : i32
      %add3A_11 = arith.constant 0 : i32
      %add3A_12 = arith.addi %add3A_11, %mul3A_10 : i32
      %mul3A_13 = arith.constant 512 : i32
      %mul3A_14 = arith.muli %add3A, %mul3A_13 : i32
      %mul3A_15 = arith.constant 64 : i32
      %mul3A_16 = arith.muli %add3A_12, %mul3A_15 : i32
      %add3A_17 = arith.addi %mul3A_14, %mul3A_16 : i32
      "tpu.region"() ({
        %run_scoped3A = tpu.sem_alloc : memref<!tpu.dma_semaphore, #tpu.memory_space<semaphore_mem>>
        %dma_start3A = arith.constant 0 : i32
        %dma_start3A_38 = tpu.memref_slice %arg2[%add3A_17, %dma_start3A] : memref<16384x128xi32, #tpu.memory_space<hbm>> -> memref<64x128xi32, #tpu.memory_space<hbm>>
        %dma_start3A_39 = arith.constant 0 : i32
        %dma_start3A_40 = tpu.memref_slice %arg2[%add3A_17, %dma_start3A_39] : memref<16384x128xi32, #tpu.memory_space<hbm>> -> memref<64x128xi32, #tpu.memory_space<hbm>>
        tpu.enqueue_dma source(%dma_start3A_40 : memref<64x128xi32, #tpu.memory_space<hbm>>) target(%arg5 : memref<64x128xi32, #tpu.memory_space<vmem>>) target_semaphore(%run_scoped3A : memref<!tpu.dma_semaphore, #tpu.memory_space<semaphore_mem>>)
        %dma_wait3A_41 = arith.constant 0 : i32
        %dma_wait3A_42 = tpu.memref_slice %arg2[%add3A_17, %dma_wait3A_41] : memref<16384x128xi32, #tpu.memory_space<hbm>> -> memref<64x128xi32, #tpu.memory_space<hbm>>
        %dma_wait3A_43 = arith.constant 0 : i32
        %dma_wait3A_44 = tpu.memref_slice %arg2[%add3A_17, %dma_wait3A_43] : memref<16384x128xi32, #tpu.memory_space<hbm>> -> memref<64x128xi32, #tpu.memory_space<hbm>>
        tpu.wait_dma2 semaphore(%run_scoped3A : memref<!tpu.dma_semaphore, #tpu.memory_space<semaphore_mem>>) src(%dma_wait3A_44 : memref<64x128xi32, #tpu.memory_space<hbm>>) dst(%arg5 : memref<64x128xi32, #tpu.memory_space<vmem>>)
        tpu.yield
      }) : () -> ()
      %scan3A_18 = arith.constant 0 : i32
      %scan3A_19 = arith.constant 64 : i32
      %scan3A_20 = arith.addi %scan3A_18, %scan3A_19 : i32
      %scan3A_21 = arith.constant 1 : i32
      scf.for %scan3A_38 = %scan3A_18 to %scan3A_20 step %scan3A_21  : i32 {
        %mul3A_39 = arith.constant 1 : i32
        %mul3A_40 = arith.muli %scan3A_38, %mul3A_39 : i32
        %add3A_41 = arith.constant 0 : i32
        %add3A_42 = arith.addi %add3A_41, %mul3A_40 : i32
        %get3A = arith.index_cast %add3A_42 : i32 to index
        %get3A_43 = arith.constant 39 : index
        %get3A_44 = tpu.vector_load %arg5[%get3A, %get3A_43] {strides = array<i32>} : memref<64x128xi32, #tpu.memory_space<vmem>>, vector<16xi32>,
        %ge3A = arith.constant 25088 : i32
        %ge3A_45 = vector.broadcast %ge3A : i32 to vector<16xi32>
        %ge3A_46 = arith.cmpi sge, %get3A_44, %ge3A_45 : vector<16xi32>
        %convert_element_type3A = arith.extui %ge3A_46 : vector<16xi1> to vector<16xi32>
        %ge3A_47 = arith.constant 50176 : i32
        %ge3A_48 = vector.broadcast %ge3A_47 : i32 to vector<16xi32>
        %ge3A_49 = arith.cmpi sge, %get3A_44, %ge3A_48 : vector<16xi32>
        %convert_element_type3A_50 = arith.extui %ge3A_49 : vector<16xi1> to vector<16xi32>
        %add3A_51 = arith.addi %convert_element_type3A, %convert_element_type3A_50 : vector<16xi32>
        %ge3A_52 = arith.constant 75264 : i32
        %ge3A_53 = vector.broadcast %ge3A_52 : i32 to vector<16xi32>
        %ge3A_54 = arith.cmpi sge, %get3A_44, %ge3A_53 : vector<16xi32>
        %convert_element_type3A_55 = arith.extui %ge3A_54 : vector<16xi1> to vector<16xi32>
        %add3A_56 = arith.addi %add3A_51, %convert_element_type3A_55 : vector<16xi32>
        %add3A_57 = arith.addi %mul3A_3, %get3A_44 : vector<16xi32>
        %mul3A_58 = arith.constant 25088 : i32
        %mul3A_59 = vector.broadcast %mul3A_58 : i32 to vector<16xi32>
        %mul3A_60 = arith.muli %add3A_56, %mul3A_59 : vector<16xi32>
        %sub3A = arith.subi %add3A_57, %mul3A_60 : vector<16xi32>
        %mul3A_61 = arith.constant 4 : i32
        %mul3A_62 = vector.broadcast %mul3A_61 : i32 to vector<16xi32>
        %mul3A_63 = arith.muli %sub3A, %mul3A_62 : vector<16xi32>
        %add3A_64 = arith.addi %mul3A_63, %add3A_56 : vector<16xi32>
        %lt3A = arith.constant 13 : i32
        %lt3A_65 = vector.broadcast %lt3A : i32 to vector<16xi32>
        %lt3A_66 = arith.cmpi slt, %iota3A, %lt3A_65 : vector<16xi32>
        %jit3A = arith.constant 0 : i32
        %broadcast_in_dim3A = vector.broadcast %jit3A : i32 to vector<16xi32>
        %select_n3A = arith.select %lt3A_66, %add3A_64, %broadcast_in_dim3A : vector<16xi1>, vector<16xi32>
        %mul3A_67 = arith.constant 13 : i32
        %mul3A_68 = arith.muli %add3A_42, %mul3A_67 : i32
        %swap3A = arith.index_cast %mul3A_68 : i32 to index
        %swap3A_69 = tpu.vector_load %arg6[%swap3A] {strides = array<i32>} : memref<848xi32, #tpu.memory_space<vmem>>, vector<16xi32>,
        tpu.vector_store %arg6[%swap3A], %select_n3A {strides = array<i32>} : memref<848xi32, #tpu.memory_space<vmem>>, vector<16xi32>,
      }
      %scan3A_22 = arith.constant 64 : i32
      %scan3A_23 = arith.constant 0 : i32
      %scan3A_24 = arith.constant 8 : i32
      %scan3A_25 = arith.addi %scan3A_23, %scan3A_24 : i32
      %scan3A_26 = arith.constant 1 : i32
      scf.for %scan3A_38 = %scan3A_23 to %scan3A_25 step %scan3A_26  : i32 {
        %mul3A_39 = arith.constant 1 : i32
        %mul3A_40 = arith.muli %scan3A_38, %mul3A_39 : i32
        %add3A_41 = arith.constant 0 : i32
        %add3A_42 = arith.addi %add3A_41, %mul3A_40 : i32
        %mul3A_43 = arith.constant 104 : i32
        %mul3A_44 = arith.muli %add3A_42, %mul3A_43 : i32
        %mul3A_45 = arith.constant 104 : i32
        %mul3A_46 = arith.muli %add3A_42, %mul3A_45 : i32
        %dma_start3A = arith.constant 0 : i32
        %dma_start3A_47 = tpu.memref_slice %arg7[%mul3A_46, %dma_start3A] : memref<832x32xf32, #tpu.memory_space<vmem>> -> memref<104x32xf32, #tpu.memory_space<vmem>>
        %dma_start3A_48 = tpu.memref_slice %arg6[%mul3A_44] : memref<848xi32, #tpu.memory_space<vmem>> -> memref<104xi32, #tpu.memory_space<vmem>>
        %dma_start3A_49 = arith.constant 0 : i32
        %dma_start3A_50 = arith.constant 0 : i32
        %dma_start3A_51 = tpu.memref_slice %arg3[%dma_start3A_49, %dma_start3A_50] : memref<1304576x32xf32, #tpu.memory_space<hbm>> -> memref<1304576x32xf32, #tpu.memory_space<hbm>>
        tpu.enqueue_indirect_dma source(%dma_start3A_51 : memref<1304576x32xf32, #tpu.memory_space<hbm>>) target(%dma_start3A_47 : memref<104x32xf32, #tpu.memory_space<vmem>>) offsets(%dma_start3A_48 : memref<104xi32, #tpu.memory_space<vmem>>) semaphore(%arg9 : memref<!tpu.dma_semaphore, #tpu.memory_space<semaphore_mem>>)
      }
      %scan3A_27 = arith.constant 8 : i32
      %dma_wait3A = arith.constant 0 : i32
      %dma_wait3A_28 = arith.constant 0 : i32
      %dma_wait3A_29 = tpu.memref_slice %arg3[%dma_wait3A, %dma_wait3A_28] : memref<1304576x32xf32, #tpu.memory_space<hbm>> -> memref<832x32xf32, #tpu.memory_space<hbm>>
      %dma_wait3A_30 = arith.constant 0 : i32
      %dma_wait3A_31 = arith.constant 0 : i32
      %dma_wait3A_32 = tpu.memref_slice %arg3[%dma_wait3A_30, %dma_wait3A_31] : memref<1304576x32xf32, #tpu.memory_space<hbm>> -> memref<832x32xf32, #tpu.memory_space<hbm>>
      tpu.wait_dma2 semaphore(%arg9 : memref<!tpu.dma_semaphore, #tpu.memory_space<semaphore_mem>>) src(%dma_wait3A_32 : memref<832x32xf32, #tpu.memory_space<hbm>>) dst(%arg7 : memref<832x32xf32, #tpu.memory_space<vmem>>)
      %scan3A_33 = arith.constant 0 : i32
      %scan3A_34 = arith.constant 64 : i32
      %scan3A_35 = arith.addi %scan3A_33, %scan3A_34 : i32
      %scan3A_36 = arith.constant 1 : i32
      scf.for %scan3A_38 = %scan3A_33 to %scan3A_35 step %scan3A_36  : i32 {
        %mul3A_39 = arith.constant 1 : i32
        %mul3A_40 = arith.muli %scan3A_38, %mul3A_39 : i32
        %add3A_41 = arith.constant 0 : i32
        %add3A_42 = arith.addi %add3A_41, %mul3A_40 : i32
        %mul3A_43 = arith.constant 13 : i32
        %mul3A_44 = arith.muli %add3A_42, %mul3A_43 : i32
        %add3A_45 = arith.constant 0 : i32
        %add3A_46 = arith.addi %mul3A_44, %add3A_45 : i32
        %get3A = arith.index_cast %add3A_46 : i32 to index
        %get3A_47 = arith.constant 0 : index
        %get3A_48 = tpu.vector_load %arg7[%get3A, %get3A_47] {strides = array<i32>} : memref<832x32xf32, #tpu.memory_space<vmem>>, vector<16xf32>,
        %swap3A = arith.index_cast %add3A_42 : i32 to index
        %swap3A_49 = arith.constant 0 : index
        %swap3A_50 = tpu.vector_load %arg8[%swap3A, %swap3A_49] {strides = array<i32>} : memref<64x416xf32, #tpu.memory_space<vmem>>, vector<16xf32>,
        tpu.vector_store %arg8[%swap3A, %swap3A_49], %get3A_48 {strides = array<i32>} : memref<64x416xf32, #tpu.memory_space<vmem>>, vector<16xf32>,
        %get3A_51 = arith.index_cast %add3A_46 : i32 to index
        %get3A_52 = arith.constant 16 : index
        %get3A_53 = tpu.vector_load %arg7[%get3A_51, %get3A_52] {strides = array<i32>} : memref<832x32xf32, #tpu.memory_space<vmem>>, vector<16xf32>,
        %swap3A_54 = arith.index_cast %add3A_42 : i32 to index
        %swap3A_55 = arith.constant 16 : index
        %swap3A_56 = tpu.vector_load %arg8[%swap3A_54, %swap3A_55] {strides = array<i32>} : memref<64x416xf32, #tpu.memory_space<vmem>>, vector<16xf32>,
        tpu.vector_store %arg8[%swap3A_54, %swap3A_55], %get3A_53 {strides = array<i32>} : memref<64x416xf32, #tpu.memory_space<vmem>>, vector<16xf32>,
        %mul3A_57 = arith.constant 13 : i32
        %mul3A_58 = arith.muli %add3A_42, %mul3A_57 : i32
        %add3A_59 = arith.constant 1 : i32
        %add3A_60 = arith.addi %mul3A_58, %add3A_59 : i32
        %get3A_61 = arith.index_cast %add3A_60 : i32 to index
        %get3A_62 = arith.constant 0 : index
        %get3A_63 = tpu.vector_load %arg7[%get3A_61, %get3A_62] {strides = array<i32>} : memref<832x32xf32, #tpu.memory_space<vmem>>, vector<16xf32>,
        %swap3A_64 = arith.index_cast %add3A_42 : i32 to index
        %swap3A_65 = arith.constant 32 : index
        %swap3A_66 = tpu.vector_load %arg8[%swap3A_64, %swap3A_65] {strides = array<i32>} : memref<64x416xf32, #tpu.memory_space<vmem>>, vector<16xf32>,
        tpu.vector_store %arg8[%swap3A_64, %swap3A_65], %get3A_63 {strides = array<i32>} : memref<64x416xf32, #tpu.memory_space<vmem>>, vector<16xf32>,
        %get3A_67 = arith.index_cast %add3A_60 : i32 to index
        %get3A_68 = arith.constant 16 : index
        %get3A_69 = tpu.vector_load %arg7[%get3A_67, %get3A_68] {strides = array<i32>} : memref<832x32xf32, #tpu.memory_space<vmem>>, vector<16xf32>,
        %swap3A_70 = arith.index_cast %add3A_42 : i32 to index
        %swap3A_71 = arith.constant 48 : index
        %swap3A_72 = tpu.vector_load %arg8[%swap3A_70, %swap3A_71] {strides = array<i32>} : memref<64x416xf32, #tpu.memory_space<vmem>>, vector<16xf32>,
        tpu.vector_store %arg8[%swap3A_70, %swap3A_71], %get3A_69 {strides = array<i32>} : memref<64x416xf32, #tpu.memory_space<vmem>>, vector<16xf32>,
        %mul3A_73 = arith.constant 13 : i32
        %mul3A_74 = arith.muli %add3A_42, %mul3A_73 : i32
        %add3A_75 = arith.constant 2 : i32
        %add3A_76 = arith.addi %mul3A_74, %add3A_75 : i32
        %get3A_77 = arith.index_cast %add3A_76 : i32 to index
        %get3A_78 = arith.constant 0 : index
        %get3A_79 = tpu.vector_load %arg7[%get3A_77, %get3A_78] {strides = array<i32>} : memref<832x32xf32, #tpu.memory_space<vmem>>, vector<16xf32>,
        %swap3A_80 = arith.index_cast %add3A_42 : i32 to index
        %swap3A_81 = arith.constant 64 : index
        %swap3A_82 = tpu.vector_load %arg8[%swap3A_80, %swap3A_81] {strides = array<i32>} : memref<64x416xf32, #tpu.memory_space<vmem>>, vector<16xf32>,
        tpu.vector_store %arg8[%swap3A_80, %swap3A_81], %get3A_79 {strides = array<i32>} : memref<64x416xf32, #tpu.memory_space<vmem>>, vector<16xf32>,
        %get3A_83 = arith.index_cast %add3A_76 : i32 to index
        %get3A_84 = arith.constant 16 : index
        %get3A_85 = tpu.vector_load %arg7[%get3A_83, %get3A_84] {strides = array<i32>} : memref<832x32xf32, #tpu.memory_space<vmem>>, vector<16xf32>,
        %swap3A_86 = arith.index_cast %add3A_42 : i32 to index
        %swap3A_87 = arith.constant 80 : index
        %swap3A_88 = tpu.vector_load %arg8[%swap3A_86, %swap3A_87] {strides = array<i32>} : memref<64x416xf32, #tpu.memory_space<vmem>>, vector<16xf32>,
        tpu.vector_store %arg8[%swap3A_86, %swap3A_87], %get3A_85 {strides = array<i32>} : memref<64x416xf32, #tpu.memory_space<vmem>>, vector<16xf32>,
        %mul3A_89 = arith.constant 13 : i32
        %mul3A_90 = arith.muli %add3A_42, %mul3A_89 : i32
        %add3A_91 = arith.constant 3 : i32
        %add3A_92 = arith.addi %mul3A_90, %add3A_91 : i32
        %get3A_93 = arith.index_cast %add3A_92 : i32 to index
        %get3A_94 = arith.constant 0 : index
        %get3A_95 = tpu.vector_load %arg7[%get3A_93, %get3A_94] {strides = array<i32>} : memref<832x32xf32, #tpu.memory_space<vmem>>, vector<16xf32>,
        %swap3A_96 = arith.index_cast %add3A_42 : i32 to index
        %swap3A_97 = arith.constant 96 : index
        %swap3A_98 = tpu.vector_load %arg8[%swap3A_96, %swap3A_97] {strides = array<i32>} : memref<64x416xf32, #tpu.memory_space<vmem>>, vector<16xf32>,
        tpu.vector_store %arg8[%swap3A_96, %swap3A_97], %get3A_95 {strides = array<i32>} : memref<64x416xf32, #tpu.memory_space<vmem>>, vector<16xf32>,
        %get3A_99 = arith.index_cast %add3A_92 : i32 to index
        %get3A_100 = arith.constant 16 : index
        %get3A_101 = tpu.vector_load %arg7[%get3A_99, %get3A_100] {strides = array<i32>} : memref<832x32xf32, #tpu.memory_space<vmem>>, vector<16xf32>,
        %swap3A_102 = arith.index_cast %add3A_42 : i32 to index
        %swap3A_103 = arith.constant 112 : index
        %swap3A_104 = tpu.vector_load %arg8[%swap3A_102, %swap3A_103] {strides = array<i32>} : memref<64x416xf32, #tpu.memory_space<vmem>>, vector<16xf32>,
        tpu.vector_store %arg8[%swap3A_102, %swap3A_103], %get3A_101 {strides = array<i32>} : memref<64x416xf32, #tpu.memory_space<vmem>>, vector<16xf32>,
        %mul3A_105 = arith.constant 13 : i32
        %mul3A_106 = arith.muli %add3A_42, %mul3A_105 : i32
        %add3A_107 = arith.constant 4 : i32
        %add3A_108 = arith.addi %mul3A_106, %add3A_107 : i32
        %get3A_109 = arith.index_cast %add3A_108 : i32 to index
        %get3A_110 = arith.constant 0 : index
        %get3A_111 = tpu.vector_load %arg7[%get3A_109, %get3A_110] {strides = array<i32>} : memref<832x32xf32, #tpu.memory_space<vmem>>, vector<16xf32>,
        %swap3A_112 = arith.index_cast %add3A_42 : i32 to index
        %swap3A_113 = arith.constant 128 : index
        %swap3A_114 = tpu.vector_load %arg8[%swap3A_112, %swap3A_113] {strides = array<i32>} : memref<64x416xf32, #tpu.memory_space<vmem>>, vector<16xf32>,
        tpu.vector_store %arg8[%swap3A_112, %swap3A_113], %get3A_111 {strides = array<i32>} : memref<64x416xf32, #tpu.memory_space<vmem>>, vector<16xf32>,
        %get3A_115 = arith.index_cast %add3A_108 : i32 to index
        %get3A_116 = arith.constant 16 : index
        %get3A_117 = tpu.vector_load %arg7[%get3A_115, %get3A_116] {strides = array<i32>} : memref<832x32xf32, #tpu.memory_space<vmem>>, vector<16xf32>,
        %swap3A_118 = arith.index_cast %add3A_42 : i32 to index
        %swap3A_119 = arith.constant 144 : index
        %swap3A_120 = tpu.vector_load %arg8[%swap3A_118, %swap3A_119] {strides = array<i32>} : memref<64x416xf32, #tpu.memory_space<vmem>>, vector<16xf32>,
        tpu.vector_store %arg8[%swap3A_118, %swap3A_119], %get3A_117 {strides = array<i32>} : memref<64x416xf32, #tpu.memory_space<vmem>>, vector<16xf32>,
        %mul3A_121 = arith.constant 13 : i32
        %mul3A_122 = arith.muli %add3A_42, %mul3A_121 : i32
        %add3A_123 = arith.constant 5 : i32
        %add3A_124 = arith.addi %mul3A_122, %add3A_123 : i32
        %get3A_125 = arith.index_cast %add3A_124 : i32 to index
        %get3A_126 = arith.constant 0 : index
        %get3A_127 = tpu.vector_load %arg7[%get3A_125, %get3A_126] {strides = array<i32>} : memref<832x32xf32, #tpu.memory_space<vmem>>, vector<16xf32>,
        %swap3A_128 = arith.index_cast %add3A_42 : i32 to index
        %swap3A_129 = arith.constant 160 : index
        %swap3A_130 = tpu.vector_load %arg8[%swap3A_128, %swap3A_129] {strides = array<i32>} : memref<64x416xf32, #tpu.memory_space<vmem>>, vector<16xf32>,
        tpu.vector_store %arg8[%swap3A_128, %swap3A_129], %get3A_127 {strides = array<i32>} : memref<64x416xf32, #tpu.memory_space<vmem>>, vector<16xf32>,
        %get3A_131 = arith.index_cast %add3A_124 : i32 to index
        %get3A_132 = arith.constant 16 : index
        %get3A_133 = tpu.vector_load %arg7[%get3A_131, %get3A_132] {strides = array<i32>} : memref<832x32xf32, #tpu.memory_space<vmem>>, vector<16xf32>,
        %swap3A_134 = arith.index_cast %add3A_42 : i32 to index
        %swap3A_135 = arith.constant 176 : index
        %swap3A_136 = tpu.vector_load %arg8[%swap3A_134, %swap3A_135] {strides = array<i32>} : memref<64x416xf32, #tpu.memory_space<vmem>>, vector<16xf32>,
        tpu.vector_store %arg8[%swap3A_134, %swap3A_135], %get3A_133 {strides = array<i32>} : memref<64x416xf32, #tpu.memory_space<vmem>>, vector<16xf32>,
        %mul3A_137 = arith.constant 13 : i32
        %mul3A_138 = arith.muli %add3A_42, %mul3A_137 : i32
        %add3A_139 = arith.constant 6 : i32
        %add3A_140 = arith.addi %mul3A_138, %add3A_139 : i32
        %get3A_141 = arith.index_cast %add3A_140 : i32 to index
        %get3A_142 = arith.constant 0 : index
        %get3A_143 = tpu.vector_load %arg7[%get3A_141, %get3A_142] {strides = array<i32>} : memref<832x32xf32, #tpu.memory_space<vmem>>, vector<16xf32>,
        %swap3A_144 = arith.index_cast %add3A_42 : i32 to index
        %swap3A_145 = arith.constant 192 : index
        %swap3A_146 = tpu.vector_load %arg8[%swap3A_144, %swap3A_145] {strides = array<i32>} : memref<64x416xf32, #tpu.memory_space<vmem>>, vector<16xf32>,
        tpu.vector_store %arg8[%swap3A_144, %swap3A_145], %get3A_143 {strides = array<i32>} : memref<64x416xf32, #tpu.memory_space<vmem>>, vector<16xf32>,
        %get3A_147 = arith.index_cast %add3A_140 : i32 to index
        %get3A_148 = arith.constant 16 : index
        %get3A_149 = tpu.vector_load %arg7[%get3A_147, %get3A_148] {strides = array<i32>} : memref<832x32xf32, #tpu.memory_space<vmem>>, vector<16xf32>,
        %swap3A_150 = arith.index_cast %add3A_42 : i32 to index
        %swap3A_151 = arith.constant 208 : index
        %swap3A_152 = tpu.vector_load %arg8[%swap3A_150, %swap3A_151] {strides = array<i32>} : memref<64x416xf32, #tpu.memory_space<vmem>>, vector<16xf32>,
        tpu.vector_store %arg8[%swap3A_150, %swap3A_151], %get3A_149 {strides = array<i32>} : memref<64x416xf32, #tpu.memory_space<vmem>>, vector<16xf32>,
        %mul3A_153 = arith.constant 13 : i32
        %mul3A_154 = arith.muli %add3A_42, %mul3A_153 : i32
        %add3A_155 = arith.constant 7 : i32
        %add3A_156 = arith.addi %mul3A_154, %add3A_155 : i32
        %get3A_157 = arith.index_cast %add3A_156 : i32 to index
        %get3A_158 = arith.constant 0 : index
        %get3A_159 = tpu.vector_load %arg7[%get3A_157, %get3A_158] {strides = array<i32>} : memref<832x32xf32, #tpu.memory_space<vmem>>, vector<16xf32>,
        %swap3A_160 = arith.index_cast %add3A_42 : i32 to index
        %swap3A_161 = arith.constant 224 : index
        %swap3A_162 = tpu.vector_load %arg8[%swap3A_160, %swap3A_161] {strides = array<i32>} : memref<64x416xf32, #tpu.memory_space<vmem>>, vector<16xf32>,
        tpu.vector_store %arg8[%swap3A_160, %swap3A_161], %get3A_159 {strides = array<i32>} : memref<64x416xf32, #tpu.memory_space<vmem>>, vector<16xf32>,
        %get3A_163 = arith.index_cast %add3A_156 : i32 to index
        %get3A_164 = arith.constant 16 : index
        %get3A_165 = tpu.vector_load %arg7[%get3A_163, %get3A_164] {strides = array<i32>} : memref<832x32xf32, #tpu.memory_space<vmem>>, vector<16xf32>,
        %swap3A_166 = arith.index_cast %add3A_42 : i32 to index
        %swap3A_167 = arith.constant 240 : index
        %swap3A_168 = tpu.vector_load %arg8[%swap3A_166, %swap3A_167] {strides = array<i32>} : memref<64x416xf32, #tpu.memory_space<vmem>>, vector<16xf32>,
        tpu.vector_store %arg8[%swap3A_166, %swap3A_167], %get3A_165 {strides = array<i32>} : memref<64x416xf32, #tpu.memory_space<vmem>>, vector<16xf32>,
        %mul3A_169 = arith.constant 13 : i32
        %mul3A_170 = arith.muli %add3A_42, %mul3A_169 : i32
        %add3A_171 = arith.constant 8 : i32
        %add3A_172 = arith.addi %mul3A_170, %add3A_171 : i32
        %get3A_173 = arith.index_cast %add3A_172 : i32 to index
        %get3A_174 = arith.constant 0 : index
        %get3A_175 = tpu.vector_load %arg7[%get3A_173, %get3A_174] {strides = array<i32>} : memref<832x32xf32, #tpu.memory_space<vmem>>, vector<16xf32>,
        %swap3A_176 = arith.index_cast %add3A_42 : i32 to index
        %swap3A_177 = arith.constant 256 : index
        %swap3A_178 = tpu.vector_load %arg8[%swap3A_176, %swap3A_177] {strides = array<i32>} : memref<64x416xf32, #tpu.memory_space<vmem>>, vector<16xf32>,
        tpu.vector_store %arg8[%swap3A_176, %swap3A_177], %get3A_175 {strides = array<i32>} : memref<64x416xf32, #tpu.memory_space<vmem>>, vector<16xf32>,
        %get3A_179 = arith.index_cast %add3A_172 : i32 to index
        %get3A_180 = arith.constant 16 : index
        %get3A_181 = tpu.vector_load %arg7[%get3A_179, %get3A_180] {strides = array<i32>} : memref<832x32xf32, #tpu.memory_space<vmem>>, vector<16xf32>,
        %swap3A_182 = arith.index_cast %add3A_42 : i32 to index
        %swap3A_183 = arith.constant 272 : index
        %swap3A_184 = tpu.vector_load %arg8[%swap3A_182, %swap3A_183] {strides = array<i32>} : memref<64x416xf32, #tpu.memory_space<vmem>>, vector<16xf32>,
        tpu.vector_store %arg8[%swap3A_182, %swap3A_183], %get3A_181 {strides = array<i32>} : memref<64x416xf32, #tpu.memory_space<vmem>>, vector<16xf32>,
        %mul3A_185 = arith.constant 13 : i32
        %mul3A_186 = arith.muli %add3A_42, %mul3A_185 : i32
        %add3A_187 = arith.constant 9 : i32
        %add3A_188 = arith.addi %mul3A_186, %add3A_187 : i32
        %get3A_189 = arith.index_cast %add3A_188 : i32 to index
        %get3A_190 = arith.constant 0 : index
        %get3A_191 = tpu.vector_load %arg7[%get3A_189, %get3A_190] {strides = array<i32>} : memref<832x32xf32, #tpu.memory_space<vmem>>, vector<16xf32>,
        %swap3A_192 = arith.index_cast %add3A_42 : i32 to index
        %swap3A_193 = arith.constant 288 : index
        %swap3A_194 = tpu.vector_load %arg8[%swap3A_192, %swap3A_193] {strides = array<i32>} : memref<64x416xf32, #tpu.memory_space<vmem>>, vector<16xf32>,
        tpu.vector_store %arg8[%swap3A_192, %swap3A_193], %get3A_191 {strides = array<i32>} : memref<64x416xf32, #tpu.memory_space<vmem>>, vector<16xf32>,
        %get3A_195 = arith.index_cast %add3A_188 : i32 to index
        %get3A_196 = arith.constant 16 : index
        %get3A_197 = tpu.vector_load %arg7[%get3A_195, %get3A_196] {strides = array<i32>} : memref<832x32xf32, #tpu.memory_space<vmem>>, vector<16xf32>,
        %swap3A_198 = arith.index_cast %add3A_42 : i32 to index
        %swap3A_199 = arith.constant 304 : index
        %swap3A_200 = tpu.vector_load %arg8[%swap3A_198, %swap3A_199] {strides = array<i32>} : memref<64x416xf32, #tpu.memory_space<vmem>>, vector<16xf32>,
        tpu.vector_store %arg8[%swap3A_198, %swap3A_199], %get3A_197 {strides = array<i32>} : memref<64x416xf32, #tpu.memory_space<vmem>>, vector<16xf32>,
        %mul3A_201 = arith.constant 13 : i32
        %mul3A_202 = arith.muli %add3A_42, %mul3A_201 : i32
        %add3A_203 = arith.constant 10 : i32
        %add3A_204 = arith.addi %mul3A_202, %add3A_203 : i32
        %get3A_205 = arith.index_cast %add3A_204 : i32 to index
        %get3A_206 = arith.constant 0 : index
        %get3A_207 = tpu.vector_load %arg7[%get3A_205, %get3A_206] {strides = array<i32>} : memref<832x32xf32, #tpu.memory_space<vmem>>, vector<16xf32>,
        %swap3A_208 = arith.index_cast %add3A_42 : i32 to index
        %swap3A_209 = arith.constant 320 : index
        %swap3A_210 = tpu.vector_load %arg8[%swap3A_208, %swap3A_209] {strides = array<i32>} : memref<64x416xf32, #tpu.memory_space<vmem>>, vector<16xf32>,
        tpu.vector_store %arg8[%swap3A_208, %swap3A_209], %get3A_207 {strides = array<i32>} : memref<64x416xf32, #tpu.memory_space<vmem>>, vector<16xf32>,
        %get3A_211 = arith.index_cast %add3A_204 : i32 to index
        %get3A_212 = arith.constant 16 : index
        %get3A_213 = tpu.vector_load %arg7[%get3A_211, %get3A_212] {strides = array<i32>} : memref<832x32xf32, #tpu.memory_space<vmem>>, vector<16xf32>,
        %swap3A_214 = arith.index_cast %add3A_42 : i32 to index
        %swap3A_215 = arith.constant 336 : index
        %swap3A_216 = tpu.vector_load %arg8[%swap3A_214, %swap3A_215] {strides = array<i32>} : memref<64x416xf32, #tpu.memory_space<vmem>>, vector<16xf32>,
        tpu.vector_store %arg8[%swap3A_214, %swap3A_215], %get3A_213 {strides = array<i32>} : memref<64x416xf32, #tpu.memory_space<vmem>>, vector<16xf32>,
        %mul3A_217 = arith.constant 13 : i32
        %mul3A_218 = arith.muli %add3A_42, %mul3A_217 : i32
        %add3A_219 = arith.constant 11 : i32
        %add3A_220 = arith.addi %mul3A_218, %add3A_219 : i32
        %get3A_221 = arith.index_cast %add3A_220 : i32 to index
        %get3A_222 = arith.constant 0 : index
        %get3A_223 = tpu.vector_load %arg7[%get3A_221, %get3A_222] {strides = array<i32>} : memref<832x32xf32, #tpu.memory_space<vmem>>, vector<16xf32>,
        %swap3A_224 = arith.index_cast %add3A_42 : i32 to index
        %swap3A_225 = arith.constant 352 : index
        %swap3A_226 = tpu.vector_load %arg8[%swap3A_224, %swap3A_225] {strides = array<i32>} : memref<64x416xf32, #tpu.memory_space<vmem>>, vector<16xf32>,
        tpu.vector_store %arg8[%swap3A_224, %swap3A_225], %get3A_223 {strides = array<i32>} : memref<64x416xf32, #tpu.memory_space<vmem>>, vector<16xf32>,
        %get3A_227 = arith.index_cast %add3A_220 : i32 to index
        %get3A_228 = arith.constant 16 : index
        %get3A_229 = tpu.vector_load %arg7[%get3A_227, %get3A_228] {strides = array<i32>} : memref<832x32xf32, #tpu.memory_space<vmem>>, vector<16xf32>,
        %swap3A_230 = arith.index_cast %add3A_42 : i32 to index
        %swap3A_231 = arith.constant 368 : index
        %swap3A_232 = tpu.vector_load %arg8[%swap3A_230, %swap3A_231] {strides = array<i32>} : memref<64x416xf32, #tpu.memory_space<vmem>>, vector<16xf32>,
        tpu.vector_store %arg8[%swap3A_230, %swap3A_231], %get3A_229 {strides = array<i32>} : memref<64x416xf32, #tpu.memory_space<vmem>>, vector<16xf32>,
        %mul3A_233 = arith.constant 13 : i32
        %mul3A_234 = arith.muli %add3A_42, %mul3A_233 : i32
        %add3A_235 = arith.constant 12 : i32
        %add3A_236 = arith.addi %mul3A_234, %add3A_235 : i32
        %get3A_237 = arith.index_cast %add3A_236 : i32 to index
        %get3A_238 = arith.constant 0 : index
        %get3A_239 = tpu.vector_load %arg7[%get3A_237, %get3A_238] {strides = array<i32>} : memref<832x32xf32, #tpu.memory_space<vmem>>, vector<16xf32>,
        %swap3A_240 = arith.index_cast %add3A_42 : i32 to index
        %swap3A_241 = arith.constant 384 : index
        %swap3A_242 = tpu.vector_load %arg8[%swap3A_240, %swap3A_241] {strides = array<i32>} : memref<64x416xf32, #tpu.memory_space<vmem>>, vector<16xf32>,
        tpu.vector_store %arg8[%swap3A_240, %swap3A_241], %get3A_239 {strides = array<i32>} : memref<64x416xf32, #tpu.memory_space<vmem>>, vector<16xf32>,
        %get3A_243 = arith.index_cast %add3A_236 : i32 to index
        %get3A_244 = arith.constant 16 : index
        %get3A_245 = tpu.vector_load %arg7[%get3A_243, %get3A_244] {strides = array<i32>} : memref<832x32xf32, #tpu.memory_space<vmem>>, vector<16xf32>,
        %swap3A_246 = arith.index_cast %add3A_42 : i32 to index
        %swap3A_247 = arith.constant 400 : index
        %swap3A_248 = tpu.vector_load %arg8[%swap3A_246, %swap3A_247] {strides = array<i32>} : memref<64x416xf32, #tpu.memory_space<vmem>>, vector<16xf32>,
        tpu.vector_store %arg8[%swap3A_246, %swap3A_247], %get3A_245 {strides = array<i32>} : memref<64x416xf32, #tpu.memory_space<vmem>>, vector<16xf32>,
      }
      %scan3A_37 = arith.constant 64 : i32
      "tpu.region"() ({
        %run_scoped3A = tpu.sem_alloc : memref<!tpu.dma_semaphore, #tpu.memory_space<semaphore_mem>>
        %dma_start3A = arith.constant 0 : i32
        %dma_start3A_38 = tpu.memref_slice %arg4[%add3A_17, %dma_start3A] : memref<16384x416xf32, #tpu.memory_space<hbm>> -> memref<64x416xf32, #tpu.memory_space<hbm>>
        %dma_start3A_39 = arith.constant 0 : i32
        %dma_start3A_40 = tpu.memref_slice %arg4[%add3A_17, %dma_start3A_39] : memref<16384x416xf32, #tpu.memory_space<hbm>> -> memref<64x416xf32, #tpu.memory_space<hbm>>
        tpu.enqueue_dma source(%arg8 : memref<64x416xf32, #tpu.memory_space<vmem>>) target(%dma_start3A_40 : memref<64x416xf32, #tpu.memory_space<hbm>>) target_semaphore(%run_scoped3A : memref<!tpu.dma_semaphore, #tpu.memory_space<semaphore_mem>>)
        %dma_wait3A_41 = arith.constant 0 : i32
        %dma_wait3A_42 = tpu.memref_slice %arg4[%add3A_17, %dma_wait3A_41] : memref<16384x416xf32, #tpu.memory_space<hbm>> -> memref<64x416xf32, #tpu.memory_space<hbm>>
        %dma_wait3A_43 = arith.constant 0 : i32
        %dma_wait3A_44 = tpu.memref_slice %arg4[%add3A_17, %dma_wait3A_43] : memref<16384x416xf32, #tpu.memory_space<hbm>> -> memref<64x416xf32, #tpu.memory_space<hbm>>
        tpu.wait_dma2 semaphore(%run_scoped3A : memref<!tpu.dma_semaphore, #tpu.memory_space<semaphore_mem>>) src(%arg8 : memref<64x416xf32, #tpu.memory_space<vmem>>) dst(%dma_wait3A_44 : memref<64x416xf32, #tpu.memory_space<hbm>>)
        tpu.yield
      }) : () -> ()
    }
    %scan3A_7 = arith.constant 8 : i32
    return
  }
}

module attributes {stable_mosaic.version = 14 : i64} {
  func.func @_transpose_body(%arg0: i32, %arg1: i32, %arg2: memref<26x32x100000xf32, #tpu.memory_space<hbm>>, %arg3: memref<26x32x32xf32, #tpu.memory_space<vmem>>, %arg4: memref<3584x128xf32, #tpu.memory_space<vmem>>, %arg5: memref<2x128x3584xf32, #tpu.memory_space<vmem>>, %arg6: memref<2x4x!tpu.dma_semaphore, #tpu.memory_space<semaphore_mem>>) attributes {dimension_semantics = [#tpu.dimension_semantics<arbitrary>, #tpu.dimension_semantics<arbitrary>], iteration_bounds = array<i64: 13, 7>, scalar_prefetch = 0 : i64, scratch_operands = 2 : i64, tpu.core_type = #tpu.core_type<tc>, window_params = [{}, {pipeline_mode = #tpu.pipeline_mode<synchronous>, transform_indices = @transform_1, window_bounds = array<i64: 26, 32, 32>}, {transform_indices = @transform_2, window_bounds = array<i64: 3584, 128>}]} {
    %mul3A = arith.constant 7 : i32
    %mul3A_0 = arith.muli %arg0, %mul3A : i32
    %add3A = arith.addi %mul3A_0, %arg1 : i32
    %rem3A = arith.constant 2 : i32
    %rem3A_1 = arith.remsi %add3A, %rem3A : i32
    %add3A_2 = arith.constant 1 : i32
    %add3A_3 = arith.addi %add3A, %add3A_2 : i32
    %rem3A_4 = arith.constant 2 : i32
    %rem3A_5 = arith.remsi %add3A_3, %rem3A_4 : i32
    %eq3A = arith.constant 0 : i32
    %eq3A_6 = arith.cmpi eq, %add3A, %eq3A : i32
    %convert_element_type3A = arith.extui %eq3A_6 : i1 to i32
    %cond3A = arith.constant 0 : i32
    %cond3A_7 = arith.cmpi ne, %convert_element_type3A, %cond3A : i32
    scf.if %cond3A_7 {
      %lt3A_38 = arith.constant 6 : i32
      %lt3A_39 = arith.cmpi slt, %arg1, %lt3A_38 : i32
      %convert_element_type3A_40 = arith.extui %lt3A_39 : i1 to i32
      %cond3A_41 = arith.constant 0 : i32
      %cond3A_42 = arith.cmpi ne, %convert_element_type3A_40, %cond3A_41 : i32
      scf.if %cond3A_42 {
        %add3A_48 = arith.constant 13 : i32
        %add3A_49 = arith.addi %arg0, %add3A_48 : i32
        %mul3A_50 = arith.constant 3584 : i32
        %mul3A_51 = arith.muli %arg1, %mul3A_50 : i32
        %add3A_52 = arith.constant 0 : i32
        %add3A_53 = arith.addi %add3A_52, %mul3A_51 : i32
        %add3A_54 = arith.constant 13 : i32
        %add3A_55 = arith.addi %arg0, %add3A_54 : i32
        %mul3A_56 = arith.constant 3584 : i32
        %mul3A_57 = arith.muli %arg1, %mul3A_56 : i32
        %add3A_58 = arith.constant 25088 : i32
        %add3A_59 = arith.addi %add3A_58, %mul3A_57 : i32
        %add3A_60 = arith.constant 13 : i32
        %add3A_61 = arith.addi %arg0, %add3A_60 : i32
        %mul3A_62 = arith.constant 3584 : i32
        %mul3A_63 = arith.muli %arg1, %mul3A_62 : i32
        %add3A_64 = arith.constant 50176 : i32
        %add3A_65 = arith.addi %add3A_64, %mul3A_63 : i32
        %add3A_66 = arith.constant 13 : i32
        %add3A_67 = arith.addi %arg0, %add3A_66 : i32
        %mul3A_68 = arith.constant 3584 : i32
        %mul3A_69 = arith.muli %arg1, %mul3A_68 : i32
        %add3A_70 = arith.constant 75264 : i32
        %add3A_71 = arith.addi %add3A_70, %mul3A_69 : i32
        %dma_start3A = arith.constant 0 : i32
        %dma_start3A_72 = tpu.memref_slice %arg6[%rem3A_1, %dma_start3A] : memref<2x4x!tpu.dma_semaphore, #tpu.memory_space<semaphore_mem>> -> memref<1x1x!tpu.dma_semaphore, #tpu.memory_space<semaphore_mem>>
        %dma_start3A_73 = tpu.memref_squeeze %dma_start3A_72 : memref<1x1x!tpu.dma_semaphore, #tpu.memory_space<semaphore_mem>> -> memref<!tpu.dma_semaphore, #tpu.memory_space<semaphore_mem>>
        %dma_start3A_74 = arith.constant 0 : i32
        %dma_start3A_75 = arith.constant 0 : i32
        %dma_start3A_76 = tpu.memref_slice %arg5[%rem3A_1, %dma_start3A_74, %dma_start3A_75] : memref<2x128x3584xf32, #tpu.memory_space<vmem>> -> memref<1x32x3584xf32, #tpu.memory_space<vmem>>
        %dma_start3A_77 = tpu.memref_squeeze %dma_start3A_76 : memref<1x32x3584xf32, #tpu.memory_space<vmem>> -> memref<32x3584xf32, #tpu.memory_space<vmem>>
        %dma_start3A_78 = arith.constant 0 : i32
        %dma_start3A_79 = tpu.memref_slice %arg2[%add3A_49, %dma_start3A_78, %add3A_53] : memref<26x32x100000xf32, #tpu.memory_space<hbm>> -> memref<1x32x3584xf32, #tpu.memory_space<hbm>>
        %dma_start3A_80 = tpu.memref_squeeze %dma_start3A_79 : memref<1x32x3584xf32, #tpu.memory_space<hbm>> -> memref<32x3584xf32, #tpu.memory_space<hbm>>
        tpu.enqueue_dma source(%dma_start3A_80 : memref<32x3584xf32, #tpu.memory_space<hbm>>) target(%dma_start3A_77 : memref<32x3584xf32, #tpu.memory_space<vmem>>) target_semaphore(%dma_start3A_73 : memref<!tpu.dma_semaphore, #tpu.memory_space<semaphore_mem>>)
        %dma_start3A_81 = arith.constant 1 : i32
        %dma_start3A_82 = tpu.memref_slice %arg6[%rem3A_1, %dma_start3A_81] : memref<2x4x!tpu.dma_semaphore, #tpu.memory_space<semaphore_mem>> -> memref<1x1x!tpu.dma_semaphore, #tpu.memory_space<semaphore_mem>>
        %dma_start3A_83 = tpu.memref_squeeze %dma_start3A_82 : memref<1x1x!tpu.dma_semaphore, #tpu.memory_space<semaphore_mem>> -> memref<!tpu.dma_semaphore, #tpu.memory_space<semaphore_mem>>
        %dma_start3A_84 = arith.constant 32 : i32
        %dma_start3A_85 = arith.constant 0 : i32
        %dma_start3A_86 = tpu.memref_slice %arg5[%rem3A_1, %dma_start3A_84, %dma_start3A_85] : memref<2x128x3584xf32, #tpu.memory_space<vmem>> -> memref<1x32x3584xf32, #tpu.memory_space<vmem>>
        %dma_start3A_87 = tpu.memref_squeeze %dma_start3A_86 : memref<1x32x3584xf32, #tpu.memory_space<vmem>> -> memref<32x3584xf32, #tpu.memory_space<vmem>>
        %dma_start3A_88 = arith.constant 0 : i32
        %dma_start3A_89 = tpu.memref_slice %arg2[%add3A_55, %dma_start3A_88, %add3A_59] : memref<26x32x100000xf32, #tpu.memory_space<hbm>> -> memref<1x32x3584xf32, #tpu.memory_space<hbm>>
        %dma_start3A_90 = tpu.memref_squeeze %dma_start3A_89 : memref<1x32x3584xf32, #tpu.memory_space<hbm>> -> memref<32x3584xf32, #tpu.memory_space<hbm>>
        tpu.enqueue_dma source(%dma_start3A_90 : memref<32x3584xf32, #tpu.memory_space<hbm>>) target(%dma_start3A_87 : memref<32x3584xf32, #tpu.memory_space<vmem>>) target_semaphore(%dma_start3A_83 : memref<!tpu.dma_semaphore, #tpu.memory_space<semaphore_mem>>)
        %dma_start3A_91 = arith.constant 2 : i32
        %dma_start3A_92 = tpu.memref_slice %arg6[%rem3A_1, %dma_start3A_91] : memref<2x4x!tpu.dma_semaphore, #tpu.memory_space<semaphore_mem>> -> memref<1x1x!tpu.dma_semaphore, #tpu.memory_space<semaphore_mem>>
        %dma_start3A_93 = tpu.memref_squeeze %dma_start3A_92 : memref<1x1x!tpu.dma_semaphore, #tpu.memory_space<semaphore_mem>> -> memref<!tpu.dma_semaphore, #tpu.memory_space<semaphore_mem>>
        %dma_start3A_94 = arith.constant 64 : i32
        %dma_start3A_95 = arith.constant 0 : i32
        %dma_start3A_96 = tpu.memref_slice %arg5[%rem3A_1, %dma_start3A_94, %dma_start3A_95] : memref<2x128x3584xf32, #tpu.memory_space<vmem>> -> memref<1x32x3584xf32, #tpu.memory_space<vmem>>
        %dma_start3A_97 = tpu.memref_squeeze %dma_start3A_96 : memref<1x32x3584xf32, #tpu.memory_space<vmem>> -> memref<32x3584xf32, #tpu.memory_space<vmem>>
        %dma_start3A_98 = arith.constant 0 : i32
        %dma_start3A_99 = tpu.memref_slice %arg2[%add3A_61, %dma_start3A_98, %add3A_65] : memref<26x32x100000xf32, #tpu.memory_space<hbm>> -> memref<1x32x3584xf32, #tpu.memory_space<hbm>>
        %dma_start3A_100 = tpu.memref_squeeze %dma_start3A_99 : memref<1x32x3584xf32, #tpu.memory_space<hbm>> -> memref<32x3584xf32, #tpu.memory_space<hbm>>
        tpu.enqueue_dma source(%dma_start3A_100 : memref<32x3584xf32, #tpu.memory_space<hbm>>) target(%dma_start3A_97 : memref<32x3584xf32, #tpu.memory_space<vmem>>) target_semaphore(%dma_start3A_93 : memref<!tpu.dma_semaphore, #tpu.memory_space<semaphore_mem>>)
        %dma_start3A_101 = arith.constant 3 : i32
        %dma_start3A_102 = tpu.memref_slice %arg6[%rem3A_1, %dma_start3A_101] : memref<2x4x!tpu.dma_semaphore, #tpu.memory_space<semaphore_mem>> -> memref<1x1x!tpu.dma_semaphore, #tpu.memory_space<semaphore_mem>>
        %dma_start3A_103 = tpu.memref_squeeze %dma_start3A_102 : memref<1x1x!tpu.dma_semaphore, #tpu.memory_space<semaphore_mem>> -> memref<!tpu.dma_semaphore, #tpu.memory_space<semaphore_mem>>
        %dma_start3A_104 = arith.constant 96 : i32
        %dma_start3A_105 = arith.constant 0 : i32
        %dma_start3A_106 = tpu.memref_slice %arg5[%rem3A_1, %dma_start3A_104, %dma_start3A_105] : memref<2x128x3584xf32, #tpu.memory_space<vmem>> -> memref<1x32x3584xf32, #tpu.memory_space<vmem>>
        %dma_start3A_107 = tpu.memref_squeeze %dma_start3A_106 : memref<1x32x3584xf32, #tpu.memory_space<vmem>> -> memref<32x3584xf32, #tpu.memory_space<vmem>>
        %dma_start3A_108 = arith.constant 0 : i32
        %dma_start3A_109 = tpu.memref_slice %arg2[%add3A_67, %dma_start3A_108, %add3A_71] : memref<26x32x100000xf32, #tpu.memory_space<hbm>> -> memref<1x32x3584xf32, #tpu.memory_space<hbm>>
        %dma_start3A_110 = tpu.memref_squeeze %dma_start3A_109 : memref<1x32x3584xf32, #tpu.memory_space<hbm>> -> memref<32x3584xf32, #tpu.memory_space<hbm>>
        tpu.enqueue_dma source(%dma_start3A_110 : memref<32x3584xf32, #tpu.memory_space<hbm>>) target(%dma_start3A_107 : memref<32x3584xf32, #tpu.memory_space<vmem>>) target_semaphore(%dma_start3A_103 : memref<!tpu.dma_semaphore, #tpu.memory_space<semaphore_mem>>)
      } else {
      }
      %eq3A_43 = arith.constant 6 : i32
      %eq3A_44 = arith.cmpi eq, %arg1, %eq3A_43 : i32
      %convert_element_type3A_45 = arith.extui %eq3A_44 : i1 to i32
      %cond3A_46 = arith.constant 0 : i32
      %cond3A_47 = arith.cmpi ne, %convert_element_type3A_45, %cond3A_46 : i32
      scf.if %cond3A_47 {
        %add3A_48 = arith.constant 13 : i32
        %add3A_49 = arith.addi %arg0, %add3A_48 : i32
        %mul3A_50 = arith.constant 3584 : i32
        %mul3A_51 = arith.muli %arg1, %mul3A_50 : i32
        %add3A_52 = arith.constant 0 : i32
        %add3A_53 = arith.addi %add3A_52, %mul3A_51 : i32
        %add3A_54 = arith.constant 13 : i32
        %add3A_55 = arith.addi %arg0, %add3A_54 : i32
        %mul3A_56 = arith.constant 3584 : i32
        %mul3A_57 = arith.muli %arg1, %mul3A_56 : i32
        %add3A_58 = arith.constant 25088 : i32
        %add3A_59 = arith.addi %add3A_58, %mul3A_57 : i32
        %add3A_60 = arith.constant 13 : i32
        %add3A_61 = arith.addi %arg0, %add3A_60 : i32
        %mul3A_62 = arith.constant 3584 : i32
        %mul3A_63 = arith.muli %arg1, %mul3A_62 : i32
        %add3A_64 = arith.constant 50176 : i32
        %add3A_65 = arith.addi %add3A_64, %mul3A_63 : i32
        %add3A_66 = arith.constant 13 : i32
        %add3A_67 = arith.addi %arg0, %add3A_66 : i32
        %mul3A_68 = arith.constant 3584 : i32
        %mul3A_69 = arith.muli %arg1, %mul3A_68 : i32
        %add3A_70 = arith.constant 75264 : i32
        %add3A_71 = arith.addi %add3A_70, %mul3A_69 : i32
        %dma_start3A = arith.constant 0 : i32
        %dma_start3A_72 = tpu.memref_slice %arg6[%rem3A_1, %dma_start3A] : memref<2x4x!tpu.dma_semaphore, #tpu.memory_space<semaphore_mem>> -> memref<1x1x!tpu.dma_semaphore, #tpu.memory_space<semaphore_mem>>
        %dma_start3A_73 = tpu.memref_squeeze %dma_start3A_72 : memref<1x1x!tpu.dma_semaphore, #tpu.memory_space<semaphore_mem>> -> memref<!tpu.dma_semaphore, #tpu.memory_space<semaphore_mem>>
        %dma_start3A_74 = arith.constant 0 : i32
        %dma_start3A_75 = arith.constant 0 : i32
        %dma_start3A_76 = tpu.memref_slice %arg5[%rem3A_1, %dma_start3A_74, %dma_start3A_75] : memref<2x128x3584xf32, #tpu.memory_space<vmem>> -> memref<1x32x3584xf32, #tpu.memory_space<vmem>>
        %dma_start3A_77 = tpu.memref_squeeze %dma_start3A_76 : memref<1x32x3584xf32, #tpu.memory_space<vmem>> -> memref<32x3584xf32, #tpu.memory_space<vmem>>
        %dma_start3A_78 = arith.constant 0 : i32
        %dma_start3A_79 = tpu.memref_slice %arg2[%add3A_49, %dma_start3A_78, %add3A_53] : memref<26x32x100000xf32, #tpu.memory_space<hbm>> -> memref<1x32x3584xf32, #tpu.memory_space<hbm>>
        %dma_start3A_80 = tpu.memref_squeeze %dma_start3A_79 : memref<1x32x3584xf32, #tpu.memory_space<hbm>> -> memref<32x3584xf32, #tpu.memory_space<hbm>>
        tpu.enqueue_dma source(%dma_start3A_80 : memref<32x3584xf32, #tpu.memory_space<hbm>>) target(%dma_start3A_77 : memref<32x3584xf32, #tpu.memory_space<vmem>>) target_semaphore(%dma_start3A_73 : memref<!tpu.dma_semaphore, #tpu.memory_space<semaphore_mem>>)
        %dma_start3A_81 = arith.constant 1 : i32
        %dma_start3A_82 = tpu.memref_slice %arg6[%rem3A_1, %dma_start3A_81] : memref<2x4x!tpu.dma_semaphore, #tpu.memory_space<semaphore_mem>> -> memref<1x1x!tpu.dma_semaphore, #tpu.memory_space<semaphore_mem>>
        %dma_start3A_83 = tpu.memref_squeeze %dma_start3A_82 : memref<1x1x!tpu.dma_semaphore, #tpu.memory_space<semaphore_mem>> -> memref<!tpu.dma_semaphore, #tpu.memory_space<semaphore_mem>>
        %dma_start3A_84 = arith.constant 32 : i32
        %dma_start3A_85 = arith.constant 0 : i32
        %dma_start3A_86 = tpu.memref_slice %arg5[%rem3A_1, %dma_start3A_84, %dma_start3A_85] : memref<2x128x3584xf32, #tpu.memory_space<vmem>> -> memref<1x32x3584xf32, #tpu.memory_space<vmem>>
        %dma_start3A_87 = tpu.memref_squeeze %dma_start3A_86 : memref<1x32x3584xf32, #tpu.memory_space<vmem>> -> memref<32x3584xf32, #tpu.memory_space<vmem>>
        %dma_start3A_88 = arith.constant 0 : i32
        %dma_start3A_89 = tpu.memref_slice %arg2[%add3A_55, %dma_start3A_88, %add3A_59] : memref<26x32x100000xf32, #tpu.memory_space<hbm>> -> memref<1x32x3584xf32, #tpu.memory_space<hbm>>
        %dma_start3A_90 = tpu.memref_squeeze %dma_start3A_89 : memref<1x32x3584xf32, #tpu.memory_space<hbm>> -> memref<32x3584xf32, #tpu.memory_space<hbm>>
        tpu.enqueue_dma source(%dma_start3A_90 : memref<32x3584xf32, #tpu.memory_space<hbm>>) target(%dma_start3A_87 : memref<32x3584xf32, #tpu.memory_space<vmem>>) target_semaphore(%dma_start3A_83 : memref<!tpu.dma_semaphore, #tpu.memory_space<semaphore_mem>>)
        %dma_start3A_91 = arith.constant 2 : i32
        %dma_start3A_92 = tpu.memref_slice %arg6[%rem3A_1, %dma_start3A_91] : memref<2x4x!tpu.dma_semaphore, #tpu.memory_space<semaphore_mem>> -> memref<1x1x!tpu.dma_semaphore, #tpu.memory_space<semaphore_mem>>
        %dma_start3A_93 = tpu.memref_squeeze %dma_start3A_92 : memref<1x1x!tpu.dma_semaphore, #tpu.memory_space<semaphore_mem>> -> memref<!tpu.dma_semaphore, #tpu.memory_space<semaphore_mem>>
        %dma_start3A_94 = arith.constant 64 : i32
        %dma_start3A_95 = arith.constant 0 : i32
        %dma_start3A_96 = tpu.memref_slice %arg5[%rem3A_1, %dma_start3A_94, %dma_start3A_95] : memref<2x128x3584xf32, #tpu.memory_space<vmem>> -> memref<1x32x3584xf32, #tpu.memory_space<vmem>>
        %dma_start3A_97 = tpu.memref_squeeze %dma_start3A_96 : memref<1x32x3584xf32, #tpu.memory_space<vmem>> -> memref<32x3584xf32, #tpu.memory_space<vmem>>
        %dma_start3A_98 = arith.constant 0 : i32
        %dma_start3A_99 = tpu.memref_slice %arg2[%add3A_61, %dma_start3A_98, %add3A_65] : memref<26x32x100000xf32, #tpu.memory_space<hbm>> -> memref<1x32x3584xf32, #tpu.memory_space<hbm>>
        %dma_start3A_100 = tpu.memref_squeeze %dma_start3A_99 : memref<1x32x3584xf32, #tpu.memory_space<hbm>> -> memref<32x3584xf32, #tpu.memory_space<hbm>>
        tpu.enqueue_dma source(%dma_start3A_100 : memref<32x3584xf32, #tpu.memory_space<hbm>>) target(%dma_start3A_97 : memref<32x3584xf32, #tpu.memory_space<vmem>>) target_semaphore(%dma_start3A_93 : memref<!tpu.dma_semaphore, #tpu.memory_space<semaphore_mem>>)
        %dma_start3A_101 = arith.constant 3 : i32
        %dma_start3A_102 = tpu.memref_slice %arg6[%rem3A_1, %dma_start3A_101] : memref<2x4x!tpu.dma_semaphore, #tpu.memory_space<semaphore_mem>> -> memref<1x1x!tpu.dma_semaphore, #tpu.memory_space<semaphore_mem>>
        %dma_start3A_103 = tpu.memref_squeeze %dma_start3A_102 : memref<1x1x!tpu.dma_semaphore, #tpu.memory_space<semaphore_mem>> -> memref<!tpu.dma_semaphore, #tpu.memory_space<semaphore_mem>>
        %dma_start3A_104 = arith.constant 96 : i32
        %dma_start3A_105 = arith.constant 0 : i32
        %dma_start3A_106 = tpu.memref_slice %arg5[%rem3A_1, %dma_start3A_104, %dma_start3A_105] : memref<2x128x3584xf32, #tpu.memory_space<vmem>> -> memref<1x32x3584xf32, #tpu.memory_space<vmem>>
        %dma_start3A_107 = tpu.memref_squeeze %dma_start3A_106 : memref<1x32x3584xf32, #tpu.memory_space<vmem>> -> memref<32x3584xf32, #tpu.memory_space<vmem>>
        %dma_start3A_108 = arith.constant 0 : i32
        %dma_start3A_109 = arith.constant 0 : i32
        %dma_start3A_110 = tpu.memref_slice %dma_start3A_107[%dma_start3A_108, %dma_start3A_109] : memref<32x3584xf32, #tpu.memory_space<vmem>> -> memref<32x3200xf32, #tpu.memory_space<vmem>>
        %dma_start3A_111 = arith.constant 0 : i32
        %dma_start3A_112 = tpu.memref_slice %arg2[%add3A_67, %dma_start3A_111, %add3A_71] : memref<26x32x100000xf32, #tpu.memory_space<hbm>> -> memref<1x32x3200xf32, #tpu.memory_space<hbm>>
        %dma_start3A_113 = tpu.memref_squeeze %dma_start3A_112 : memref<1x32x3200xf32, #tpu.memory_space<hbm>> -> memref<32x3200xf32, #tpu.memory_space<hbm>>
        tpu.enqueue_dma source(%dma_start3A_113 : memref<32x3200xf32, #tpu.memory_space<hbm>>) target(%dma_start3A_110 : memref<32x3200xf32, #tpu.memory_space<vmem>>) target_semaphore(%dma_start3A_103 : memref<!tpu.dma_semaphore, #tpu.memory_space<semaphore_mem>>)
      } else {
      }
    } else {
    }
    %lt3A = arith.constant 90 : i32
    %lt3A_8 = arith.cmpi slt, %add3A, %lt3A : i32
    %convert_element_type3A_9 = arith.extui %lt3A_8 : i1 to i32
    %cond3A_10 = arith.constant 0 : i32
    %cond3A_11 = arith.cmpi ne, %convert_element_type3A_9, %cond3A_10 : i32
    scf.if %cond3A_11 {
      %add3A_38 = arith.constant 1 : i32
      %add3A_39 = arith.addi %add3A, %add3A_38 : i32
      %div3A = arith.constant 7 : i32
      %div3A_40 = arith.divsi %add3A_39, %div3A : i32
      %add3A_41 = arith.constant 1 : i32
      %add3A_42 = arith.addi %add3A, %add3A_41 : i32
      %rem3A_43 = arith.constant 7 : i32
      %rem3A_44 = arith.remsi %add3A_42, %rem3A_43 : i32
      %lt3A_45 = arith.constant 6 : i32
      %lt3A_46 = arith.cmpi slt, %rem3A_44, %lt3A_45 : i32
      %convert_element_type3A_47 = arith.extui %lt3A_46 : i1 to i32
      %cond3A_48 = arith.constant 0 : i32
      %cond3A_49 = arith.cmpi ne, %convert_element_type3A_47, %cond3A_48 : i32
      scf.if %cond3A_49 {
        %add3A_55 = arith.constant 13 : i32
        %add3A_56 = arith.addi %div3A_40, %add3A_55 : i32
        %mul3A_57 = arith.constant 3584 : i32
        %mul3A_58 = arith.muli %rem3A_44, %mul3A_57 : i32
        %add3A_59 = arith.constant 0 : i32
        %add3A_60 = arith.addi %add3A_59, %mul3A_58 : i32
        %add3A_61 = arith.constant 13 : i32
        %add3A_62 = arith.addi %div3A_40, %add3A_61 : i32
        %mul3A_63 = arith.constant 3584 : i32
        %mul3A_64 = arith.muli %rem3A_44, %mul3A_63 : i32
        %add3A_65 = arith.constant 25088 : i32
        %add3A_66 = arith.addi %add3A_65, %mul3A_64 : i32
        %add3A_67 = arith.constant 13 : i32
        %add3A_68 = arith.addi %div3A_40, %add3A_67 : i32
        %mul3A_69 = arith.constant 3584 : i32
        %mul3A_70 = arith.muli %rem3A_44, %mul3A_69 : i32
        %add3A_71 = arith.constant 50176 : i32
        %add3A_72 = arith.addi %add3A_71, %mul3A_70 : i32
        %add3A_73 = arith.constant 13 : i32
        %add3A_74 = arith.addi %div3A_40, %add3A_73 : i32
        %mul3A_75 = arith.constant 3584 : i32
        %mul3A_76 = arith.muli %rem3A_44, %mul3A_75 : i32
        %add3A_77 = arith.constant 75264 : i32
        %add3A_78 = arith.addi %add3A_77, %mul3A_76 : i32
        %dma_start3A = arith.constant 0 : i32
        %dma_start3A_79 = tpu.memref_slice %arg6[%rem3A_5, %dma_start3A] : memref<2x4x!tpu.dma_semaphore, #tpu.memory_space<semaphore_mem>> -> memref<1x1x!tpu.dma_semaphore, #tpu.memory_space<semaphore_mem>>
        %dma_start3A_80 = tpu.memref_squeeze %dma_start3A_79 : memref<1x1x!tpu.dma_semaphore, #tpu.memory_space<semaphore_mem>> -> memref<!tpu.dma_semaphore, #tpu.memory_space<semaphore_mem>>
        %dma_start3A_81 = arith.constant 0 : i32
        %dma_start3A_82 = arith.constant 0 : i32
        %dma_start3A_83 = tpu.memref_slice %arg5[%rem3A_5, %dma_start3A_81, %dma_start3A_82] : memref<2x128x3584xf32, #tpu.memory_space<vmem>> -> memref<1x32x3584xf32, #tpu.memory_space<vmem>>
        %dma_start3A_84 = tpu.memref_squeeze %dma_start3A_83 : memref<1x32x3584xf32, #tpu.memory_space<vmem>> -> memref<32x3584xf32, #tpu.memory_space<vmem>>
        %dma_start3A_85 = arith.constant 0 : i32
        %dma_start3A_86 = tpu.memref_slice %arg2[%add3A_56, %dma_start3A_85, %add3A_60] : memref<26x32x100000xf32, #tpu.memory_space<hbm>> -> memref<1x32x3584xf32, #tpu.memory_space<hbm>>
        %dma_start3A_87 = tpu.memref_squeeze %dma_start3A_86 : memref<1x32x3584xf32, #tpu.memory_space<hbm>> -> memref<32x3584xf32, #tpu.memory_space<hbm>>
        tpu.enqueue_dma source(%dma_start3A_87 : memref<32x3584xf32, #tpu.memory_space<hbm>>) target(%dma_start3A_84 : memref<32x3584xf32, #tpu.memory_space<vmem>>) target_semaphore(%dma_start3A_80 : memref<!tpu.dma_semaphore, #tpu.memory_space<semaphore_mem>>)
        %dma_start3A_88 = arith.constant 1 : i32
        %dma_start3A_89 = tpu.memref_slice %arg6[%rem3A_5, %dma_start3A_88] : memref<2x4x!tpu.dma_semaphore, #tpu.memory_space<semaphore_mem>> -> memref<1x1x!tpu.dma_semaphore, #tpu.memory_space<semaphore_mem>>
        %dma_start3A_90 = tpu.memref_squeeze %dma_start3A_89 : memref<1x1x!tpu.dma_semaphore, #tpu.memory_space<semaphore_mem>> -> memref<!tpu.dma_semaphore, #tpu.memory_space<semaphore_mem>>
        %dma_start3A_91 = arith.constant 32 : i32
        %dma_start3A_92 = arith.constant 0 : i32
        %dma_start3A_93 = tpu.memref_slice %arg5[%rem3A_5, %dma_start3A_91, %dma_start3A_92] : memref<2x128x3584xf32, #tpu.memory_space<vmem>> -> memref<1x32x3584xf32, #tpu.memory_space<vmem>>
        %dma_start3A_94 = tpu.memref_squeeze %dma_start3A_93 : memref<1x32x3584xf32, #tpu.memory_space<vmem>> -> memref<32x3584xf32, #tpu.memory_space<vmem>>
        %dma_start3A_95 = arith.constant 0 : i32
        %dma_start3A_96 = tpu.memref_slice %arg2[%add3A_62, %dma_start3A_95, %add3A_66] : memref<26x32x100000xf32, #tpu.memory_space<hbm>> -> memref<1x32x3584xf32, #tpu.memory_space<hbm>>
        %dma_start3A_97 = tpu.memref_squeeze %dma_start3A_96 : memref<1x32x3584xf32, #tpu.memory_space<hbm>> -> memref<32x3584xf32, #tpu.memory_space<hbm>>
        tpu.enqueue_dma source(%dma_start3A_97 : memref<32x3584xf32, #tpu.memory_space<hbm>>) target(%dma_start3A_94 : memref<32x3584xf32, #tpu.memory_space<vmem>>) target_semaphore(%dma_start3A_90 : memref<!tpu.dma_semaphore, #tpu.memory_space<semaphore_mem>>)
        %dma_start3A_98 = arith.constant 2 : i32
        %dma_start3A_99 = tpu.memref_slice %arg6[%rem3A_5, %dma_start3A_98] : memref<2x4x!tpu.dma_semaphore, #tpu.memory_space<semaphore_mem>> -> memref<1x1x!tpu.dma_semaphore, #tpu.memory_space<semaphore_mem>>
        %dma_start3A_100 = tpu.memref_squeeze %dma_start3A_99 : memref<1x1x!tpu.dma_semaphore, #tpu.memory_space<semaphore_mem>> -> memref<!tpu.dma_semaphore, #tpu.memory_space<semaphore_mem>>
        %dma_start3A_101 = arith.constant 64 : i32
        %dma_start3A_102 = arith.constant 0 : i32
        %dma_start3A_103 = tpu.memref_slice %arg5[%rem3A_5, %dma_start3A_101, %dma_start3A_102] : memref<2x128x3584xf32, #tpu.memory_space<vmem>> -> memref<1x32x3584xf32, #tpu.memory_space<vmem>>
        %dma_start3A_104 = tpu.memref_squeeze %dma_start3A_103 : memref<1x32x3584xf32, #tpu.memory_space<vmem>> -> memref<32x3584xf32, #tpu.memory_space<vmem>>
        %dma_start3A_105 = arith.constant 0 : i32
        %dma_start3A_106 = tpu.memref_slice %arg2[%add3A_68, %dma_start3A_105, %add3A_72] : memref<26x32x100000xf32, #tpu.memory_space<hbm>> -> memref<1x32x3584xf32, #tpu.memory_space<hbm>>
        %dma_start3A_107 = tpu.memref_squeeze %dma_start3A_106 : memref<1x32x3584xf32, #tpu.memory_space<hbm>> -> memref<32x3584xf32, #tpu.memory_space<hbm>>
        tpu.enqueue_dma source(%dma_start3A_107 : memref<32x3584xf32, #tpu.memory_space<hbm>>) target(%dma_start3A_104 : memref<32x3584xf32, #tpu.memory_space<vmem>>) target_semaphore(%dma_start3A_100 : memref<!tpu.dma_semaphore, #tpu.memory_space<semaphore_mem>>)
        %dma_start3A_108 = arith.constant 3 : i32
        %dma_start3A_109 = tpu.memref_slice %arg6[%rem3A_5, %dma_start3A_108] : memref<2x4x!tpu.dma_semaphore, #tpu.memory_space<semaphore_mem>> -> memref<1x1x!tpu.dma_semaphore, #tpu.memory_space<semaphore_mem>>
        %dma_start3A_110 = tpu.memref_squeeze %dma_start3A_109 : memref<1x1x!tpu.dma_semaphore, #tpu.memory_space<semaphore_mem>> -> memref<!tpu.dma_semaphore, #tpu.memory_space<semaphore_mem>>
        %dma_start3A_111 = arith.constant 96 : i32
        %dma_start3A_112 = arith.constant 0 : i32
        %dma_start3A_113 = tpu.memref_slice %arg5[%rem3A_5, %dma_start3A_111, %dma_start3A_112] : memref<2x128x3584xf32, #tpu.memory_space<vmem>> -> memref<1x32x3584xf32, #tpu.memory_space<vmem>>
        %dma_start3A_114 = tpu.memref_squeeze %dma_start3A_113 : memref<1x32x3584xf32, #tpu.memory_space<vmem>> -> memref<32x3584xf32, #tpu.memory_space<vmem>>
        %dma_start3A_115 = arith.constant 0 : i32
        %dma_start3A_116 = tpu.memref_slice %arg2[%add3A_74, %dma_start3A_115, %add3A_78] : memref<26x32x100000xf32, #tpu.memory_space<hbm>> -> memref<1x32x3584xf32, #tpu.memory_space<hbm>>
        %dma_start3A_117 = tpu.memref_squeeze %dma_start3A_116 : memref<1x32x3584xf32, #tpu.memory_space<hbm>> -> memref<32x3584xf32, #tpu.memory_space<hbm>>
        tpu.enqueue_dma source(%dma_start3A_117 : memref<32x3584xf32, #tpu.memory_space<hbm>>) target(%dma_start3A_114 : memref<32x3584xf32, #tpu.memory_space<vmem>>) target_semaphore(%dma_start3A_110 : memref<!tpu.dma_semaphore, #tpu.memory_space<semaphore_mem>>)
      } else {
      }
      %eq3A_50 = arith.constant 6 : i32
      %eq3A_51 = arith.cmpi eq, %rem3A_44, %eq3A_50 : i32
      %convert_element_type3A_52 = arith.extui %eq3A_51 : i1 to i32
      %cond3A_53 = arith.constant 0 : i32
      %cond3A_54 = arith.cmpi ne, %convert_element_type3A_52, %cond3A_53 : i32
      scf.if %cond3A_54 {
        %add3A_55 = arith.constant 13 : i32
        %add3A_56 = arith.addi %div3A_40, %add3A_55 : i32
        %mul3A_57 = arith.constant 3584 : i32
        %mul3A_58 = arith.muli %rem3A_44, %mul3A_57 : i32
        %add3A_59 = arith.constant 0 : i32
        %add3A_60 = arith.addi %add3A_59, %mul3A_58 : i32
        %add3A_61 = arith.constant 13 : i32
        %add3A_62 = arith.addi %div3A_40, %add3A_61 : i32
        %mul3A_63 = arith.constant 3584 : i32
        %mul3A_64 = arith.muli %rem3A_44, %mul3A_63 : i32
        %add3A_65 = arith.constant 25088 : i32
        %add3A_66 = arith.addi %add3A_65, %mul3A_64 : i32
        %add3A_67 = arith.constant 13 : i32
        %add3A_68 = arith.addi %div3A_40, %add3A_67 : i32
        %mul3A_69 = arith.constant 3584 : i32
        %mul3A_70 = arith.muli %rem3A_44, %mul3A_69 : i32
        %add3A_71 = arith.constant 50176 : i32
        %add3A_72 = arith.addi %add3A_71, %mul3A_70 : i32
        %add3A_73 = arith.constant 13 : i32
        %add3A_74 = arith.addi %div3A_40, %add3A_73 : i32
        %mul3A_75 = arith.constant 3584 : i32
        %mul3A_76 = arith.muli %rem3A_44, %mul3A_75 : i32
        %add3A_77 = arith.constant 75264 : i32
        %add3A_78 = arith.addi %add3A_77, %mul3A_76 : i32
        %dma_start3A = arith.constant 0 : i32
        %dma_start3A_79 = tpu.memref_slice %arg6[%rem3A_5, %dma_start3A] : memref<2x4x!tpu.dma_semaphore, #tpu.memory_space<semaphore_mem>> -> memref<1x1x!tpu.dma_semaphore, #tpu.memory_space<semaphore_mem>>
        %dma_start3A_80 = tpu.memref_squeeze %dma_start3A_79 : memref<1x1x!tpu.dma_semaphore, #tpu.memory_space<semaphore_mem>> -> memref<!tpu.dma_semaphore, #tpu.memory_space<semaphore_mem>>
        %dma_start3A_81 = arith.constant 0 : i32
        %dma_start3A_82 = arith.constant 0 : i32
        %dma_start3A_83 = tpu.memref_slice %arg5[%rem3A_5, %dma_start3A_81, %dma_start3A_82] : memref<2x128x3584xf32, #tpu.memory_space<vmem>> -> memref<1x32x3584xf32, #tpu.memory_space<vmem>>
        %dma_start3A_84 = tpu.memref_squeeze %dma_start3A_83 : memref<1x32x3584xf32, #tpu.memory_space<vmem>> -> memref<32x3584xf32, #tpu.memory_space<vmem>>
        %dma_start3A_85 = arith.constant 0 : i32
        %dma_start3A_86 = tpu.memref_slice %arg2[%add3A_56, %dma_start3A_85, %add3A_60] : memref<26x32x100000xf32, #tpu.memory_space<hbm>> -> memref<1x32x3584xf32, #tpu.memory_space<hbm>>
        %dma_start3A_87 = tpu.memref_squeeze %dma_start3A_86 : memref<1x32x3584xf32, #tpu.memory_space<hbm>> -> memref<32x3584xf32, #tpu.memory_space<hbm>>
        tpu.enqueue_dma source(%dma_start3A_87 : memref<32x3584xf32, #tpu.memory_space<hbm>>) target(%dma_start3A_84 : memref<32x3584xf32, #tpu.memory_space<vmem>>) target_semaphore(%dma_start3A_80 : memref<!tpu.dma_semaphore, #tpu.memory_space<semaphore_mem>>)
        %dma_start3A_88 = arith.constant 1 : i32
        %dma_start3A_89 = tpu.memref_slice %arg6[%rem3A_5, %dma_start3A_88] : memref<2x4x!tpu.dma_semaphore, #tpu.memory_space<semaphore_mem>> -> memref<1x1x!tpu.dma_semaphore, #tpu.memory_space<semaphore_mem>>
        %dma_start3A_90 = tpu.memref_squeeze %dma_start3A_89 : memref<1x1x!tpu.dma_semaphore, #tpu.memory_space<semaphore_mem>> -> memref<!tpu.dma_semaphore, #tpu.memory_space<semaphore_mem>>
        %dma_start3A_91 = arith.constant 32 : i32
        %dma_start3A_92 = arith.constant 0 : i32
        %dma_start3A_93 = tpu.memref_slice %arg5[%rem3A_5, %dma_start3A_91, %dma_start3A_92] : memref<2x128x3584xf32, #tpu.memory_space<vmem>> -> memref<1x32x3584xf32, #tpu.memory_space<vmem>>
        %dma_start3A_94 = tpu.memref_squeeze %dma_start3A_93 : memref<1x32x3584xf32, #tpu.memory_space<vmem>> -> memref<32x3584xf32, #tpu.memory_space<vmem>>
        %dma_start3A_95 = arith.constant 0 : i32
        %dma_start3A_96 = tpu.memref_slice %arg2[%add3A_62, %dma_start3A_95, %add3A_66] : memref<26x32x100000xf32, #tpu.memory_space<hbm>> -> memref<1x32x3584xf32, #tpu.memory_space<hbm>>
        %dma_start3A_97 = tpu.memref_squeeze %dma_start3A_96 : memref<1x32x3584xf32, #tpu.memory_space<hbm>> -> memref<32x3584xf32, #tpu.memory_space<hbm>>
        tpu.enqueue_dma source(%dma_start3A_97 : memref<32x3584xf32, #tpu.memory_space<hbm>>) target(%dma_start3A_94 : memref<32x3584xf32, #tpu.memory_space<vmem>>) target_semaphore(%dma_start3A_90 : memref<!tpu.dma_semaphore, #tpu.memory_space<semaphore_mem>>)
        %dma_start3A_98 = arith.constant 2 : i32
        %dma_start3A_99 = tpu.memref_slice %arg6[%rem3A_5, %dma_start3A_98] : memref<2x4x!tpu.dma_semaphore, #tpu.memory_space<semaphore_mem>> -> memref<1x1x!tpu.dma_semaphore, #tpu.memory_space<semaphore_mem>>
        %dma_start3A_100 = tpu.memref_squeeze %dma_start3A_99 : memref<1x1x!tpu.dma_semaphore, #tpu.memory_space<semaphore_mem>> -> memref<!tpu.dma_semaphore, #tpu.memory_space<semaphore_mem>>
        %dma_start3A_101 = arith.constant 64 : i32
        %dma_start3A_102 = arith.constant 0 : i32
        %dma_start3A_103 = tpu.memref_slice %arg5[%rem3A_5, %dma_start3A_101, %dma_start3A_102] : memref<2x128x3584xf32, #tpu.memory_space<vmem>> -> memref<1x32x3584xf32, #tpu.memory_space<vmem>>
        %dma_start3A_104 = tpu.memref_squeeze %dma_start3A_103 : memref<1x32x3584xf32, #tpu.memory_space<vmem>> -> memref<32x3584xf32, #tpu.memory_space<vmem>>
        %dma_start3A_105 = arith.constant 0 : i32
        %dma_start3A_106 = tpu.memref_slice %arg2[%add3A_68, %dma_start3A_105, %add3A_72] : memref<26x32x100000xf32, #tpu.memory_space<hbm>> -> memref<1x32x3584xf32, #tpu.memory_space<hbm>>
        %dma_start3A_107 = tpu.memref_squeeze %dma_start3A_106 : memref<1x32x3584xf32, #tpu.memory_space<hbm>> -> memref<32x3584xf32, #tpu.memory_space<hbm>>
        tpu.enqueue_dma source(%dma_start3A_107 : memref<32x3584xf32, #tpu.memory_space<hbm>>) target(%dma_start3A_104 : memref<32x3584xf32, #tpu.memory_space<vmem>>) target_semaphore(%dma_start3A_100 : memref<!tpu.dma_semaphore, #tpu.memory_space<semaphore_mem>>)
        %dma_start3A_108 = arith.constant 3 : i32
        %dma_start3A_109 = tpu.memref_slice %arg6[%rem3A_5, %dma_start3A_108] : memref<2x4x!tpu.dma_semaphore, #tpu.memory_space<semaphore_mem>> -> memref<1x1x!tpu.dma_semaphore, #tpu.memory_space<semaphore_mem>>
        %dma_start3A_110 = tpu.memref_squeeze %dma_start3A_109 : memref<1x1x!tpu.dma_semaphore, #tpu.memory_space<semaphore_mem>> -> memref<!tpu.dma_semaphore, #tpu.memory_space<semaphore_mem>>
        %dma_start3A_111 = arith.constant 96 : i32
        %dma_start3A_112 = arith.constant 0 : i32
        %dma_start3A_113 = tpu.memref_slice %arg5[%rem3A_5, %dma_start3A_111, %dma_start3A_112] : memref<2x128x3584xf32, #tpu.memory_space<vmem>> -> memref<1x32x3584xf32, #tpu.memory_space<vmem>>
        %dma_start3A_114 = tpu.memref_squeeze %dma_start3A_113 : memref<1x32x3584xf32, #tpu.memory_space<vmem>> -> memref<32x3584xf32, #tpu.memory_space<vmem>>
        %dma_start3A_115 = arith.constant 0 : i32
        %dma_start3A_116 = arith.constant 0 : i32
        %dma_start3A_117 = tpu.memref_slice %dma_start3A_114[%dma_start3A_115, %dma_start3A_116] : memref<32x3584xf32, #tpu.memory_space<vmem>> -> memref<32x3200xf32, #tpu.memory_space<vmem>>
        %dma_start3A_118 = arith.constant 0 : i32
        %dma_start3A_119 = tpu.memref_slice %arg2[%add3A_74, %dma_start3A_118, %add3A_78] : memref<26x32x100000xf32, #tpu.memory_space<hbm>> -> memref<1x32x3200xf32, #tpu.memory_space<hbm>>
        %dma_start3A_120 = tpu.memref_squeeze %dma_start3A_119 : memref<1x32x3200xf32, #tpu.memory_space<hbm>> -> memref<32x3200xf32, #tpu.memory_space<hbm>>
        tpu.enqueue_dma source(%dma_start3A_120 : memref<32x3200xf32, #tpu.memory_space<hbm>>) target(%dma_start3A_117 : memref<32x3200xf32, #tpu.memory_space<vmem>>) target_semaphore(%dma_start3A_110 : memref<!tpu.dma_semaphore, #tpu.memory_space<semaphore_mem>>)
      } else {
      }
    } else {
    }
    %lt3A_12 = arith.constant 6 : i32
    %lt3A_13 = arith.cmpi slt, %arg1, %lt3A_12 : i32
    %convert_element_type3A_14 = arith.extui %lt3A_13 : i1 to i32
    %cond3A_15 = arith.constant 0 : i32
    %cond3A_16 = arith.cmpi ne, %convert_element_type3A_14, %cond3A_15 : i32
    scf.if %cond3A_16 {
      %add3A_38 = arith.constant 13 : i32
      %add3A_39 = arith.addi %arg0, %add3A_38 : i32
      %mul3A_40 = arith.constant 3584 : i32
      %mul3A_41 = arith.muli %arg1, %mul3A_40 : i32
      %add3A_42 = arith.constant 0 : i32
      %add3A_43 = arith.addi %add3A_42, %mul3A_41 : i32
      %add3A_44 = arith.constant 13 : i32
      %add3A_45 = arith.addi %arg0, %add3A_44 : i32
      %mul3A_46 = arith.constant 3584 : i32
      %mul3A_47 = arith.muli %arg1, %mul3A_46 : i32
      %add3A_48 = arith.constant 25088 : i32
      %add3A_49 = arith.addi %add3A_48, %mul3A_47 : i32
      %add3A_50 = arith.constant 13 : i32
      %add3A_51 = arith.addi %arg0, %add3A_50 : i32
      %mul3A_52 = arith.constant 3584 : i32
      %mul3A_53 = arith.muli %arg1, %mul3A_52 : i32
      %add3A_54 = arith.constant 50176 : i32
      %add3A_55 = arith.addi %add3A_54, %mul3A_53 : i32
      %add3A_56 = arith.constant 13 : i32
      %add3A_57 = arith.addi %arg0, %add3A_56 : i32
      %mul3A_58 = arith.constant 3584 : i32
      %mul3A_59 = arith.muli %arg1, %mul3A_58 : i32
      %add3A_60 = arith.constant 75264 : i32
      %add3A_61 = arith.addi %add3A_60, %mul3A_59 : i32
      %dma_wait3A = arith.constant 0 : i32
      %dma_wait3A_62 = tpu.memref_slice %arg6[%rem3A_1, %dma_wait3A] : memref<2x4x!tpu.dma_semaphore, #tpu.memory_space<semaphore_mem>> -> memref<1x1x!tpu.dma_semaphore, #tpu.memory_space<semaphore_mem>>
      %dma_wait3A_63 = tpu.memref_squeeze %dma_wait3A_62 : memref<1x1x!tpu.dma_semaphore, #tpu.memory_space<semaphore_mem>> -> memref<!tpu.dma_semaphore, #tpu.memory_space<semaphore_mem>>
      %dma_wait3A_64 = arith.constant 0 : i32
      %dma_wait3A_65 = arith.constant 0 : i32
      %dma_wait3A_66 = tpu.memref_slice %arg5[%rem3A_1, %dma_wait3A_64, %dma_wait3A_65] : memref<2x128x3584xf32, #tpu.memory_space<vmem>> -> memref<1x32x3584xf32, #tpu.memory_space<vmem>>
      %dma_wait3A_67 = tpu.memref_squeeze %dma_wait3A_66 : memref<1x32x3584xf32, #tpu.memory_space<vmem>> -> memref<32x3584xf32, #tpu.memory_space<vmem>>
      %dma_wait3A_68 = arith.constant 0 : i32
      %dma_wait3A_69 = tpu.memref_slice %arg2[%add3A_39, %dma_wait3A_68, %add3A_43] : memref<26x32x100000xf32, #tpu.memory_space<hbm>> -> memref<1x32x3584xf32, #tpu.memory_space<hbm>>
      %dma_wait3A_70 = tpu.memref_squeeze %dma_wait3A_69 : memref<1x32x3584xf32, #tpu.memory_space<hbm>> -> memref<32x3584xf32, #tpu.memory_space<hbm>>
      tpu.wait_dma2 semaphore(%dma_wait3A_63 : memref<!tpu.dma_semaphore, #tpu.memory_space<semaphore_mem>>) src(%dma_wait3A_70 : memref<32x3584xf32, #tpu.memory_space<hbm>>) dst(%dma_wait3A_67 : memref<32x3584xf32, #tpu.memory_space<vmem>>)
      %dma_wait3A_71 = arith.constant 1 : i32
      %dma_wait3A_72 = tpu.memref_slice %arg6[%rem3A_1, %dma_wait3A_71] : memref<2x4x!tpu.dma_semaphore, #tpu.memory_space<semaphore_mem>> -> memref<1x1x!tpu.dma_semaphore, #tpu.memory_space<semaphore_mem>>
      %dma_wait3A_73 = tpu.memref_squeeze %dma_wait3A_72 : memref<1x1x!tpu.dma_semaphore, #tpu.memory_space<semaphore_mem>> -> memref<!tpu.dma_semaphore, #tpu.memory_space<semaphore_mem>>
      %dma_wait3A_74 = arith.constant 32 : i32
      %dma_wait3A_75 = arith.constant 0 : i32
      %dma_wait3A_76 = tpu.memref_slice %arg5[%rem3A_1, %dma_wait3A_74, %dma_wait3A_75] : memref<2x128x3584xf32, #tpu.memory_space<vmem>> -> memref<1x32x3584xf32, #tpu.memory_space<vmem>>
      %dma_wait3A_77 = tpu.memref_squeeze %dma_wait3A_76 : memref<1x32x3584xf32, #tpu.memory_space<vmem>> -> memref<32x3584xf32, #tpu.memory_space<vmem>>
      %dma_wait3A_78 = arith.constant 0 : i32
      %dma_wait3A_79 = tpu.memref_slice %arg2[%add3A_45, %dma_wait3A_78, %add3A_49] : memref<26x32x100000xf32, #tpu.memory_space<hbm>> -> memref<1x32x3584xf32, #tpu.memory_space<hbm>>
      %dma_wait3A_80 = tpu.memref_squeeze %dma_wait3A_79 : memref<1x32x3584xf32, #tpu.memory_space<hbm>> -> memref<32x3584xf32, #tpu.memory_space<hbm>>
      tpu.wait_dma2 semaphore(%dma_wait3A_73 : memref<!tpu.dma_semaphore, #tpu.memory_space<semaphore_mem>>) src(%dma_wait3A_80 : memref<32x3584xf32, #tpu.memory_space<hbm>>) dst(%dma_wait3A_77 : memref<32x3584xf32, #tpu.memory_space<vmem>>)
      %dma_wait3A_81 = arith.constant 2 : i32
      %dma_wait3A_82 = tpu.memref_slice %arg6[%rem3A_1, %dma_wait3A_81] : memref<2x4x!tpu.dma_semaphore, #tpu.memory_space<semaphore_mem>> -> memref<1x1x!tpu.dma_semaphore, #tpu.memory_space<semaphore_mem>>
      %dma_wait3A_83 = tpu.memref_squeeze %dma_wait3A_82 : memref<1x1x!tpu.dma_semaphore, #tpu.memory_space<semaphore_mem>> -> memref<!tpu.dma_semaphore, #tpu.memory_space<semaphore_mem>>
      %dma_wait3A_84 = arith.constant 64 : i32
      %dma_wait3A_85 = arith.constant 0 : i32
      %dma_wait3A_86 = tpu.memref_slice %arg5[%rem3A_1, %dma_wait3A_84, %dma_wait3A_85] : memref<2x128x3584xf32, #tpu.memory_space<vmem>> -> memref<1x32x3584xf32, #tpu.memory_space<vmem>>
      %dma_wait3A_87 = tpu.memref_squeeze %dma_wait3A_86 : memref<1x32x3584xf32, #tpu.memory_space<vmem>> -> memref<32x3584xf32, #tpu.memory_space<vmem>>
      %dma_wait3A_88 = arith.constant 0 : i32
      %dma_wait3A_89 = tpu.memref_slice %arg2[%add3A_51, %dma_wait3A_88, %add3A_55] : memref<26x32x100000xf32, #tpu.memory_space<hbm>> -> memref<1x32x3584xf32, #tpu.memory_space<hbm>>
      %dma_wait3A_90 = tpu.memref_squeeze %dma_wait3A_89 : memref<1x32x3584xf32, #tpu.memory_space<hbm>> -> memref<32x3584xf32, #tpu.memory_space<hbm>>
      tpu.wait_dma2 semaphore(%dma_wait3A_83 : memref<!tpu.dma_semaphore, #tpu.memory_space<semaphore_mem>>) src(%dma_wait3A_90 : memref<32x3584xf32, #tpu.memory_space<hbm>>) dst(%dma_wait3A_87 : memref<32x3584xf32, #tpu.memory_space<vmem>>)
      %dma_wait3A_91 = arith.constant 3 : i32
      %dma_wait3A_92 = tpu.memref_slice %arg6[%rem3A_1, %dma_wait3A_91] : memref<2x4x!tpu.dma_semaphore, #tpu.memory_space<semaphore_mem>> -> memref<1x1x!tpu.dma_semaphore, #tpu.memory_space<semaphore_mem>>
      %dma_wait3A_93 = tpu.memref_squeeze %dma_wait3A_92 : memref<1x1x!tpu.dma_semaphore, #tpu.memory_space<semaphore_mem>> -> memref<!tpu.dma_semaphore, #tpu.memory_space<semaphore_mem>>
      %dma_wait3A_94 = arith.constant 96 : i32
      %dma_wait3A_95 = arith.constant 0 : i32
      %dma_wait3A_96 = tpu.memref_slice %arg5[%rem3A_1, %dma_wait3A_94, %dma_wait3A_95] : memref<2x128x3584xf32, #tpu.memory_space<vmem>> -> memref<1x32x3584xf32, #tpu.memory_space<vmem>>
      %dma_wait3A_97 = tpu.memref_squeeze %dma_wait3A_96 : memref<1x32x3584xf32, #tpu.memory_space<vmem>> -> memref<32x3584xf32, #tpu.memory_space<vmem>>
      %dma_wait3A_98 = arith.constant 0 : i32
      %dma_wait3A_99 = tpu.memref_slice %arg2[%add3A_57, %dma_wait3A_98, %add3A_61] : memref<26x32x100000xf32, #tpu.memory_space<hbm>> -> memref<1x32x3584xf32, #tpu.memory_space<hbm>>
      %dma_wait3A_100 = tpu.memref_squeeze %dma_wait3A_99 : memref<1x32x3584xf32, #tpu.memory_space<hbm>> -> memref<32x3584xf32, #tpu.memory_space<hbm>>
      tpu.wait_dma2 semaphore(%dma_wait3A_93 : memref<!tpu.dma_semaphore, #tpu.memory_space<semaphore_mem>>) src(%dma_wait3A_100 : memref<32x3584xf32, #tpu.memory_space<hbm>>) dst(%dma_wait3A_97 : memref<32x3584xf32, #tpu.memory_space<vmem>>)
    } else {
    }
    %eq3A_17 = arith.constant 6 : i32
    %eq3A_18 = arith.cmpi eq, %arg1, %eq3A_17 : i32
    %convert_element_type3A_19 = arith.extui %eq3A_18 : i1 to i32
    %cond3A_20 = arith.constant 0 : i32
    %cond3A_21 = arith.cmpi ne, %convert_element_type3A_19, %cond3A_20 : i32
    scf.if %cond3A_21 {
      %add3A_38 = arith.constant 13 : i32
      %add3A_39 = arith.addi %arg0, %add3A_38 : i32
      %mul3A_40 = arith.constant 3584 : i32
      %mul3A_41 = arith.muli %arg1, %mul3A_40 : i32
      %add3A_42 = arith.constant 0 : i32
      %add3A_43 = arith.addi %add3A_42, %mul3A_41 : i32
      %add3A_44 = arith.constant 13 : i32
      %add3A_45 = arith.addi %arg0, %add3A_44 : i32
      %mul3A_46 = arith.constant 3584 : i32
      %mul3A_47 = arith.muli %arg1, %mul3A_46 : i32
      %add3A_48 = arith.constant 25088 : i32
      %add3A_49 = arith.addi %add3A_48, %mul3A_47 : i32
      %add3A_50 = arith.constant 13 : i32
      %add3A_51 = arith.addi %arg0, %add3A_50 : i32
      %mul3A_52 = arith.constant 3584 : i32
      %mul3A_53 = arith.muli %arg1, %mul3A_52 : i32
      %add3A_54 = arith.constant 50176 : i32
      %add3A_55 = arith.addi %add3A_54, %mul3A_53 : i32
      %add3A_56 = arith.constant 13 : i32
      %add3A_57 = arith.addi %arg0, %add3A_56 : i32
      %mul3A_58 = arith.constant 3584 : i32
      %mul3A_59 = arith.muli %arg1, %mul3A_58 : i32
      %add3A_60 = arith.constant 75264 : i32
      %add3A_61 = arith.addi %add3A_60, %mul3A_59 : i32
      %dma_wait3A = arith.constant 0 : i32
      %dma_wait3A_62 = tpu.memref_slice %arg6[%rem3A_1, %dma_wait3A] : memref<2x4x!tpu.dma_semaphore, #tpu.memory_space<semaphore_mem>> -> memref<1x1x!tpu.dma_semaphore, #tpu.memory_space<semaphore_mem>>
      %dma_wait3A_63 = tpu.memref_squeeze %dma_wait3A_62 : memref<1x1x!tpu.dma_semaphore, #tpu.memory_space<semaphore_mem>> -> memref<!tpu.dma_semaphore, #tpu.memory_space<semaphore_mem>>
      %dma_wait3A_64 = arith.constant 0 : i32
      %dma_wait3A_65 = arith.constant 0 : i32
      %dma_wait3A_66 = tpu.memref_slice %arg5[%rem3A_1, %dma_wait3A_64, %dma_wait3A_65] : memref<2x128x3584xf32, #tpu.memory_space<vmem>> -> memref<1x32x3584xf32, #tpu.memory_space<vmem>>
      %dma_wait3A_67 = tpu.memref_squeeze %dma_wait3A_66 : memref<1x32x3584xf32, #tpu.memory_space<vmem>> -> memref<32x3584xf32, #tpu.memory_space<vmem>>
      %dma_wait3A_68 = arith.constant 0 : i32
      %dma_wait3A_69 = tpu.memref_slice %arg2[%add3A_39, %dma_wait3A_68, %add3A_43] : memref<26x32x100000xf32, #tpu.memory_space<hbm>> -> memref<1x32x3584xf32, #tpu.memory_space<hbm>>
      %dma_wait3A_70 = tpu.memref_squeeze %dma_wait3A_69 : memref<1x32x3584xf32, #tpu.memory_space<hbm>> -> memref<32x3584xf32, #tpu.memory_space<hbm>>
      tpu.wait_dma2 semaphore(%dma_wait3A_63 : memref<!tpu.dma_semaphore, #tpu.memory_space<semaphore_mem>>) src(%dma_wait3A_70 : memref<32x3584xf32, #tpu.memory_space<hbm>>) dst(%dma_wait3A_67 : memref<32x3584xf32, #tpu.memory_space<vmem>>)
      %dma_wait3A_71 = arith.constant 1 : i32
      %dma_wait3A_72 = tpu.memref_slice %arg6[%rem3A_1, %dma_wait3A_71] : memref<2x4x!tpu.dma_semaphore, #tpu.memory_space<semaphore_mem>> -> memref<1x1x!tpu.dma_semaphore, #tpu.memory_space<semaphore_mem>>
      %dma_wait3A_73 = tpu.memref_squeeze %dma_wait3A_72 : memref<1x1x!tpu.dma_semaphore, #tpu.memory_space<semaphore_mem>> -> memref<!tpu.dma_semaphore, #tpu.memory_space<semaphore_mem>>
      %dma_wait3A_74 = arith.constant 32 : i32
      %dma_wait3A_75 = arith.constant 0 : i32
      %dma_wait3A_76 = tpu.memref_slice %arg5[%rem3A_1, %dma_wait3A_74, %dma_wait3A_75] : memref<2x128x3584xf32, #tpu.memory_space<vmem>> -> memref<1x32x3584xf32, #tpu.memory_space<vmem>>
      %dma_wait3A_77 = tpu.memref_squeeze %dma_wait3A_76 : memref<1x32x3584xf32, #tpu.memory_space<vmem>> -> memref<32x3584xf32, #tpu.memory_space<vmem>>
      %dma_wait3A_78 = arith.constant 0 : i32
      %dma_wait3A_79 = tpu.memref_slice %arg2[%add3A_45, %dma_wait3A_78, %add3A_49] : memref<26x32x100000xf32, #tpu.memory_space<hbm>> -> memref<1x32x3584xf32, #tpu.memory_space<hbm>>
      %dma_wait3A_80 = tpu.memref_squeeze %dma_wait3A_79 : memref<1x32x3584xf32, #tpu.memory_space<hbm>> -> memref<32x3584xf32, #tpu.memory_space<hbm>>
      tpu.wait_dma2 semaphore(%dma_wait3A_73 : memref<!tpu.dma_semaphore, #tpu.memory_space<semaphore_mem>>) src(%dma_wait3A_80 : memref<32x3584xf32, #tpu.memory_space<hbm>>) dst(%dma_wait3A_77 : memref<32x3584xf32, #tpu.memory_space<vmem>>)
      %dma_wait3A_81 = arith.constant 2 : i32
      %dma_wait3A_82 = tpu.memref_slice %arg6[%rem3A_1, %dma_wait3A_81] : memref<2x4x!tpu.dma_semaphore, #tpu.memory_space<semaphore_mem>> -> memref<1x1x!tpu.dma_semaphore, #tpu.memory_space<semaphore_mem>>
      %dma_wait3A_83 = tpu.memref_squeeze %dma_wait3A_82 : memref<1x1x!tpu.dma_semaphore, #tpu.memory_space<semaphore_mem>> -> memref<!tpu.dma_semaphore, #tpu.memory_space<semaphore_mem>>
      %dma_wait3A_84 = arith.constant 64 : i32
      %dma_wait3A_85 = arith.constant 0 : i32
      %dma_wait3A_86 = tpu.memref_slice %arg5[%rem3A_1, %dma_wait3A_84, %dma_wait3A_85] : memref<2x128x3584xf32, #tpu.memory_space<vmem>> -> memref<1x32x3584xf32, #tpu.memory_space<vmem>>
      %dma_wait3A_87 = tpu.memref_squeeze %dma_wait3A_86 : memref<1x32x3584xf32, #tpu.memory_space<vmem>> -> memref<32x3584xf32, #tpu.memory_space<vmem>>
      %dma_wait3A_88 = arith.constant 0 : i32
      %dma_wait3A_89 = tpu.memref_slice %arg2[%add3A_51, %dma_wait3A_88, %add3A_55] : memref<26x32x100000xf32, #tpu.memory_space<hbm>> -> memref<1x32x3584xf32, #tpu.memory_space<hbm>>
      %dma_wait3A_90 = tpu.memref_squeeze %dma_wait3A_89 : memref<1x32x3584xf32, #tpu.memory_space<hbm>> -> memref<32x3584xf32, #tpu.memory_space<hbm>>
      tpu.wait_dma2 semaphore(%dma_wait3A_83 : memref<!tpu.dma_semaphore, #tpu.memory_space<semaphore_mem>>) src(%dma_wait3A_90 : memref<32x3584xf32, #tpu.memory_space<hbm>>) dst(%dma_wait3A_87 : memref<32x3584xf32, #tpu.memory_space<vmem>>)
      %dma_wait3A_91 = arith.constant 3 : i32
      %dma_wait3A_92 = tpu.memref_slice %arg6[%rem3A_1, %dma_wait3A_91] : memref<2x4x!tpu.dma_semaphore, #tpu.memory_space<semaphore_mem>> -> memref<1x1x!tpu.dma_semaphore, #tpu.memory_space<semaphore_mem>>
      %dma_wait3A_93 = tpu.memref_squeeze %dma_wait3A_92 : memref<1x1x!tpu.dma_semaphore, #tpu.memory_space<semaphore_mem>> -> memref<!tpu.dma_semaphore, #tpu.memory_space<semaphore_mem>>
      %dma_wait3A_94 = arith.constant 96 : i32
      %dma_wait3A_95 = arith.constant 0 : i32
      %dma_wait3A_96 = tpu.memref_slice %arg5[%rem3A_1, %dma_wait3A_94, %dma_wait3A_95] : memref<2x128x3584xf32, #tpu.memory_space<vmem>> -> memref<1x32x3584xf32, #tpu.memory_space<vmem>>
      %dma_wait3A_97 = tpu.memref_squeeze %dma_wait3A_96 : memref<1x32x3584xf32, #tpu.memory_space<vmem>> -> memref<32x3584xf32, #tpu.memory_space<vmem>>
      %dma_wait3A_98 = arith.constant 0 : i32
      %dma_wait3A_99 = arith.constant 0 : i32
      %dma_wait3A_100 = tpu.memref_slice %dma_wait3A_97[%dma_wait3A_98, %dma_wait3A_99] : memref<32x3584xf32, #tpu.memory_space<vmem>> -> memref<32x3200xf32, #tpu.memory_space<vmem>>
      %dma_wait3A_101 = arith.constant 0 : i32
      %dma_wait3A_102 = tpu.memref_slice %arg2[%add3A_57, %dma_wait3A_101, %add3A_61] : memref<26x32x100000xf32, #tpu.memory_space<hbm>> -> memref<1x32x3200xf32, #tpu.memory_space<hbm>>
      %dma_wait3A_103 = tpu.memref_squeeze %dma_wait3A_102 : memref<1x32x3200xf32, #tpu.memory_space<hbm>> -> memref<32x3200xf32, #tpu.memory_space<hbm>>
      tpu.wait_dma2 semaphore(%dma_wait3A_93 : memref<!tpu.dma_semaphore, #tpu.memory_space<semaphore_mem>>) src(%dma_wait3A_103 : memref<32x3200xf32, #tpu.memory_space<hbm>>) dst(%dma_wait3A_100 : memref<32x3200xf32, #tpu.memory_space<vmem>>)
    } else {
    }
    %eq3A_22 = arith.constant 6 : i32
    %eq3A_23 = arith.cmpi eq, %arg1, %eq3A_22 : i32
    %convert_element_type3A_24 = arith.extui %eq3A_23 : i1 to i32
    %cond3A_25 = arith.constant 0 : i32
    %cond3A_26 = arith.cmpi ne, %convert_element_type3A_24, %cond3A_25 : i32
    scf.if %cond3A_26 {
      %add3A_38 = arith.constant 13 : i32
      %add3A_39 = arith.addi %arg0, %add3A_38 : i32
      %get3A_40 = arith.index_cast %add3A_39 : i32 to index
      %get3A_41 = arith.constant 0 : index
      %get3A_42 = arith.constant 0 : index
      %get3A_43 = vector.load %arg3[%get3A_40, %get3A_41, %get3A_42] : memref<26x32x32xf32, #tpu.memory_space<vmem>>, vector<1x32x32xf32>
      %get3A_44 = vector.shape_cast %get3A_43 : vector<1x32x32xf32> to vector<32x32xf32>
      %swap3A_45 = arith.index_cast %rem3A_1 : i32 to index
      %swap3A_46 = arith.constant 96 : index
      %swap3A_47 = arith.constant 3200 : index
      %swap3A_48 = vector.load %arg5[%swap3A_45, %swap3A_46, %swap3A_47] : memref<2x128x3584xf32, #tpu.memory_space<vmem>>, vector<1x32x32xf32>
      %swap3A_49 = vector.shape_cast %swap3A_48 : vector<1x32x32xf32> to vector<32x32xf32>
      %swap3A_50 = vector.shape_cast %get3A_44 : vector<32x32xf32> to vector<1x32x32xf32>
      tpu.vector_store %arg5[%swap3A_45, %swap3A_46, %swap3A_47], %swap3A_50 {strides = array<i32>} : memref<2x128x3584xf32, #tpu.memory_space<vmem>>, vector<1x32x32xf32>,
    } else {
    }
    %iota3A = tpu.iota {dimensions = array<i32: 0>} : vector<128x128xi32>
    %iota3A_27 = tpu.iota {dimensions = array<i32: 1>} : vector<128x128xi32>
    %eq3A_28 = arith.cmpi eq, %iota3A, %iota3A_27 : vector<128x128xi32>
    %convert_element_type3A_29 = arith.extui %eq3A_28 : vector<128x128xi1> to vector<128x128xi32>
    %convert_element_type3A_30 = arith.sitofp %convert_element_type3A_29 : vector<128x128xi32> to vector<128x128xf32>
    %get3A = arith.index_cast %rem3A_1 : i32 to index
    %get3A_31 = arith.constant 0 : index
    %get3A_32 = arith.constant 0 : index
    %get3A_33 = vector.load %arg5[%get3A, %get3A_31, %get3A_32] : memref<2x128x3584xf32, #tpu.memory_space<vmem>>, vector<1x128x3584xf32>
    %get3A_34 = vector.shape_cast %get3A_33 : vector<1x128x3584xf32> to vector<128x3584xf32>
    %dot_general3A = arith.constant dense<0.000000e+00> : vector<3584x128xf32>
    %dot_general3A_35 = tpu.matmul %get3A_34, %convert_element_type3A_30, %dot_general3A {dimension_numbers = #tpu.dot_dimension_numbers<[0], [0], [1], [1], [0, 1, 1, 1], [], []>, precision = #tpu.contract_precision<fp32>, transpose_lhs_hint = false} : vector<128x3584xf32>, vector<128x128xf32>, vector<3584x128xf32> -> vector<3584x128xf32>
    %swap3A = arith.constant 0 : index
    %swap3A_36 = arith.constant 0 : index
    %swap3A_37 = vector.load %arg4[%swap3A, %swap3A_36] : memref<3584x128xf32, #tpu.memory_space<vmem>>, vector<3584x128xf32>
    tpu.vector_store %arg4[%swap3A, %swap3A_36], %dot_general3A_35 {strides = array<i32>} : memref<3584x128xf32, #tpu.memory_space<vmem>>, vector<3584x128xf32>,
    return
  }
  func.func @transform_1(%arg0: i32, %arg1: i32) -> (i32, i32, i32) {
    %c0_i32 = arith.constant 0 : i32
    %c0_i32_0 = arith.constant 0 : i32
    %c0_i32_1 = arith.constant 0 : i32
    %c0_i32_2 = arith.constant 0 : i32
    return %c0_i32, %c0_i32_0, %c0_i32_1 : i32, i32, i32
  }
  func.func @transform_2(%arg0: i32, %arg1: i32) -> (i32, i32) {
    %mul3A = arith.constant 7 : i32
    %mul3A_0 = arith.muli %arg0, %mul3A : i32
    %add3A = arith.addi %mul3A_0, %arg1 : i32
    %c0_i32 = arith.constant 0 : i32
    %c0_i32_1 = arith.constant 0 : i32
    return %add3A, %c0_i32 : i32, i32
  }
}

module attributes {stable_mosaic.version = 14 : i64} {
  func.func @_transpose_body(%arg0: i32, %arg1: i32, %arg2: memref<26x32x100000xf32, #tpu.memory_space<hbm>>, %arg3: memref<26x32x32xf32, #tpu.memory_space<vmem>>, %arg4: memref<3584x128xf32, #tpu.memory_space<vmem>>, %arg5: memref<2x128x3584xf32, #tpu.memory_space<vmem>>, %arg6: memref<2x4x!tpu.dma_semaphore, #tpu.memory_space<semaphore_mem>>) attributes {dimension_semantics = [#tpu.dimension_semantics<arbitrary>, #tpu.dimension_semantics<arbitrary>], iteration_bounds = array<i64: 13, 7>, scalar_prefetch = 0 : i64, scratch_operands = 2 : i64, tpu.core_type = #tpu.core_type<tc>, window_params = [{}, {pipeline_mode = #tpu.pipeline_mode<synchronous>, transform_indices = @transform_1, window_bounds = array<i64: 26, 32, 32>}, {transform_indices = @transform_2, window_bounds = array<i64: 3584, 128>}]} {
    %mul3A = arith.constant 7 : i32
    %mul3A_0 = arith.muli %arg0, %mul3A : i32
    %add3A = arith.addi %mul3A_0, %arg1 : i32
    %rem3A = arith.constant 2 : i32
    %rem3A_1 = arith.remsi %add3A, %rem3A : i32
    %add3A_2 = arith.constant 1 : i32
    %add3A_3 = arith.addi %add3A, %add3A_2 : i32
    %rem3A_4 = arith.constant 2 : i32
    %rem3A_5 = arith.remsi %add3A_3, %rem3A_4 : i32
    %eq3A = arith.constant 0 : i32
    %eq3A_6 = arith.cmpi eq, %add3A, %eq3A : i32
    %convert_element_type3A = arith.extui %eq3A_6 : i1 to i32
    %cond3A = arith.constant 0 : i32
    %cond3A_7 = arith.cmpi ne, %convert_element_type3A, %cond3A : i32
    scf.if %cond3A_7 {
      %lt3A_38 = arith.constant 6 : i32
      %lt3A_39 = arith.cmpi slt, %arg1, %lt3A_38 : i32
      %convert_element_type3A_40 = arith.extui %lt3A_39 : i1 to i32
      %cond3A_41 = arith.constant 0 : i32
      %cond3A_42 = arith.cmpi ne, %convert_element_type3A_40, %cond3A_41 : i32
      scf.if %cond3A_42 {
        %add3A_48 = arith.constant 0 : i32
        %add3A_49 = arith.addi %arg0, %add3A_48 : i32
        %mul3A_50 = arith.constant 3584 : i32
        %mul3A_51 = arith.muli %arg1, %mul3A_50 : i32
        %add3A_52 = arith.constant 0 : i32
        %add3A_53 = arith.addi %add3A_52, %mul3A_51 : i32
        %add3A_54 = arith.constant 0 : i32
        %add3A_55 = arith.addi %arg0, %add3A_54 : i32
        %mul3A_56 = arith.constant 3584 : i32
        %mul3A_57 = arith.muli %arg1, %mul3A_56 : i32
        %add3A_58 = arith.constant 25088 : i32
        %add3A_59 = arith.addi %add3A_58, %mul3A_57 : i32
        %add3A_60 = arith.constant 0 : i32
        %add3A_61 = arith.addi %arg0, %add3A_60 : i32
        %mul3A_62 = arith.constant 3584 : i32
        %mul3A_63 = arith.muli %arg1, %mul3A_62 : i32
        %add3A_64 = arith.constant 50176 : i32
        %add3A_65 = arith.addi %add3A_64, %mul3A_63 : i32
        %add3A_66 = arith.constant 0 : i32
        %add3A_67 = arith.addi %arg0, %add3A_66 : i32
        %mul3A_68 = arith.constant 3584 : i32
        %mul3A_69 = arith.muli %arg1, %mul3A_68 : i32
        %add3A_70 = arith.constant 75264 : i32
        %add3A_71 = arith.addi %add3A_70, %mul3A_69 : i32
        %dma_start3A = arith.constant 0 : i32
        %dma_start3A_72 = tpu.memref_slice %arg6[%rem3A_1, %dma_start3A] : memref<2x4x!tpu.dma_semaphore, #tpu.memory_space<semaphore_mem>> -> memref<1x1x!tpu.dma_semaphore, #tpu.memory_space<semaphore_mem>>
        %dma_start3A_73 = tpu.memref_squeeze %dma_start3A_72 : memref<1x1x!tpu.dma_semaphore, #tpu.memory_space<semaphore_mem>> -> memref<!tpu.dma_semaphore, #tpu.memory_space<semaphore_mem>>
        %dma_start3A_74 = arith.constant 0 : i32
        %dma_start3A_75 = arith.constant 0 : i32
        %dma_start3A_76 = tpu.memref_slice %arg5[%rem3A_1, %dma_start3A_74, %dma_start3A_75] : memref<2x128x3584xf32, #tpu.memory_space<vmem>> -> memref<1x32x3584xf32, #tpu.memory_space<vmem>>
        %dma_start3A_77 = tpu.memref_squeeze %dma_start3A_76 : memref<1x32x3584xf32, #tpu.memory_space<vmem>> -> memref<32x3584xf32, #tpu.memory_space<vmem>>
        %dma_start3A_78 = arith.constant 0 : i32
        %dma_start3A_79 = tpu.memref_slice %arg2[%add3A_49, %dma_start3A_78, %add3A_53] : memref<26x32x100000xf32, #tpu.memory_space<hbm>> -> memref<1x32x3584xf32, #tpu.memory_space<hbm>>
        %dma_start3A_80 = tpu.memref_squeeze %dma_start3A_79 : memref<1x32x3584xf32, #tpu.memory_space<hbm>> -> memref<32x3584xf32, #tpu.memory_space<hbm>>
        tpu.enqueue_dma source(%dma_start3A_80 : memref<32x3584xf32, #tpu.memory_space<hbm>>) target(%dma_start3A_77 : memref<32x3584xf32, #tpu.memory_space<vmem>>) target_semaphore(%dma_start3A_73 : memref<!tpu.dma_semaphore, #tpu.memory_space<semaphore_mem>>)
        %dma_start3A_81 = arith.constant 1 : i32
        %dma_start3A_82 = tpu.memref_slice %arg6[%rem3A_1, %dma_start3A_81] : memref<2x4x!tpu.dma_semaphore, #tpu.memory_space<semaphore_mem>> -> memref<1x1x!tpu.dma_semaphore, #tpu.memory_space<semaphore_mem>>
        %dma_start3A_83 = tpu.memref_squeeze %dma_start3A_82 : memref<1x1x!tpu.dma_semaphore, #tpu.memory_space<semaphore_mem>> -> memref<!tpu.dma_semaphore, #tpu.memory_space<semaphore_mem>>
        %dma_start3A_84 = arith.constant 32 : i32
        %dma_start3A_85 = arith.constant 0 : i32
        %dma_start3A_86 = tpu.memref_slice %arg5[%rem3A_1, %dma_start3A_84, %dma_start3A_85] : memref<2x128x3584xf32, #tpu.memory_space<vmem>> -> memref<1x32x3584xf32, #tpu.memory_space<vmem>>
        %dma_start3A_87 = tpu.memref_squeeze %dma_start3A_86 : memref<1x32x3584xf32, #tpu.memory_space<vmem>> -> memref<32x3584xf32, #tpu.memory_space<vmem>>
        %dma_start3A_88 = arith.constant 0 : i32
        %dma_start3A_89 = tpu.memref_slice %arg2[%add3A_55, %dma_start3A_88, %add3A_59] : memref<26x32x100000xf32, #tpu.memory_space<hbm>> -> memref<1x32x3584xf32, #tpu.memory_space<hbm>>
        %dma_start3A_90 = tpu.memref_squeeze %dma_start3A_89 : memref<1x32x3584xf32, #tpu.memory_space<hbm>> -> memref<32x3584xf32, #tpu.memory_space<hbm>>
        tpu.enqueue_dma source(%dma_start3A_90 : memref<32x3584xf32, #tpu.memory_space<hbm>>) target(%dma_start3A_87 : memref<32x3584xf32, #tpu.memory_space<vmem>>) target_semaphore(%dma_start3A_83 : memref<!tpu.dma_semaphore, #tpu.memory_space<semaphore_mem>>)
        %dma_start3A_91 = arith.constant 2 : i32
        %dma_start3A_92 = tpu.memref_slice %arg6[%rem3A_1, %dma_start3A_91] : memref<2x4x!tpu.dma_semaphore, #tpu.memory_space<semaphore_mem>> -> memref<1x1x!tpu.dma_semaphore, #tpu.memory_space<semaphore_mem>>
        %dma_start3A_93 = tpu.memref_squeeze %dma_start3A_92 : memref<1x1x!tpu.dma_semaphore, #tpu.memory_space<semaphore_mem>> -> memref<!tpu.dma_semaphore, #tpu.memory_space<semaphore_mem>>
        %dma_start3A_94 = arith.constant 64 : i32
        %dma_start3A_95 = arith.constant 0 : i32
        %dma_start3A_96 = tpu.memref_slice %arg5[%rem3A_1, %dma_start3A_94, %dma_start3A_95] : memref<2x128x3584xf32, #tpu.memory_space<vmem>> -> memref<1x32x3584xf32, #tpu.memory_space<vmem>>
        %dma_start3A_97 = tpu.memref_squeeze %dma_start3A_96 : memref<1x32x3584xf32, #tpu.memory_space<vmem>> -> memref<32x3584xf32, #tpu.memory_space<vmem>>
        %dma_start3A_98 = arith.constant 0 : i32
        %dma_start3A_99 = tpu.memref_slice %arg2[%add3A_61, %dma_start3A_98, %add3A_65] : memref<26x32x100000xf32, #tpu.memory_space<hbm>> -> memref<1x32x3584xf32, #tpu.memory_space<hbm>>
        %dma_start3A_100 = tpu.memref_squeeze %dma_start3A_99 : memref<1x32x3584xf32, #tpu.memory_space<hbm>> -> memref<32x3584xf32, #tpu.memory_space<hbm>>
        tpu.enqueue_dma source(%dma_start3A_100 : memref<32x3584xf32, #tpu.memory_space<hbm>>) target(%dma_start3A_97 : memref<32x3584xf32, #tpu.memory_space<vmem>>) target_semaphore(%dma_start3A_93 : memref<!tpu.dma_semaphore, #tpu.memory_space<semaphore_mem>>)
        %dma_start3A_101 = arith.constant 3 : i32
        %dma_start3A_102 = tpu.memref_slice %arg6[%rem3A_1, %dma_start3A_101] : memref<2x4x!tpu.dma_semaphore, #tpu.memory_space<semaphore_mem>> -> memref<1x1x!tpu.dma_semaphore, #tpu.memory_space<semaphore_mem>>
        %dma_start3A_103 = tpu.memref_squeeze %dma_start3A_102 : memref<1x1x!tpu.dma_semaphore, #tpu.memory_space<semaphore_mem>> -> memref<!tpu.dma_semaphore, #tpu.memory_space<semaphore_mem>>
        %dma_start3A_104 = arith.constant 96 : i32
        %dma_start3A_105 = arith.constant 0 : i32
        %dma_start3A_106 = tpu.memref_slice %arg5[%rem3A_1, %dma_start3A_104, %dma_start3A_105] : memref<2x128x3584xf32, #tpu.memory_space<vmem>> -> memref<1x32x3584xf32, #tpu.memory_space<vmem>>
        %dma_start3A_107 = tpu.memref_squeeze %dma_start3A_106 : memref<1x32x3584xf32, #tpu.memory_space<vmem>> -> memref<32x3584xf32, #tpu.memory_space<vmem>>
        %dma_start3A_108 = arith.constant 0 : i32
        %dma_start3A_109 = tpu.memref_slice %arg2[%add3A_67, %dma_start3A_108, %add3A_71] : memref<26x32x100000xf32, #tpu.memory_space<hbm>> -> memref<1x32x3584xf32, #tpu.memory_space<hbm>>
        %dma_start3A_110 = tpu.memref_squeeze %dma_start3A_109 : memref<1x32x3584xf32, #tpu.memory_space<hbm>> -> memref<32x3584xf32, #tpu.memory_space<hbm>>
        tpu.enqueue_dma source(%dma_start3A_110 : memref<32x3584xf32, #tpu.memory_space<hbm>>) target(%dma_start3A_107 : memref<32x3584xf32, #tpu.memory_space<vmem>>) target_semaphore(%dma_start3A_103 : memref<!tpu.dma_semaphore, #tpu.memory_space<semaphore_mem>>)
      } else {
      }
      %eq3A_43 = arith.constant 6 : i32
      %eq3A_44 = arith.cmpi eq, %arg1, %eq3A_43 : i32
      %convert_element_type3A_45 = arith.extui %eq3A_44 : i1 to i32
      %cond3A_46 = arith.constant 0 : i32
      %cond3A_47 = arith.cmpi ne, %convert_element_type3A_45, %cond3A_46 : i32
      scf.if %cond3A_47 {
        %add3A_48 = arith.constant 0 : i32
        %add3A_49 = arith.addi %arg0, %add3A_48 : i32
        %mul3A_50 = arith.constant 3584 : i32
        %mul3A_51 = arith.muli %arg1, %mul3A_50 : i32
        %add3A_52 = arith.constant 0 : i32
        %add3A_53 = arith.addi %add3A_52, %mul3A_51 : i32
        %add3A_54 = arith.constant 0 : i32
        %add3A_55 = arith.addi %arg0, %add3A_54 : i32
        %mul3A_56 = arith.constant 3584 : i32
        %mul3A_57 = arith.muli %arg1, %mul3A_56 : i32
        %add3A_58 = arith.constant 25088 : i32
        %add3A_59 = arith.addi %add3A_58, %mul3A_57 : i32
        %add3A_60 = arith.constant 0 : i32
        %add3A_61 = arith.addi %arg0, %add3A_60 : i32
        %mul3A_62 = arith.constant 3584 : i32
        %mul3A_63 = arith.muli %arg1, %mul3A_62 : i32
        %add3A_64 = arith.constant 50176 : i32
        %add3A_65 = arith.addi %add3A_64, %mul3A_63 : i32
        %add3A_66 = arith.constant 0 : i32
        %add3A_67 = arith.addi %arg0, %add3A_66 : i32
        %mul3A_68 = arith.constant 3584 : i32
        %mul3A_69 = arith.muli %arg1, %mul3A_68 : i32
        %add3A_70 = arith.constant 75264 : i32
        %add3A_71 = arith.addi %add3A_70, %mul3A_69 : i32
        %dma_start3A = arith.constant 0 : i32
        %dma_start3A_72 = tpu.memref_slice %arg6[%rem3A_1, %dma_start3A] : memref<2x4x!tpu.dma_semaphore, #tpu.memory_space<semaphore_mem>> -> memref<1x1x!tpu.dma_semaphore, #tpu.memory_space<semaphore_mem>>
        %dma_start3A_73 = tpu.memref_squeeze %dma_start3A_72 : memref<1x1x!tpu.dma_semaphore, #tpu.memory_space<semaphore_mem>> -> memref<!tpu.dma_semaphore, #tpu.memory_space<semaphore_mem>>
        %dma_start3A_74 = arith.constant 0 : i32
        %dma_start3A_75 = arith.constant 0 : i32
        %dma_start3A_76 = tpu.memref_slice %arg5[%rem3A_1, %dma_start3A_74, %dma_start3A_75] : memref<2x128x3584xf32, #tpu.memory_space<vmem>> -> memref<1x32x3584xf32, #tpu.memory_space<vmem>>
        %dma_start3A_77 = tpu.memref_squeeze %dma_start3A_76 : memref<1x32x3584xf32, #tpu.memory_space<vmem>> -> memref<32x3584xf32, #tpu.memory_space<vmem>>
        %dma_start3A_78 = arith.constant 0 : i32
        %dma_start3A_79 = tpu.memref_slice %arg2[%add3A_49, %dma_start3A_78, %add3A_53] : memref<26x32x100000xf32, #tpu.memory_space<hbm>> -> memref<1x32x3584xf32, #tpu.memory_space<hbm>>
        %dma_start3A_80 = tpu.memref_squeeze %dma_start3A_79 : memref<1x32x3584xf32, #tpu.memory_space<hbm>> -> memref<32x3584xf32, #tpu.memory_space<hbm>>
        tpu.enqueue_dma source(%dma_start3A_80 : memref<32x3584xf32, #tpu.memory_space<hbm>>) target(%dma_start3A_77 : memref<32x3584xf32, #tpu.memory_space<vmem>>) target_semaphore(%dma_start3A_73 : memref<!tpu.dma_semaphore, #tpu.memory_space<semaphore_mem>>)
        %dma_start3A_81 = arith.constant 1 : i32
        %dma_start3A_82 = tpu.memref_slice %arg6[%rem3A_1, %dma_start3A_81] : memref<2x4x!tpu.dma_semaphore, #tpu.memory_space<semaphore_mem>> -> memref<1x1x!tpu.dma_semaphore, #tpu.memory_space<semaphore_mem>>
        %dma_start3A_83 = tpu.memref_squeeze %dma_start3A_82 : memref<1x1x!tpu.dma_semaphore, #tpu.memory_space<semaphore_mem>> -> memref<!tpu.dma_semaphore, #tpu.memory_space<semaphore_mem>>
        %dma_start3A_84 = arith.constant 32 : i32
        %dma_start3A_85 = arith.constant 0 : i32
        %dma_start3A_86 = tpu.memref_slice %arg5[%rem3A_1, %dma_start3A_84, %dma_start3A_85] : memref<2x128x3584xf32, #tpu.memory_space<vmem>> -> memref<1x32x3584xf32, #tpu.memory_space<vmem>>
        %dma_start3A_87 = tpu.memref_squeeze %dma_start3A_86 : memref<1x32x3584xf32, #tpu.memory_space<vmem>> -> memref<32x3584xf32, #tpu.memory_space<vmem>>
        %dma_start3A_88 = arith.constant 0 : i32
        %dma_start3A_89 = tpu.memref_slice %arg2[%add3A_55, %dma_start3A_88, %add3A_59] : memref<26x32x100000xf32, #tpu.memory_space<hbm>> -> memref<1x32x3584xf32, #tpu.memory_space<hbm>>
        %dma_start3A_90 = tpu.memref_squeeze %dma_start3A_89 : memref<1x32x3584xf32, #tpu.memory_space<hbm>> -> memref<32x3584xf32, #tpu.memory_space<hbm>>
        tpu.enqueue_dma source(%dma_start3A_90 : memref<32x3584xf32, #tpu.memory_space<hbm>>) target(%dma_start3A_87 : memref<32x3584xf32, #tpu.memory_space<vmem>>) target_semaphore(%dma_start3A_83 : memref<!tpu.dma_semaphore, #tpu.memory_space<semaphore_mem>>)
        %dma_start3A_91 = arith.constant 2 : i32
        %dma_start3A_92 = tpu.memref_slice %arg6[%rem3A_1, %dma_start3A_91] : memref<2x4x!tpu.dma_semaphore, #tpu.memory_space<semaphore_mem>> -> memref<1x1x!tpu.dma_semaphore, #tpu.memory_space<semaphore_mem>>
        %dma_start3A_93 = tpu.memref_squeeze %dma_start3A_92 : memref<1x1x!tpu.dma_semaphore, #tpu.memory_space<semaphore_mem>> -> memref<!tpu.dma_semaphore, #tpu.memory_space<semaphore_mem>>
        %dma_start3A_94 = arith.constant 64 : i32
        %dma_start3A_95 = arith.constant 0 : i32
        %dma_start3A_96 = tpu.memref_slice %arg5[%rem3A_1, %dma_start3A_94, %dma_start3A_95] : memref<2x128x3584xf32, #tpu.memory_space<vmem>> -> memref<1x32x3584xf32, #tpu.memory_space<vmem>>
        %dma_start3A_97 = tpu.memref_squeeze %dma_start3A_96 : memref<1x32x3584xf32, #tpu.memory_space<vmem>> -> memref<32x3584xf32, #tpu.memory_space<vmem>>
        %dma_start3A_98 = arith.constant 0 : i32
        %dma_start3A_99 = tpu.memref_slice %arg2[%add3A_61, %dma_start3A_98, %add3A_65] : memref<26x32x100000xf32, #tpu.memory_space<hbm>> -> memref<1x32x3584xf32, #tpu.memory_space<hbm>>
        %dma_start3A_100 = tpu.memref_squeeze %dma_start3A_99 : memref<1x32x3584xf32, #tpu.memory_space<hbm>> -> memref<32x3584xf32, #tpu.memory_space<hbm>>
        tpu.enqueue_dma source(%dma_start3A_100 : memref<32x3584xf32, #tpu.memory_space<hbm>>) target(%dma_start3A_97 : memref<32x3584xf32, #tpu.memory_space<vmem>>) target_semaphore(%dma_start3A_93 : memref<!tpu.dma_semaphore, #tpu.memory_space<semaphore_mem>>)
        %dma_start3A_101 = arith.constant 3 : i32
        %dma_start3A_102 = tpu.memref_slice %arg6[%rem3A_1, %dma_start3A_101] : memref<2x4x!tpu.dma_semaphore, #tpu.memory_space<semaphore_mem>> -> memref<1x1x!tpu.dma_semaphore, #tpu.memory_space<semaphore_mem>>
        %dma_start3A_103 = tpu.memref_squeeze %dma_start3A_102 : memref<1x1x!tpu.dma_semaphore, #tpu.memory_space<semaphore_mem>> -> memref<!tpu.dma_semaphore, #tpu.memory_space<semaphore_mem>>
        %dma_start3A_104 = arith.constant 96 : i32
        %dma_start3A_105 = arith.constant 0 : i32
        %dma_start3A_106 = tpu.memref_slice %arg5[%rem3A_1, %dma_start3A_104, %dma_start3A_105] : memref<2x128x3584xf32, #tpu.memory_space<vmem>> -> memref<1x32x3584xf32, #tpu.memory_space<vmem>>
        %dma_start3A_107 = tpu.memref_squeeze %dma_start3A_106 : memref<1x32x3584xf32, #tpu.memory_space<vmem>> -> memref<32x3584xf32, #tpu.memory_space<vmem>>
        %dma_start3A_108 = arith.constant 0 : i32
        %dma_start3A_109 = arith.constant 0 : i32
        %dma_start3A_110 = tpu.memref_slice %dma_start3A_107[%dma_start3A_108, %dma_start3A_109] : memref<32x3584xf32, #tpu.memory_space<vmem>> -> memref<32x3200xf32, #tpu.memory_space<vmem>>
        %dma_start3A_111 = arith.constant 0 : i32
        %dma_start3A_112 = tpu.memref_slice %arg2[%add3A_67, %dma_start3A_111, %add3A_71] : memref<26x32x100000xf32, #tpu.memory_space<hbm>> -> memref<1x32x3200xf32, #tpu.memory_space<hbm>>
        %dma_start3A_113 = tpu.memref_squeeze %dma_start3A_112 : memref<1x32x3200xf32, #tpu.memory_space<hbm>> -> memref<32x3200xf32, #tpu.memory_space<hbm>>
        tpu.enqueue_dma source(%dma_start3A_113 : memref<32x3200xf32, #tpu.memory_space<hbm>>) target(%dma_start3A_110 : memref<32x3200xf32, #tpu.memory_space<vmem>>) target_semaphore(%dma_start3A_103 : memref<!tpu.dma_semaphore, #tpu.memory_space<semaphore_mem>>)
      } else {
      }
    } else {
    }
    %lt3A = arith.constant 90 : i32
    %lt3A_8 = arith.cmpi slt, %add3A, %lt3A : i32
    %convert_element_type3A_9 = arith.extui %lt3A_8 : i1 to i32
    %cond3A_10 = arith.constant 0 : i32
    %cond3A_11 = arith.cmpi ne, %convert_element_type3A_9, %cond3A_10 : i32
    scf.if %cond3A_11 {
      %add3A_38 = arith.constant 1 : i32
      %add3A_39 = arith.addi %add3A, %add3A_38 : i32
      %div3A = arith.constant 7 : i32
      %div3A_40 = arith.divsi %add3A_39, %div3A : i32
      %add3A_41 = arith.constant 1 : i32
      %add3A_42 = arith.addi %add3A, %add3A_41 : i32
      %rem3A_43 = arith.constant 7 : i32
      %rem3A_44 = arith.remsi %add3A_42, %rem3A_43 : i32
      %lt3A_45 = arith.constant 6 : i32
      %lt3A_46 = arith.cmpi slt, %rem3A_44, %lt3A_45 : i32
      %convert_element_type3A_47 = arith.extui %lt3A_46 : i1 to i32
      %cond3A_48 = arith.constant 0 : i32
      %cond3A_49 = arith.cmpi ne, %convert_element_type3A_47, %cond3A_48 : i32
      scf.if %cond3A_49 {
        %add3A_55 = arith.constant 0 : i32
        %add3A_56 = arith.addi %div3A_40, %add3A_55 : i32
        %mul3A_57 = arith.constant 3584 : i32
        %mul3A_58 = arith.muli %rem3A_44, %mul3A_57 : i32
        %add3A_59 = arith.constant 0 : i32
        %add3A_60 = arith.addi %add3A_59, %mul3A_58 : i32
        %add3A_61 = arith.constant 0 : i32
        %add3A_62 = arith.addi %div3A_40, %add3A_61 : i32
        %mul3A_63 = arith.constant 3584 : i32
        %mul3A_64 = arith.muli %rem3A_44, %mul3A_63 : i32
        %add3A_65 = arith.constant 25088 : i32
        %add3A_66 = arith.addi %add3A_65, %mul3A_64 : i32
        %add3A_67 = arith.constant 0 : i32
        %add3A_68 = arith.addi %div3A_40, %add3A_67 : i32
        %mul3A_69 = arith.constant 3584 : i32
        %mul3A_70 = arith.muli %rem3A_44, %mul3A_69 : i32
        %add3A_71 = arith.constant 50176 : i32
        %add3A_72 = arith.addi %add3A_71, %mul3A_70 : i32
        %add3A_73 = arith.constant 0 : i32
        %add3A_74 = arith.addi %div3A_40, %add3A_73 : i32
        %mul3A_75 = arith.constant 3584 : i32
        %mul3A_76 = arith.muli %rem3A_44, %mul3A_75 : i32
        %add3A_77 = arith.constant 75264 : i32
        %add3A_78 = arith.addi %add3A_77, %mul3A_76 : i32
        %dma_start3A = arith.constant 0 : i32
        %dma_start3A_79 = tpu.memref_slice %arg6[%rem3A_5, %dma_start3A] : memref<2x4x!tpu.dma_semaphore, #tpu.memory_space<semaphore_mem>> -> memref<1x1x!tpu.dma_semaphore, #tpu.memory_space<semaphore_mem>>
        %dma_start3A_80 = tpu.memref_squeeze %dma_start3A_79 : memref<1x1x!tpu.dma_semaphore, #tpu.memory_space<semaphore_mem>> -> memref<!tpu.dma_semaphore, #tpu.memory_space<semaphore_mem>>
        %dma_start3A_81 = arith.constant 0 : i32
        %dma_start3A_82 = arith.constant 0 : i32
        %dma_start3A_83 = tpu.memref_slice %arg5[%rem3A_5, %dma_start3A_81, %dma_start3A_82] : memref<2x128x3584xf32, #tpu.memory_space<vmem>> -> memref<1x32x3584xf32, #tpu.memory_space<vmem>>
        %dma_start3A_84 = tpu.memref_squeeze %dma_start3A_83 : memref<1x32x3584xf32, #tpu.memory_space<vmem>> -> memref<32x3584xf32, #tpu.memory_space<vmem>>
        %dma_start3A_85 = arith.constant 0 : i32
        %dma_start3A_86 = tpu.memref_slice %arg2[%add3A_56, %dma_start3A_85, %add3A_60] : memref<26x32x100000xf32, #tpu.memory_space<hbm>> -> memref<1x32x3584xf32, #tpu.memory_space<hbm>>
        %dma_start3A_87 = tpu.memref_squeeze %dma_start3A_86 : memref<1x32x3584xf32, #tpu.memory_space<hbm>> -> memref<32x3584xf32, #tpu.memory_space<hbm>>
        tpu.enqueue_dma source(%dma_start3A_87 : memref<32x3584xf32, #tpu.memory_space<hbm>>) target(%dma_start3A_84 : memref<32x3584xf32, #tpu.memory_space<vmem>>) target_semaphore(%dma_start3A_80 : memref<!tpu.dma_semaphore, #tpu.memory_space<semaphore_mem>>)
        %dma_start3A_88 = arith.constant 1 : i32
        %dma_start3A_89 = tpu.memref_slice %arg6[%rem3A_5, %dma_start3A_88] : memref<2x4x!tpu.dma_semaphore, #tpu.memory_space<semaphore_mem>> -> memref<1x1x!tpu.dma_semaphore, #tpu.memory_space<semaphore_mem>>
        %dma_start3A_90 = tpu.memref_squeeze %dma_start3A_89 : memref<1x1x!tpu.dma_semaphore, #tpu.memory_space<semaphore_mem>> -> memref<!tpu.dma_semaphore, #tpu.memory_space<semaphore_mem>>
        %dma_start3A_91 = arith.constant 32 : i32
        %dma_start3A_92 = arith.constant 0 : i32
        %dma_start3A_93 = tpu.memref_slice %arg5[%rem3A_5, %dma_start3A_91, %dma_start3A_92] : memref<2x128x3584xf32, #tpu.memory_space<vmem>> -> memref<1x32x3584xf32, #tpu.memory_space<vmem>>
        %dma_start3A_94 = tpu.memref_squeeze %dma_start3A_93 : memref<1x32x3584xf32, #tpu.memory_space<vmem>> -> memref<32x3584xf32, #tpu.memory_space<vmem>>
        %dma_start3A_95 = arith.constant 0 : i32
        %dma_start3A_96 = tpu.memref_slice %arg2[%add3A_62, %dma_start3A_95, %add3A_66] : memref<26x32x100000xf32, #tpu.memory_space<hbm>> -> memref<1x32x3584xf32, #tpu.memory_space<hbm>>
        %dma_start3A_97 = tpu.memref_squeeze %dma_start3A_96 : memref<1x32x3584xf32, #tpu.memory_space<hbm>> -> memref<32x3584xf32, #tpu.memory_space<hbm>>
        tpu.enqueue_dma source(%dma_start3A_97 : memref<32x3584xf32, #tpu.memory_space<hbm>>) target(%dma_start3A_94 : memref<32x3584xf32, #tpu.memory_space<vmem>>) target_semaphore(%dma_start3A_90 : memref<!tpu.dma_semaphore, #tpu.memory_space<semaphore_mem>>)
        %dma_start3A_98 = arith.constant 2 : i32
        %dma_start3A_99 = tpu.memref_slice %arg6[%rem3A_5, %dma_start3A_98] : memref<2x4x!tpu.dma_semaphore, #tpu.memory_space<semaphore_mem>> -> memref<1x1x!tpu.dma_semaphore, #tpu.memory_space<semaphore_mem>>
        %dma_start3A_100 = tpu.memref_squeeze %dma_start3A_99 : memref<1x1x!tpu.dma_semaphore, #tpu.memory_space<semaphore_mem>> -> memref<!tpu.dma_semaphore, #tpu.memory_space<semaphore_mem>>
        %dma_start3A_101 = arith.constant 64 : i32
        %dma_start3A_102 = arith.constant 0 : i32
        %dma_start3A_103 = tpu.memref_slice %arg5[%rem3A_5, %dma_start3A_101, %dma_start3A_102] : memref<2x128x3584xf32, #tpu.memory_space<vmem>> -> memref<1x32x3584xf32, #tpu.memory_space<vmem>>
        %dma_start3A_104 = tpu.memref_squeeze %dma_start3A_103 : memref<1x32x3584xf32, #tpu.memory_space<vmem>> -> memref<32x3584xf32, #tpu.memory_space<vmem>>
        %dma_start3A_105 = arith.constant 0 : i32
        %dma_start3A_106 = tpu.memref_slice %arg2[%add3A_68, %dma_start3A_105, %add3A_72] : memref<26x32x100000xf32, #tpu.memory_space<hbm>> -> memref<1x32x3584xf32, #tpu.memory_space<hbm>>
        %dma_start3A_107 = tpu.memref_squeeze %dma_start3A_106 : memref<1x32x3584xf32, #tpu.memory_space<hbm>> -> memref<32x3584xf32, #tpu.memory_space<hbm>>
        tpu.enqueue_dma source(%dma_start3A_107 : memref<32x3584xf32, #tpu.memory_space<hbm>>) target(%dma_start3A_104 : memref<32x3584xf32, #tpu.memory_space<vmem>>) target_semaphore(%dma_start3A_100 : memref<!tpu.dma_semaphore, #tpu.memory_space<semaphore_mem>>)
        %dma_start3A_108 = arith.constant 3 : i32
        %dma_start3A_109 = tpu.memref_slice %arg6[%rem3A_5, %dma_start3A_108] : memref<2x4x!tpu.dma_semaphore, #tpu.memory_space<semaphore_mem>> -> memref<1x1x!tpu.dma_semaphore, #tpu.memory_space<semaphore_mem>>
        %dma_start3A_110 = tpu.memref_squeeze %dma_start3A_109 : memref<1x1x!tpu.dma_semaphore, #tpu.memory_space<semaphore_mem>> -> memref<!tpu.dma_semaphore, #tpu.memory_space<semaphore_mem>>
        %dma_start3A_111 = arith.constant 96 : i32
        %dma_start3A_112 = arith.constant 0 : i32
        %dma_start3A_113 = tpu.memref_slice %arg5[%rem3A_5, %dma_start3A_111, %dma_start3A_112] : memref<2x128x3584xf32, #tpu.memory_space<vmem>> -> memref<1x32x3584xf32, #tpu.memory_space<vmem>>
        %dma_start3A_114 = tpu.memref_squeeze %dma_start3A_113 : memref<1x32x3584xf32, #tpu.memory_space<vmem>> -> memref<32x3584xf32, #tpu.memory_space<vmem>>
        %dma_start3A_115 = arith.constant 0 : i32
        %dma_start3A_116 = tpu.memref_slice %arg2[%add3A_74, %dma_start3A_115, %add3A_78] : memref<26x32x100000xf32, #tpu.memory_space<hbm>> -> memref<1x32x3584xf32, #tpu.memory_space<hbm>>
        %dma_start3A_117 = tpu.memref_squeeze %dma_start3A_116 : memref<1x32x3584xf32, #tpu.memory_space<hbm>> -> memref<32x3584xf32, #tpu.memory_space<hbm>>
        tpu.enqueue_dma source(%dma_start3A_117 : memref<32x3584xf32, #tpu.memory_space<hbm>>) target(%dma_start3A_114 : memref<32x3584xf32, #tpu.memory_space<vmem>>) target_semaphore(%dma_start3A_110 : memref<!tpu.dma_semaphore, #tpu.memory_space<semaphore_mem>>)
      } else {
      }
      %eq3A_50 = arith.constant 6 : i32
      %eq3A_51 = arith.cmpi eq, %rem3A_44, %eq3A_50 : i32
      %convert_element_type3A_52 = arith.extui %eq3A_51 : i1 to i32
      %cond3A_53 = arith.constant 0 : i32
      %cond3A_54 = arith.cmpi ne, %convert_element_type3A_52, %cond3A_53 : i32
      scf.if %cond3A_54 {
        %add3A_55 = arith.constant 0 : i32
        %add3A_56 = arith.addi %div3A_40, %add3A_55 : i32
        %mul3A_57 = arith.constant 3584 : i32
        %mul3A_58 = arith.muli %rem3A_44, %mul3A_57 : i32
        %add3A_59 = arith.constant 0 : i32
        %add3A_60 = arith.addi %add3A_59, %mul3A_58 : i32
        %add3A_61 = arith.constant 0 : i32
        %add3A_62 = arith.addi %div3A_40, %add3A_61 : i32
        %mul3A_63 = arith.constant 3584 : i32
        %mul3A_64 = arith.muli %rem3A_44, %mul3A_63 : i32
        %add3A_65 = arith.constant 25088 : i32
        %add3A_66 = arith.addi %add3A_65, %mul3A_64 : i32
        %add3A_67 = arith.constant 0 : i32
        %add3A_68 = arith.addi %div3A_40, %add3A_67 : i32
        %mul3A_69 = arith.constant 3584 : i32
        %mul3A_70 = arith.muli %rem3A_44, %mul3A_69 : i32
        %add3A_71 = arith.constant 50176 : i32
        %add3A_72 = arith.addi %add3A_71, %mul3A_70 : i32
        %add3A_73 = arith.constant 0 : i32
        %add3A_74 = arith.addi %div3A_40, %add3A_73 : i32
        %mul3A_75 = arith.constant 3584 : i32
        %mul3A_76 = arith.muli %rem3A_44, %mul3A_75 : i32
        %add3A_77 = arith.constant 75264 : i32
        %add3A_78 = arith.addi %add3A_77, %mul3A_76 : i32
        %dma_start3A = arith.constant 0 : i32
        %dma_start3A_79 = tpu.memref_slice %arg6[%rem3A_5, %dma_start3A] : memref<2x4x!tpu.dma_semaphore, #tpu.memory_space<semaphore_mem>> -> memref<1x1x!tpu.dma_semaphore, #tpu.memory_space<semaphore_mem>>
        %dma_start3A_80 = tpu.memref_squeeze %dma_start3A_79 : memref<1x1x!tpu.dma_semaphore, #tpu.memory_space<semaphore_mem>> -> memref<!tpu.dma_semaphore, #tpu.memory_space<semaphore_mem>>
        %dma_start3A_81 = arith.constant 0 : i32
        %dma_start3A_82 = arith.constant 0 : i32
        %dma_start3A_83 = tpu.memref_slice %arg5[%rem3A_5, %dma_start3A_81, %dma_start3A_82] : memref<2x128x3584xf32, #tpu.memory_space<vmem>> -> memref<1x32x3584xf32, #tpu.memory_space<vmem>>
        %dma_start3A_84 = tpu.memref_squeeze %dma_start3A_83 : memref<1x32x3584xf32, #tpu.memory_space<vmem>> -> memref<32x3584xf32, #tpu.memory_space<vmem>>
        %dma_start3A_85 = arith.constant 0 : i32
        %dma_start3A_86 = tpu.memref_slice %arg2[%add3A_56, %dma_start3A_85, %add3A_60] : memref<26x32x100000xf32, #tpu.memory_space<hbm>> -> memref<1x32x3584xf32, #tpu.memory_space<hbm>>
        %dma_start3A_87 = tpu.memref_squeeze %dma_start3A_86 : memref<1x32x3584xf32, #tpu.memory_space<hbm>> -> memref<32x3584xf32, #tpu.memory_space<hbm>>
        tpu.enqueue_dma source(%dma_start3A_87 : memref<32x3584xf32, #tpu.memory_space<hbm>>) target(%dma_start3A_84 : memref<32x3584xf32, #tpu.memory_space<vmem>>) target_semaphore(%dma_start3A_80 : memref<!tpu.dma_semaphore, #tpu.memory_space<semaphore_mem>>)
        %dma_start3A_88 = arith.constant 1 : i32
        %dma_start3A_89 = tpu.memref_slice %arg6[%rem3A_5, %dma_start3A_88] : memref<2x4x!tpu.dma_semaphore, #tpu.memory_space<semaphore_mem>> -> memref<1x1x!tpu.dma_semaphore, #tpu.memory_space<semaphore_mem>>
        %dma_start3A_90 = tpu.memref_squeeze %dma_start3A_89 : memref<1x1x!tpu.dma_semaphore, #tpu.memory_space<semaphore_mem>> -> memref<!tpu.dma_semaphore, #tpu.memory_space<semaphore_mem>>
        %dma_start3A_91 = arith.constant 32 : i32
        %dma_start3A_92 = arith.constant 0 : i32
        %dma_start3A_93 = tpu.memref_slice %arg5[%rem3A_5, %dma_start3A_91, %dma_start3A_92] : memref<2x128x3584xf32, #tpu.memory_space<vmem>> -> memref<1x32x3584xf32, #tpu.memory_space<vmem>>
        %dma_start3A_94 = tpu.memref_squeeze %dma_start3A_93 : memref<1x32x3584xf32, #tpu.memory_space<vmem>> -> memref<32x3584xf32, #tpu.memory_space<vmem>>
        %dma_start3A_95 = arith.constant 0 : i32
        %dma_start3A_96 = tpu.memref_slice %arg2[%add3A_62, %dma_start3A_95, %add3A_66] : memref<26x32x100000xf32, #tpu.memory_space<hbm>> -> memref<1x32x3584xf32, #tpu.memory_space<hbm>>
        %dma_start3A_97 = tpu.memref_squeeze %dma_start3A_96 : memref<1x32x3584xf32, #tpu.memory_space<hbm>> -> memref<32x3584xf32, #tpu.memory_space<hbm>>
        tpu.enqueue_dma source(%dma_start3A_97 : memref<32x3584xf32, #tpu.memory_space<hbm>>) target(%dma_start3A_94 : memref<32x3584xf32, #tpu.memory_space<vmem>>) target_semaphore(%dma_start3A_90 : memref<!tpu.dma_semaphore, #tpu.memory_space<semaphore_mem>>)
        %dma_start3A_98 = arith.constant 2 : i32
        %dma_start3A_99 = tpu.memref_slice %arg6[%rem3A_5, %dma_start3A_98] : memref<2x4x!tpu.dma_semaphore, #tpu.memory_space<semaphore_mem>> -> memref<1x1x!tpu.dma_semaphore, #tpu.memory_space<semaphore_mem>>
        %dma_start3A_100 = tpu.memref_squeeze %dma_start3A_99 : memref<1x1x!tpu.dma_semaphore, #tpu.memory_space<semaphore_mem>> -> memref<!tpu.dma_semaphore, #tpu.memory_space<semaphore_mem>>
        %dma_start3A_101 = arith.constant 64 : i32
        %dma_start3A_102 = arith.constant 0 : i32
        %dma_start3A_103 = tpu.memref_slice %arg5[%rem3A_5, %dma_start3A_101, %dma_start3A_102] : memref<2x128x3584xf32, #tpu.memory_space<vmem>> -> memref<1x32x3584xf32, #tpu.memory_space<vmem>>
        %dma_start3A_104 = tpu.memref_squeeze %dma_start3A_103 : memref<1x32x3584xf32, #tpu.memory_space<vmem>> -> memref<32x3584xf32, #tpu.memory_space<vmem>>
        %dma_start3A_105 = arith.constant 0 : i32
        %dma_start3A_106 = tpu.memref_slice %arg2[%add3A_68, %dma_start3A_105, %add3A_72] : memref<26x32x100000xf32, #tpu.memory_space<hbm>> -> memref<1x32x3584xf32, #tpu.memory_space<hbm>>
        %dma_start3A_107 = tpu.memref_squeeze %dma_start3A_106 : memref<1x32x3584xf32, #tpu.memory_space<hbm>> -> memref<32x3584xf32, #tpu.memory_space<hbm>>
        tpu.enqueue_dma source(%dma_start3A_107 : memref<32x3584xf32, #tpu.memory_space<hbm>>) target(%dma_start3A_104 : memref<32x3584xf32, #tpu.memory_space<vmem>>) target_semaphore(%dma_start3A_100 : memref<!tpu.dma_semaphore, #tpu.memory_space<semaphore_mem>>)
        %dma_start3A_108 = arith.constant 3 : i32
        %dma_start3A_109 = tpu.memref_slice %arg6[%rem3A_5, %dma_start3A_108] : memref<2x4x!tpu.dma_semaphore, #tpu.memory_space<semaphore_mem>> -> memref<1x1x!tpu.dma_semaphore, #tpu.memory_space<semaphore_mem>>
        %dma_start3A_110 = tpu.memref_squeeze %dma_start3A_109 : memref<1x1x!tpu.dma_semaphore, #tpu.memory_space<semaphore_mem>> -> memref<!tpu.dma_semaphore, #tpu.memory_space<semaphore_mem>>
        %dma_start3A_111 = arith.constant 96 : i32
        %dma_start3A_112 = arith.constant 0 : i32
        %dma_start3A_113 = tpu.memref_slice %arg5[%rem3A_5, %dma_start3A_111, %dma_start3A_112] : memref<2x128x3584xf32, #tpu.memory_space<vmem>> -> memref<1x32x3584xf32, #tpu.memory_space<vmem>>
        %dma_start3A_114 = tpu.memref_squeeze %dma_start3A_113 : memref<1x32x3584xf32, #tpu.memory_space<vmem>> -> memref<32x3584xf32, #tpu.memory_space<vmem>>
        %dma_start3A_115 = arith.constant 0 : i32
        %dma_start3A_116 = arith.constant 0 : i32
        %dma_start3A_117 = tpu.memref_slice %dma_start3A_114[%dma_start3A_115, %dma_start3A_116] : memref<32x3584xf32, #tpu.memory_space<vmem>> -> memref<32x3200xf32, #tpu.memory_space<vmem>>
        %dma_start3A_118 = arith.constant 0 : i32
        %dma_start3A_119 = tpu.memref_slice %arg2[%add3A_74, %dma_start3A_118, %add3A_78] : memref<26x32x100000xf32, #tpu.memory_space<hbm>> -> memref<1x32x3200xf32, #tpu.memory_space<hbm>>
        %dma_start3A_120 = tpu.memref_squeeze %dma_start3A_119 : memref<1x32x3200xf32, #tpu.memory_space<hbm>> -> memref<32x3200xf32, #tpu.memory_space<hbm>>
        tpu.enqueue_dma source(%dma_start3A_120 : memref<32x3200xf32, #tpu.memory_space<hbm>>) target(%dma_start3A_117 : memref<32x3200xf32, #tpu.memory_space<vmem>>) target_semaphore(%dma_start3A_110 : memref<!tpu.dma_semaphore, #tpu.memory_space<semaphore_mem>>)
      } else {
      }
    } else {
    }
    %lt3A_12 = arith.constant 6 : i32
    %lt3A_13 = arith.cmpi slt, %arg1, %lt3A_12 : i32
    %convert_element_type3A_14 = arith.extui %lt3A_13 : i1 to i32
    %cond3A_15 = arith.constant 0 : i32
    %cond3A_16 = arith.cmpi ne, %convert_element_type3A_14, %cond3A_15 : i32
    scf.if %cond3A_16 {
      %add3A_38 = arith.constant 0 : i32
      %add3A_39 = arith.addi %arg0, %add3A_38 : i32
      %mul3A_40 = arith.constant 3584 : i32
      %mul3A_41 = arith.muli %arg1, %mul3A_40 : i32
      %add3A_42 = arith.constant 0 : i32
      %add3A_43 = arith.addi %add3A_42, %mul3A_41 : i32
      %add3A_44 = arith.constant 0 : i32
      %add3A_45 = arith.addi %arg0, %add3A_44 : i32
      %mul3A_46 = arith.constant 3584 : i32
      %mul3A_47 = arith.muli %arg1, %mul3A_46 : i32
      %add3A_48 = arith.constant 25088 : i32
      %add3A_49 = arith.addi %add3A_48, %mul3A_47 : i32
      %add3A_50 = arith.constant 0 : i32
      %add3A_51 = arith.addi %arg0, %add3A_50 : i32
      %mul3A_52 = arith.constant 3584 : i32
      %mul3A_53 = arith.muli %arg1, %mul3A_52 : i32
      %add3A_54 = arith.constant 50176 : i32
      %add3A_55 = arith.addi %add3A_54, %mul3A_53 : i32
      %add3A_56 = arith.constant 0 : i32
      %add3A_57 = arith.addi %arg0, %add3A_56 : i32
      %mul3A_58 = arith.constant 3584 : i32
      %mul3A_59 = arith.muli %arg1, %mul3A_58 : i32
      %add3A_60 = arith.constant 75264 : i32
      %add3A_61 = arith.addi %add3A_60, %mul3A_59 : i32
      %dma_wait3A = arith.constant 0 : i32
      %dma_wait3A_62 = tpu.memref_slice %arg6[%rem3A_1, %dma_wait3A] : memref<2x4x!tpu.dma_semaphore, #tpu.memory_space<semaphore_mem>> -> memref<1x1x!tpu.dma_semaphore, #tpu.memory_space<semaphore_mem>>
      %dma_wait3A_63 = tpu.memref_squeeze %dma_wait3A_62 : memref<1x1x!tpu.dma_semaphore, #tpu.memory_space<semaphore_mem>> -> memref<!tpu.dma_semaphore, #tpu.memory_space<semaphore_mem>>
      %dma_wait3A_64 = arith.constant 0 : i32
      %dma_wait3A_65 = arith.constant 0 : i32
      %dma_wait3A_66 = tpu.memref_slice %arg5[%rem3A_1, %dma_wait3A_64, %dma_wait3A_65] : memref<2x128x3584xf32, #tpu.memory_space<vmem>> -> memref<1x32x3584xf32, #tpu.memory_space<vmem>>
      %dma_wait3A_67 = tpu.memref_squeeze %dma_wait3A_66 : memref<1x32x3584xf32, #tpu.memory_space<vmem>> -> memref<32x3584xf32, #tpu.memory_space<vmem>>
      %dma_wait3A_68 = arith.constant 0 : i32
      %dma_wait3A_69 = tpu.memref_slice %arg2[%add3A_39, %dma_wait3A_68, %add3A_43] : memref<26x32x100000xf32, #tpu.memory_space<hbm>> -> memref<1x32x3584xf32, #tpu.memory_space<hbm>>
      %dma_wait3A_70 = tpu.memref_squeeze %dma_wait3A_69 : memref<1x32x3584xf32, #tpu.memory_space<hbm>> -> memref<32x3584xf32, #tpu.memory_space<hbm>>
      tpu.wait_dma2 semaphore(%dma_wait3A_63 : memref<!tpu.dma_semaphore, #tpu.memory_space<semaphore_mem>>) src(%dma_wait3A_70 : memref<32x3584xf32, #tpu.memory_space<hbm>>) dst(%dma_wait3A_67 : memref<32x3584xf32, #tpu.memory_space<vmem>>)
      %dma_wait3A_71 = arith.constant 1 : i32
      %dma_wait3A_72 = tpu.memref_slice %arg6[%rem3A_1, %dma_wait3A_71] : memref<2x4x!tpu.dma_semaphore, #tpu.memory_space<semaphore_mem>> -> memref<1x1x!tpu.dma_semaphore, #tpu.memory_space<semaphore_mem>>
      %dma_wait3A_73 = tpu.memref_squeeze %dma_wait3A_72 : memref<1x1x!tpu.dma_semaphore, #tpu.memory_space<semaphore_mem>> -> memref<!tpu.dma_semaphore, #tpu.memory_space<semaphore_mem>>
      %dma_wait3A_74 = arith.constant 32 : i32
      %dma_wait3A_75 = arith.constant 0 : i32
      %dma_wait3A_76 = tpu.memref_slice %arg5[%rem3A_1, %dma_wait3A_74, %dma_wait3A_75] : memref<2x128x3584xf32, #tpu.memory_space<vmem>> -> memref<1x32x3584xf32, #tpu.memory_space<vmem>>
      %dma_wait3A_77 = tpu.memref_squeeze %dma_wait3A_76 : memref<1x32x3584xf32, #tpu.memory_space<vmem>> -> memref<32x3584xf32, #tpu.memory_space<vmem>>
      %dma_wait3A_78 = arith.constant 0 : i32
      %dma_wait3A_79 = tpu.memref_slice %arg2[%add3A_45, %dma_wait3A_78, %add3A_49] : memref<26x32x100000xf32, #tpu.memory_space<hbm>> -> memref<1x32x3584xf32, #tpu.memory_space<hbm>>
      %dma_wait3A_80 = tpu.memref_squeeze %dma_wait3A_79 : memref<1x32x3584xf32, #tpu.memory_space<hbm>> -> memref<32x3584xf32, #tpu.memory_space<hbm>>
      tpu.wait_dma2 semaphore(%dma_wait3A_73 : memref<!tpu.dma_semaphore, #tpu.memory_space<semaphore_mem>>) src(%dma_wait3A_80 : memref<32x3584xf32, #tpu.memory_space<hbm>>) dst(%dma_wait3A_77 : memref<32x3584xf32, #tpu.memory_space<vmem>>)
      %dma_wait3A_81 = arith.constant 2 : i32
      %dma_wait3A_82 = tpu.memref_slice %arg6[%rem3A_1, %dma_wait3A_81] : memref<2x4x!tpu.dma_semaphore, #tpu.memory_space<semaphore_mem>> -> memref<1x1x!tpu.dma_semaphore, #tpu.memory_space<semaphore_mem>>
      %dma_wait3A_83 = tpu.memref_squeeze %dma_wait3A_82 : memref<1x1x!tpu.dma_semaphore, #tpu.memory_space<semaphore_mem>> -> memref<!tpu.dma_semaphore, #tpu.memory_space<semaphore_mem>>
      %dma_wait3A_84 = arith.constant 64 : i32
      %dma_wait3A_85 = arith.constant 0 : i32
      %dma_wait3A_86 = tpu.memref_slice %arg5[%rem3A_1, %dma_wait3A_84, %dma_wait3A_85] : memref<2x128x3584xf32, #tpu.memory_space<vmem>> -> memref<1x32x3584xf32, #tpu.memory_space<vmem>>
      %dma_wait3A_87 = tpu.memref_squeeze %dma_wait3A_86 : memref<1x32x3584xf32, #tpu.memory_space<vmem>> -> memref<32x3584xf32, #tpu.memory_space<vmem>>
      %dma_wait3A_88 = arith.constant 0 : i32
      %dma_wait3A_89 = tpu.memref_slice %arg2[%add3A_51, %dma_wait3A_88, %add3A_55] : memref<26x32x100000xf32, #tpu.memory_space<hbm>> -> memref<1x32x3584xf32, #tpu.memory_space<hbm>>
      %dma_wait3A_90 = tpu.memref_squeeze %dma_wait3A_89 : memref<1x32x3584xf32, #tpu.memory_space<hbm>> -> memref<32x3584xf32, #tpu.memory_space<hbm>>
      tpu.wait_dma2 semaphore(%dma_wait3A_83 : memref<!tpu.dma_semaphore, #tpu.memory_space<semaphore_mem>>) src(%dma_wait3A_90 : memref<32x3584xf32, #tpu.memory_space<hbm>>) dst(%dma_wait3A_87 : memref<32x3584xf32, #tpu.memory_space<vmem>>)
      %dma_wait3A_91 = arith.constant 3 : i32
      %dma_wait3A_92 = tpu.memref_slice %arg6[%rem3A_1, %dma_wait3A_91] : memref<2x4x!tpu.dma_semaphore, #tpu.memory_space<semaphore_mem>> -> memref<1x1x!tpu.dma_semaphore, #tpu.memory_space<semaphore_mem>>
      %dma_wait3A_93 = tpu.memref_squeeze %dma_wait3A_92 : memref<1x1x!tpu.dma_semaphore, #tpu.memory_space<semaphore_mem>> -> memref<!tpu.dma_semaphore, #tpu.memory_space<semaphore_mem>>
      %dma_wait3A_94 = arith.constant 96 : i32
      %dma_wait3A_95 = arith.constant 0 : i32
      %dma_wait3A_96 = tpu.memref_slice %arg5[%rem3A_1, %dma_wait3A_94, %dma_wait3A_95] : memref<2x128x3584xf32, #tpu.memory_space<vmem>> -> memref<1x32x3584xf32, #tpu.memory_space<vmem>>
      %dma_wait3A_97 = tpu.memref_squeeze %dma_wait3A_96 : memref<1x32x3584xf32, #tpu.memory_space<vmem>> -> memref<32x3584xf32, #tpu.memory_space<vmem>>
      %dma_wait3A_98 = arith.constant 0 : i32
      %dma_wait3A_99 = tpu.memref_slice %arg2[%add3A_57, %dma_wait3A_98, %add3A_61] : memref<26x32x100000xf32, #tpu.memory_space<hbm>> -> memref<1x32x3584xf32, #tpu.memory_space<hbm>>
      %dma_wait3A_100 = tpu.memref_squeeze %dma_wait3A_99 : memref<1x32x3584xf32, #tpu.memory_space<hbm>> -> memref<32x3584xf32, #tpu.memory_space<hbm>>
      tpu.wait_dma2 semaphore(%dma_wait3A_93 : memref<!tpu.dma_semaphore, #tpu.memory_space<semaphore_mem>>) src(%dma_wait3A_100 : memref<32x3584xf32, #tpu.memory_space<hbm>>) dst(%dma_wait3A_97 : memref<32x3584xf32, #tpu.memory_space<vmem>>)
    } else {
    }
    %eq3A_17 = arith.constant 6 : i32
    %eq3A_18 = arith.cmpi eq, %arg1, %eq3A_17 : i32
    %convert_element_type3A_19 = arith.extui %eq3A_18 : i1 to i32
    %cond3A_20 = arith.constant 0 : i32
    %cond3A_21 = arith.cmpi ne, %convert_element_type3A_19, %cond3A_20 : i32
    scf.if %cond3A_21 {
      %add3A_38 = arith.constant 0 : i32
      %add3A_39 = arith.addi %arg0, %add3A_38 : i32
      %mul3A_40 = arith.constant 3584 : i32
      %mul3A_41 = arith.muli %arg1, %mul3A_40 : i32
      %add3A_42 = arith.constant 0 : i32
      %add3A_43 = arith.addi %add3A_42, %mul3A_41 : i32
      %add3A_44 = arith.constant 0 : i32
      %add3A_45 = arith.addi %arg0, %add3A_44 : i32
      %mul3A_46 = arith.constant 3584 : i32
      %mul3A_47 = arith.muli %arg1, %mul3A_46 : i32
      %add3A_48 = arith.constant 25088 : i32
      %add3A_49 = arith.addi %add3A_48, %mul3A_47 : i32
      %add3A_50 = arith.constant 0 : i32
      %add3A_51 = arith.addi %arg0, %add3A_50 : i32
      %mul3A_52 = arith.constant 3584 : i32
      %mul3A_53 = arith.muli %arg1, %mul3A_52 : i32
      %add3A_54 = arith.constant 50176 : i32
      %add3A_55 = arith.addi %add3A_54, %mul3A_53 : i32
      %add3A_56 = arith.constant 0 : i32
      %add3A_57 = arith.addi %arg0, %add3A_56 : i32
      %mul3A_58 = arith.constant 3584 : i32
      %mul3A_59 = arith.muli %arg1, %mul3A_58 : i32
      %add3A_60 = arith.constant 75264 : i32
      %add3A_61 = arith.addi %add3A_60, %mul3A_59 : i32
      %dma_wait3A = arith.constant 0 : i32
      %dma_wait3A_62 = tpu.memref_slice %arg6[%rem3A_1, %dma_wait3A] : memref<2x4x!tpu.dma_semaphore, #tpu.memory_space<semaphore_mem>> -> memref<1x1x!tpu.dma_semaphore, #tpu.memory_space<semaphore_mem>>
      %dma_wait3A_63 = tpu.memref_squeeze %dma_wait3A_62 : memref<1x1x!tpu.dma_semaphore, #tpu.memory_space<semaphore_mem>> -> memref<!tpu.dma_semaphore, #tpu.memory_space<semaphore_mem>>
      %dma_wait3A_64 = arith.constant 0 : i32
      %dma_wait3A_65 = arith.constant 0 : i32
      %dma_wait3A_66 = tpu.memref_slice %arg5[%rem3A_1, %dma_wait3A_64, %dma_wait3A_65] : memref<2x128x3584xf32, #tpu.memory_space<vmem>> -> memref<1x32x3584xf32, #tpu.memory_space<vmem>>
      %dma_wait3A_67 = tpu.memref_squeeze %dma_wait3A_66 : memref<1x32x3584xf32, #tpu.memory_space<vmem>> -> memref<32x3584xf32, #tpu.memory_space<vmem>>
      %dma_wait3A_68 = arith.constant 0 : i32
      %dma_wait3A_69 = tpu.memref_slice %arg2[%add3A_39, %dma_wait3A_68, %add3A_43] : memref<26x32x100000xf32, #tpu.memory_space<hbm>> -> memref<1x32x3584xf32, #tpu.memory_space<hbm>>
      %dma_wait3A_70 = tpu.memref_squeeze %dma_wait3A_69 : memref<1x32x3584xf32, #tpu.memory_space<hbm>> -> memref<32x3584xf32, #tpu.memory_space<hbm>>
      tpu.wait_dma2 semaphore(%dma_wait3A_63 : memref<!tpu.dma_semaphore, #tpu.memory_space<semaphore_mem>>) src(%dma_wait3A_70 : memref<32x3584xf32, #tpu.memory_space<hbm>>) dst(%dma_wait3A_67 : memref<32x3584xf32, #tpu.memory_space<vmem>>)
      %dma_wait3A_71 = arith.constant 1 : i32
      %dma_wait3A_72 = tpu.memref_slice %arg6[%rem3A_1, %dma_wait3A_71] : memref<2x4x!tpu.dma_semaphore, #tpu.memory_space<semaphore_mem>> -> memref<1x1x!tpu.dma_semaphore, #tpu.memory_space<semaphore_mem>>
      %dma_wait3A_73 = tpu.memref_squeeze %dma_wait3A_72 : memref<1x1x!tpu.dma_semaphore, #tpu.memory_space<semaphore_mem>> -> memref<!tpu.dma_semaphore, #tpu.memory_space<semaphore_mem>>
      %dma_wait3A_74 = arith.constant 32 : i32
      %dma_wait3A_75 = arith.constant 0 : i32
      %dma_wait3A_76 = tpu.memref_slice %arg5[%rem3A_1, %dma_wait3A_74, %dma_wait3A_75] : memref<2x128x3584xf32, #tpu.memory_space<vmem>> -> memref<1x32x3584xf32, #tpu.memory_space<vmem>>
      %dma_wait3A_77 = tpu.memref_squeeze %dma_wait3A_76 : memref<1x32x3584xf32, #tpu.memory_space<vmem>> -> memref<32x3584xf32, #tpu.memory_space<vmem>>
      %dma_wait3A_78 = arith.constant 0 : i32
      %dma_wait3A_79 = tpu.memref_slice %arg2[%add3A_45, %dma_wait3A_78, %add3A_49] : memref<26x32x100000xf32, #tpu.memory_space<hbm>> -> memref<1x32x3584xf32, #tpu.memory_space<hbm>>
      %dma_wait3A_80 = tpu.memref_squeeze %dma_wait3A_79 : memref<1x32x3584xf32, #tpu.memory_space<hbm>> -> memref<32x3584xf32, #tpu.memory_space<hbm>>
      tpu.wait_dma2 semaphore(%dma_wait3A_73 : memref<!tpu.dma_semaphore, #tpu.memory_space<semaphore_mem>>) src(%dma_wait3A_80 : memref<32x3584xf32, #tpu.memory_space<hbm>>) dst(%dma_wait3A_77 : memref<32x3584xf32, #tpu.memory_space<vmem>>)
      %dma_wait3A_81 = arith.constant 2 : i32
      %dma_wait3A_82 = tpu.memref_slice %arg6[%rem3A_1, %dma_wait3A_81] : memref<2x4x!tpu.dma_semaphore, #tpu.memory_space<semaphore_mem>> -> memref<1x1x!tpu.dma_semaphore, #tpu.memory_space<semaphore_mem>>
      %dma_wait3A_83 = tpu.memref_squeeze %dma_wait3A_82 : memref<1x1x!tpu.dma_semaphore, #tpu.memory_space<semaphore_mem>> -> memref<!tpu.dma_semaphore, #tpu.memory_space<semaphore_mem>>
      %dma_wait3A_84 = arith.constant 64 : i32
      %dma_wait3A_85 = arith.constant 0 : i32
      %dma_wait3A_86 = tpu.memref_slice %arg5[%rem3A_1, %dma_wait3A_84, %dma_wait3A_85] : memref<2x128x3584xf32, #tpu.memory_space<vmem>> -> memref<1x32x3584xf32, #tpu.memory_space<vmem>>
      %dma_wait3A_87 = tpu.memref_squeeze %dma_wait3A_86 : memref<1x32x3584xf32, #tpu.memory_space<vmem>> -> memref<32x3584xf32, #tpu.memory_space<vmem>>
      %dma_wait3A_88 = arith.constant 0 : i32
      %dma_wait3A_89 = tpu.memref_slice %arg2[%add3A_51, %dma_wait3A_88, %add3A_55] : memref<26x32x100000xf32, #tpu.memory_space<hbm>> -> memref<1x32x3584xf32, #tpu.memory_space<hbm>>
      %dma_wait3A_90 = tpu.memref_squeeze %dma_wait3A_89 : memref<1x32x3584xf32, #tpu.memory_space<hbm>> -> memref<32x3584xf32, #tpu.memory_space<hbm>>
      tpu.wait_dma2 semaphore(%dma_wait3A_83 : memref<!tpu.dma_semaphore, #tpu.memory_space<semaphore_mem>>) src(%dma_wait3A_90 : memref<32x3584xf32, #tpu.memory_space<hbm>>) dst(%dma_wait3A_87 : memref<32x3584xf32, #tpu.memory_space<vmem>>)
      %dma_wait3A_91 = arith.constant 3 : i32
      %dma_wait3A_92 = tpu.memref_slice %arg6[%rem3A_1, %dma_wait3A_91] : memref<2x4x!tpu.dma_semaphore, #tpu.memory_space<semaphore_mem>> -> memref<1x1x!tpu.dma_semaphore, #tpu.memory_space<semaphore_mem>>
      %dma_wait3A_93 = tpu.memref_squeeze %dma_wait3A_92 : memref<1x1x!tpu.dma_semaphore, #tpu.memory_space<semaphore_mem>> -> memref<!tpu.dma_semaphore, #tpu.memory_space<semaphore_mem>>
      %dma_wait3A_94 = arith.constant 96 : i32
      %dma_wait3A_95 = arith.constant 0 : i32
      %dma_wait3A_96 = tpu.memref_slice %arg5[%rem3A_1, %dma_wait3A_94, %dma_wait3A_95] : memref<2x128x3584xf32, #tpu.memory_space<vmem>> -> memref<1x32x3584xf32, #tpu.memory_space<vmem>>
      %dma_wait3A_97 = tpu.memref_squeeze %dma_wait3A_96 : memref<1x32x3584xf32, #tpu.memory_space<vmem>> -> memref<32x3584xf32, #tpu.memory_space<vmem>>
      %dma_wait3A_98 = arith.constant 0 : i32
      %dma_wait3A_99 = arith.constant 0 : i32
      %dma_wait3A_100 = tpu.memref_slice %dma_wait3A_97[%dma_wait3A_98, %dma_wait3A_99] : memref<32x3584xf32, #tpu.memory_space<vmem>> -> memref<32x3200xf32, #tpu.memory_space<vmem>>
      %dma_wait3A_101 = arith.constant 0 : i32
      %dma_wait3A_102 = tpu.memref_slice %arg2[%add3A_57, %dma_wait3A_101, %add3A_61] : memref<26x32x100000xf32, #tpu.memory_space<hbm>> -> memref<1x32x3200xf32, #tpu.memory_space<hbm>>
      %dma_wait3A_103 = tpu.memref_squeeze %dma_wait3A_102 : memref<1x32x3200xf32, #tpu.memory_space<hbm>> -> memref<32x3200xf32, #tpu.memory_space<hbm>>
      tpu.wait_dma2 semaphore(%dma_wait3A_93 : memref<!tpu.dma_semaphore, #tpu.memory_space<semaphore_mem>>) src(%dma_wait3A_103 : memref<32x3200xf32, #tpu.memory_space<hbm>>) dst(%dma_wait3A_100 : memref<32x3200xf32, #tpu.memory_space<vmem>>)
    } else {
    }
    %eq3A_22 = arith.constant 6 : i32
    %eq3A_23 = arith.cmpi eq, %arg1, %eq3A_22 : i32
    %convert_element_type3A_24 = arith.extui %eq3A_23 : i1 to i32
    %cond3A_25 = arith.constant 0 : i32
    %cond3A_26 = arith.cmpi ne, %convert_element_type3A_24, %cond3A_25 : i32
    scf.if %cond3A_26 {
      %add3A_38 = arith.constant 0 : i32
      %add3A_39 = arith.addi %arg0, %add3A_38 : i32
      %get3A_40 = arith.index_cast %add3A_39 : i32 to index
      %get3A_41 = arith.constant 0 : index
      %get3A_42 = arith.constant 0 : index
      %get3A_43 = vector.load %arg3[%get3A_40, %get3A_41, %get3A_42] : memref<26x32x32xf32, #tpu.memory_space<vmem>>, vector<1x32x32xf32>
      %get3A_44 = vector.shape_cast %get3A_43 : vector<1x32x32xf32> to vector<32x32xf32>
      %swap3A_45 = arith.index_cast %rem3A_1 : i32 to index
      %swap3A_46 = arith.constant 96 : index
      %swap3A_47 = arith.constant 3200 : index
      %swap3A_48 = vector.load %arg5[%swap3A_45, %swap3A_46, %swap3A_47] : memref<2x128x3584xf32, #tpu.memory_space<vmem>>, vector<1x32x32xf32>
      %swap3A_49 = vector.shape_cast %swap3A_48 : vector<1x32x32xf32> to vector<32x32xf32>
      %swap3A_50 = vector.shape_cast %get3A_44 : vector<32x32xf32> to vector<1x32x32xf32>
      tpu.vector_store %arg5[%swap3A_45, %swap3A_46, %swap3A_47], %swap3A_50 {strides = array<i32>} : memref<2x128x3584xf32, #tpu.memory_space<vmem>>, vector<1x32x32xf32>,
    } else {
    }
    %iota3A = tpu.iota {dimensions = array<i32: 0>} : vector<128x128xi32>
    %iota3A_27 = tpu.iota {dimensions = array<i32: 1>} : vector<128x128xi32>
    %eq3A_28 = arith.cmpi eq, %iota3A, %iota3A_27 : vector<128x128xi32>
    %convert_element_type3A_29 = arith.extui %eq3A_28 : vector<128x128xi1> to vector<128x128xi32>
    %convert_element_type3A_30 = arith.sitofp %convert_element_type3A_29 : vector<128x128xi32> to vector<128x128xf32>
    %get3A = arith.index_cast %rem3A_1 : i32 to index
    %get3A_31 = arith.constant 0 : index
    %get3A_32 = arith.constant 0 : index
    %get3A_33 = vector.load %arg5[%get3A, %get3A_31, %get3A_32] : memref<2x128x3584xf32, #tpu.memory_space<vmem>>, vector<1x128x3584xf32>
    %get3A_34 = vector.shape_cast %get3A_33 : vector<1x128x3584xf32> to vector<128x3584xf32>
    %dot_general3A = arith.constant dense<0.000000e+00> : vector<3584x128xf32>
    %dot_general3A_35 = tpu.matmul %get3A_34, %convert_element_type3A_30, %dot_general3A {dimension_numbers = #tpu.dot_dimension_numbers<[0], [0], [1], [1], [0, 1, 1, 1], [], []>, precision = #tpu.contract_precision<fp32>, transpose_lhs_hint = false} : vector<128x3584xf32>, vector<128x128xf32>, vector<3584x128xf32> -> vector<3584x128xf32>
    %swap3A = arith.constant 0 : index
    %swap3A_36 = arith.constant 0 : index
    %swap3A_37 = vector.load %arg4[%swap3A, %swap3A_36] : memref<3584x128xf32, #tpu.memory_space<vmem>>, vector<3584x128xf32>
    tpu.vector_store %arg4[%swap3A, %swap3A_36], %dot_general3A_35 {strides = array<i32>} : memref<3584x128xf32, #tpu.memory_space<vmem>>, vector<3584x128xf32>,
    return
  }
  func.func @transform_1(%arg0: i32, %arg1: i32) -> (i32, i32, i32) {
    %c0_i32 = arith.constant 0 : i32
    %c0_i32_0 = arith.constant 0 : i32
    %c0_i32_1 = arith.constant 0 : i32
    %c0_i32_2 = arith.constant 0 : i32
    return %c0_i32, %c0_i32_0, %c0_i32_1 : i32, i32, i32
  }
  func.func @transform_2(%arg0: i32, %arg1: i32) -> (i32, i32) {
    %mul3A = arith.constant 7 : i32
    %mul3A_0 = arith.muli %arg0, %mul3A : i32
    %add3A = arith.addi %mul3A_0, %arg1 : i32
    %c0_i32 = arith.constant 0 : i32
    %c0_i32_1 = arith.constant 0 : i32
    return %add3A, %c0_i32 : i32, i32
  }
}

module attributes {stable_mosaic.version = 14 : i64} {
  func.func @_interleave_body(%arg0: i32, %arg1: memref<512x52xi32, #tpu.memory_space<vmem>>, %arg2: memref<512x416xf32, #tpu.memory_space<vmem>>, %arg3: memref<512x416xf32, #tpu.memory_space<vmem>>, %arg4: memref<858x512xf32, #tpu.memory_space<vmem>>) attributes {dimension_semantics = [#tpu.dimension_semantics<arbitrary>], iteration_bounds = array<i64: 32>, scalar_prefetch = 0 : i64, scratch_operands = 0 : i64, tpu.core_type = #tpu.core_type<tc>, window_params = [{transform_indices = @transform_0, window_bounds = array<i64: 512, 52>}, {transform_indices = @transform_1, window_bounds = array<i64: 512, 416>}, {transform_indices = @transform_2, window_bounds = array<i64: 512, 416>}, {transform_indices = @transform_3, window_bounds = array<i64: 858, 512>}]} {
    %get3A = arith.constant 0 : index
    %get3A_0 = arith.constant 0 : index
    %get3A_1 = vector.load %arg1[%get3A, %get3A_0] : memref<512x52xi32, #tpu.memory_space<vmem>>, vector<512x26xi32>
    %convert_element_type3A = arith.sitofp %get3A_1 : vector<512x26xi32> to vector<512x26xf32>
    %get3A_2 = arith.constant 0 : index
    %get3A_3 = arith.constant 0 : index
    %get3A_4 = vector.load %arg2[%get3A_2, %get3A_3] : memref<512x416xf32, #tpu.memory_space<vmem>>, vector<512x416xf32>
    %get3A_5 = arith.constant 0 : index
    %get3A_6 = arith.constant 0 : index
    %get3A_7 = vector.load %arg3[%get3A_5, %get3A_6] : memref<512x416xf32, #tpu.memory_space<vmem>>, vector<512x416xf32>
    %concatenate3A = tpu.concatenate %convert_element_type3A, %get3A_4, %get3A_7 in 1 : vector<512x26xf32>, vector<512x416xf32>, vector<512x416xf32> -> vector<512x858xf32>
    %transpose3A = tpu.transpose %concatenate3A, [1, 0] : vector<512x858xf32> -> vector<858x512xf32>
    %swap3A = arith.constant 0 : index
    %swap3A_8 = arith.constant 0 : index
    %swap3A_9 = vector.load %arg4[%swap3A, %swap3A_8] : memref<858x512xf32, #tpu.memory_space<vmem>>, vector<858x512xf32>
    tpu.vector_store %arg4[%swap3A, %swap3A_8], %transpose3A {strides = array<i32>} : memref<858x512xf32, #tpu.memory_space<vmem>>, vector<858x512xf32>,
    return
  }
  func.func @transform_0(%arg0: i32) -> (i32, i32) {
    %c0_i32 = arith.constant 0 : i32
    %c0_i32_0 = arith.constant 0 : i32
    return %arg0, %c0_i32 : i32, i32
  }
  func.func @transform_1(%arg0: i32) -> (i32, i32) {
    %c0_i32 = arith.constant 0 : i32
    %c0_i32_0 = arith.constant 0 : i32
    return %arg0, %c0_i32 : i32, i32
  }
  func.func @transform_2(%arg0: i32) -> (i32, i32) {
    %c0_i32 = arith.constant 0 : i32
    %c0_i32_0 = arith.constant 0 : i32
    return %arg0, %c0_i32 : i32, i32
  }
  func.func @transform_3(%arg0: i32) -> (i32, i32) {
    %c0_i32 = arith.constant 0 : i32
    %c0_i32_0 = arith.constant 0 : i32
    return %c0_i32, %arg0 : i32, i32
  }
}

</mosaic_0001>

<sc_bundles>
// kernel: _run.10.cloned.1.call-start
scs
__scs_entry_jumppad:
0x0: {  	(pc) =	sbr.rel $0x88, $3  }
0x1: {  	(tag) =	ssettag $0x0;
	lr =	simm.s32 $0x1  }
0x2: {  	[smem:$0x3F9F] =	sst lr;
	_ =	strace $0xD0000000  }
0x3: {  	_ = 	snop  }
0x4: {  	_ = 	snop  }
0x5: {  	_ = 	snop  }
0x6: {  	_ = 	snop  }
0x7: {  	_ = 	snop  }
__scs_overlays_trampoline_lowered:
0x8: {  	[smem:$0x3FAE] =	sst s0  }
0x9: {  	[smem:$0x3FAF] =	sst s1  }
0xa: {  	[smem:$0x3FB0] =	sst s2  }
0xb: {  	[smem:$0x3FB1] =	sst s3  }
0xc: {  	[smem:$0x3FB2] =	sst s4  }
0xd: {  	[smem:$0x3FB3] =	sst s5  }
0xe: {  	[smem:$0x3FB4] =	sst s6  }
0xf: {  	[smem:$0x3FB5] =	sst s7  }
0x10: {  	[smem:$0x3FB6] =	sst s8  }
0x11: {  	[smem:$0x3FB7] =	sst s9;
	s0 =	simm.s32 @!p0 $0x0  }
0x12: {  	s1 =	sld [smem:$0x3F9D];
	s0 =	simm.s32 @p0 $0x1  }
0x13: {  	[smem:$0x3FB8] =	sst s0;
	s0 =	simm.s32 @!p1 $0x0  }
0x14: {  	s2 =	sld [smem:$0x3F9C];
	s0 =	simm.s32 @p1 $0x1  }
0x15: {  	[smem:$0x3FB9] =	sst s0;
	s0 =	simm.s32 @!p2 $0x0  }
0x16: {  	s3 =	sld [smem:$0x3FDB];
	s0 =	simm.s32 @p2 $0x1  }
0x17: {  	s4 =	simm.s32 $0x1BF5;
	[smem:$0x3FBB] =	sst s0  }
0x18: {  	s0 =	sld [smem:$0x3F9E];
	_ =	swait.ge [sflag:s4], $0x0  }
0x19: {  	s7 =	sld [smem:$0x3F9F]  }
0x1a: {  	s8 =	sadd.s32 $0xFFFFE003, lr  }
0x1b: {  	s9 =	sadd.s32 $0xFFFFFEF7, lr;
	s5 =	simm.s32 $0xFFFFFFFF;
	p2 =	slt.u32 s8, $0xFFFFF086  }
0x1c: {  	p1 =	slt.u32 s9, $0xF7A;
	s5 =	simm.s32 @!p2 $0x0  }
0x1d: {  	s5 =	simm.s32 @p1 $0x1;
	p0 =	seq.s32 s7, s2  }
0x1e: {  	s7 =	smul.u32 @!p0 $0xF7A, s2;
	p2 =	seq.s32 @!p0 s5, $0x0  }
0x1f: {  	s9 =	smul.u32 $0xF7A, s1;
	s8 =	simm.s32 @!p0 $0x1BF5;
	p2 =	por !p2, p0  }
0x20: {  	[sflag:s8] =	ssyncset.s32 @!p0 $0xFFFFF086;
	s6 =	sadd.s32 @!p0 s3, s7;
	s7 =	simm.s32 @!p0 $0x108  }
0x21: {  	s3 =	sadd.s32 s3, s9;
	s6 =	sadd.s32 @!p0 $0x88, s6;
	s7 =	simm.s32 @p2 $0x1082  }
0x22: {  	[simem:s7], [sflag:s8] =	dma.local @!p0 [hbm:s6], $0xF7A  }
0x23: {  	s9 =	sor.u32 $0xD0000000, s2;
	s6 =	simm.s32 $0x108;
	_ =	swait.ge @!p0 [sflag:s8], $0x0  }
0x24: {  	s3 =	sadd.s32 $0x88, s3;
	s6 =	simm.s32 @!p1 $0x1082;
	[sflag:s4] =	ssyncset.s32 $0xFFFFF086  }
0x25: {  	[simem:s6], [sflag:s4] =	dma.local [hbm:s3], $0xF7A  }
0x26: {  	[smem:$0x3F9F] =	sst s1;
	(tag) =	ssettag s2;
	_ =	strace s9  }
0x27: {  	s1 =	sld [smem:$0x3FAF]  }
0x28: {  	s2 =	sld [smem:$0x3FB0]  }
0x29: {  	s4 =	sld [smem:$0x3FB2]  }
0x2a: {  	p0 =	seq.s32 s5, $0x0;
	s5 =	sld [smem:$0x3FB3]  }
0x2b: {  	s6 =	sld [smem:$0x3FB4]  }
0x2c: {  	s7 =	sld [smem:$0x3FB5]  }
0x2d: {  	s3 =	simm.s32 $0x108;
	s8 =	sld [smem:$0x3FB6]  }
0x2e: {  	s3 =	simm.s32 @!p0 $0x1082;
	s9 =	sld [smem:$0x3FB7]  }
0x2f: {  	lr =	sadd.s32 s0, s3;
	s0 =	sld [smem:$0x3FAE]  }
0x30: {  	s3 =	sld [smem:$0x3FB1]  }
0x31: {  	[smem:$0x3FBA] =	sst s10  }
0x32: {  	s10 =	sld [smem:$0x3FB8];
	_ =	sdelay $0x3  }
0x33: {  	p0 =	seq.s32 s10, $0x1;
	s10 =	sld [smem:$0x3FBA];
	_ =	sdelay $0x3  }
0x34: {  	[smem:$0x3FBA] =	sst s10  }
0x35: {  	s10 =	sld [smem:$0x3FB9];
	_ =	sdelay $0x3  }
0x36: {  	p1 =	seq.s32 s10, $0x1;
	s10 =	sld [smem:$0x3FBA];
	_ =	sdelay $0x3  }
0x37: {  	[smem:$0x3FBA] =	sst s10  }
0x38: {  	s10 =	sld [smem:$0x3FBB]  }
0x39: {  	_ = 	snop;
	(pc) =	sbr.ind lr, $3  }
0x3a: {  	_ = 	snop  }
0x3b: {  	_ = 	snop  }
0x3c: {  	p2 =	seq.s32 s10, $0x1;
	s10 =	sld [smem:$0x3FBA]  }
0x3d: {  	_ =	shalt  }
0x3e: {  	_ =	shalt  }
0x3f: {  	_ =	shalt  }
0x40: {  	_ =	shalt  }
0x41: {  	_ =	shalt  }
0x42: {  	_ =	shalt  }
0x43: {  	_ =	shalt  }
0x44: {  	_ =	shalt  }
0x45: {  	_ =	shalt  }
0x46: {  	_ =	shalt  }
0x47: {  	_ =	shalt  }
0x48: {  	_ =	shalt  }
0x49: {  	_ =	shalt  }
0x4a: {  	_ =	shalt  }
0x4b: {  	_ =	shalt  }
0x4c: {  	_ =	shalt  }
0x4d: {  	_ =	shalt  }
0x4e: {  	_ =	shalt  }
0x4f: {  	_ =	shalt  }
0x50: {  	_ =	shalt  }
0x51: {  	_ =	shalt  }
0x52: {  	_ =	shalt  }
0x53: {  	_ =	shalt  }
0x54: {  	_ =	shalt  }
0x55: {  	_ =	shalt  }
0x56: {  	_ =	shalt  }
0x57: {  	_ =	shalt  }
0x58: {  	_ =	shalt  }
0x59: {  	_ =	shalt  }
0x5a: {  	_ =	shalt  }
0x5b: {  	_ =	shalt  }
0x5c: {  	_ =	shalt  }
0x5d: {  	_ =	shalt  }
0x5e: {  	_ =	shalt  }
0x5f: {  	_ =	shalt  }
0x60: {  	_ =	shalt  }
0x61: {  	_ =	shalt  }
0x62: {  	_ =	shalt  }
0x63: {  	_ =	shalt  }
0x64: {  	_ =	shalt  }
0x65: {  	_ =	shalt  }
0x66: {  	_ =	shalt  }
0x67: {  	_ =	shalt  }
0x68: {  	_ =	shalt  }
0x69: {  	_ =	shalt  }
0x6a: {  	_ =	shalt  }
0x6b: {  	_ =	shalt  }
0x6c: {  	_ =	shalt  }
0x6d: {  	_ =	shalt  }
0x6e: {  	_ =	shalt  }
0x6f: {  	_ =	shalt  }
0x70: {  	_ =	shalt  }
0x71: {  	_ =	shalt  }
0x72: {  	_ =	shalt  }
0x73: {  	_ =	shalt  }
0x74: {  	_ =	shalt  }
0x75: {  	_ =	shalt  }
0x76: {  	_ =	shalt  }
0x77: {  	_ =	shalt  }
0x78: {  	_ =	shalt  }
0x79: {  	_ =	shalt  }
0x7a: {  	_ =	shalt  }
0x7b: {  	_ =	shalt  }
0x7c: {  	_ =	shalt  }
0x7d: {  	_ =	shalt  }
0x7e: {  	_ =	shalt  }
0x7f: {  	_ =	shalt  }
0x80: {  	_ =	shalt  }
0x81: {  	_ =	shalt  }
0x82: {  	_ =	shalt  }
0x83: {  	_ =	shalt  }
0x84: {  	_ =	shalt  }
0x85: {  	_ =	shalt  }
0x86: {  	_ =	shalt  }
0x87: {  	_ =	shalt  }
.Lfunc_end0:
.L_simem_size_0:
called_computation.1_lowered:
.L_overlay_start_0:
0x88: {  	s2 =	sld [smem:$0x3FD9]  }
0x89: {  	s3 =	sld [smem:$0x3FFE];
	_ =	sdelay $0x1  }
0x8a: {  	s1 =	srdreg.scid  }
0x8b: {  	s0 =	sand.u32 $0x1, s1  }
0x8c: {  	s16 =	sshll.u32 s0, $0xA;
	s2 =	sadd.s32 s3, s2  }
0x8d: {  	s2 =	sadd.s32 s2, s16  }
0x8e: {  	[smem:$0x3FC6] =	sst s2  }
0x8f: {  	_ = 	snop  }
0x90: {  	(tm) =	ssettm $0x1  }
0x91: {  	s17 =	sld [smem:$0x3FFB];
	_ =	sdelay $0x3  }
0x92: {  	_ =	strace s17  }
0x93: {  	s2 =	sld [smem:$0x3FFC];
	_ =	sdelay $0x3  }
0x94: {  	_ =	strace s2  }
0x95: {  	s2 =	sld [smem:$0x3FFD];
	_ =	sdelay $0x3  }
0x96: {  	_ =	strace s2  }
0x97: {  	_ =	strace $0x8FFFFFFF  }
0x98: {  	s18 =	sld [smem:$0x3FDB];
	_ =	sdelay $0x1  }
0x99: {  	s19 =	simm.s32 $_scs_section_size  }
0x9a: {  	s4 =	simm.s32 $_size__tile_overlayer_lowered;
	s5 =	simm.s32 $_tile_overlayer_lowered  }
0x9b: {  	s22 =	simm.s32 $0x1BFF;
	s21 =	sshll.u32 s5, $0x1;
	s2 =	sadd.s32 s19, s18  }
0x9c: {  	s6 =	simm.s32 $0x0;
	s20 =	sshll.u32 s4, $0x1;
	s4 =	sadd.s32 s21, s2  }
0x9d: {  	[timem:s6], [sflag:s22] =	dma.local [hbm:s4], s20  }
0x9e: {  	_ =	swait.ge [sflag:s22], s20  }
0x9f: {  	s3 =	ssub.s32 $0x0, s20;
	[sflag:s22] =	ssyncset.done $0x0  }
0xa0: {  	[sflag:s22] =	ssyncadd.s32 s3;
	_ =	sdelay $0x1  }
0xa1: {  	s23 =	simm.s32 $0x1B8B  }
0xa2: {  	_ =	swait.ge [sflag:s23], $0x1  }
0xa3: {  	[sflag:s23] =	ssyncset.done $0x0  }
0xa4: {  	s25 =	simm.s32 $0x1B8E;
	s24 =	sld [smem:$0x3FFE];
	[sflag:s23] =	ssyncadd.s32 $0xFFFFFFFF  }
0xa5: {  	s26 =	simm.s32 $execute0_lowered;
	[smem:$0x3FD2] =	sst s25  }
0xa6: {  	s4 =	sshll.u32 s26, $0x1;
	_ =	strace $0x80000046;
	[dreg:$0x1] =	wrdreg $0xFFFFFFFF  }
0xa7: {  	s28 =	simm.s32 $_size_execute0_lowered;
	s2 =	sadd.s32 s2, s4;
	[dreg:$0x0] =	wrdreg $0x0  }
0xa8: {  	s4 =	sshll.u32 s28, $0x1;
	[dreg:$0x2] =	wrdreg s2  }
0xa9: {  	[dreg:$0x3] =	wrdreg s4  }
0xaa: {  	[dreg:$0x4] =	wrdreg $0xC0  }
0xab: {  	_ =	task [dreg:s6], $0x5FFFF  }
0xac: {  	[dreg:$0x1] =	wrdreg $0xFFFFFFFF  }
0xad: {  	[dreg:$0x0] =	wrdreg $0x60  }
0xae: {  	[dreg:$0x2] =	wrdreg s24  }
0xaf: {  	[dreg:$0x3] =	wrdreg $0xA  }
0xb0: {  	_ =	task.clear_ibuf [dreg:s6], $0x4FFFF;
	_ =	strace $0x90000046  }
0xb1: {  	s29 =	simm.s32 $0xA;
	_ =	strace $0x80000048  }
0xb2: {  	_ =	swait.ge [sflag:s29], $0x1  }
0xb3: {  	[sflag:s29] =	ssyncadd.s32 $0xFFFFFFFF  }
0xb4: {  	_ =	strace $0x90000048  }
0xb5: {  	_ =	sfence  }
0xb6: {  	s30 =	sld [smem:$0x0];
	_ =	sdelay $0x2  }
0xb7: {  	s31 =	sshll.u32 s1, $0xD;
	s1 =	sshrl.u32 s1, $0x2  }
0xb8: {  	s3 =	sand.u32 $0x4000, s31;
	s1 =	sadd.s32 s1, s30  }
0xb9: {  	s0 =	sor.u32 s3, s0;
	s1 =	sshll.u32 s1, $0x11  }
0xba: {  	s0 =	sor.u32 s1, s0  }
0xbb: {  	s0 =	sadd.s32 $0x8F2B, s0  }
0xbc: {  	[sflag:s0] =	ssyncadd.remote.s32 $0x1  }
0xbd: {  	_ =	sfence.sel $0xFFFF  }
0xbe: {  	[dreg:$0x0] =	wrdreg $0xFFFFFFFF;
	(pc) =	sbr.abs _section_cstart, $3  }
0xbf: {  	[dreg:$0x1] =	wrdreg $0xFFFFFFFF  }
0xc0: {  	_ =	task.clear_ibuf [dreg:s6], $0x2FFFF;
	_ =	strace $0x9FFFFFFF  }
0xc1: {  	(tm) =	ssettm $0x7FFFFFFF  }
tec
execute0_lowered:
.L_overlay_start_1:
0x0: {  	(tag) =	ssettag $0x1  }
0x1: {  	s0 =	rddreg [dreg:$0x0];
	s1 =	simm.s32 $0x0;
	s2 =	srdreg.scid  }
0x2: {  	s8 =	stileid.u32;
	s9 =	simm.s32 $0x68;
	s10 =	simm.s32 $0x2000  }
0x3: {  	s11 =	simm.s32 $0x2350;
	s12 =	simm.s32 $0x2068;
	s13 =	simm.s32 $0x3050  }
0x4: {  	s14 =	simm.s32 $0x20D0;
	s15 =	simm.s32 $0x3D50;
	s16 =	simm.s32 $0x2138  }
0x5: {  	s17 =	simm.s32 $0x4A50;
	s18 =	simm.s32 $0x21A0;
	s19 =	simm.s32 $0x5750  }
0x6: {  	s20 =	simm.s32 $0x2208;
	s21 =	simm.s32 $0x6450;
	s22 =	simm.s32 $0x2270  }
0x7: {  	s23 =	simm.s32 $0x7150;
	s24 =	simm.s32 $0x22D8;
	s25 =	simm.s32 $0x7E50  }
0x8: {  	s26 =	simm.s32 $0x1;
	s28 =	simm.s32 $0x8B50;
	s2 =	sand.u32 $0x1, s2  }
0x9: {  	[smem:$0x7FF] =	sst s1;
	s3 =	sadd.s32 $0x53B600, s0;
	s5 =	ssub.s32 $0x2, s2  }
0xa: {  	s4 =	sadd.s32 $0x41600, s0;
	s30 =	sshll.u32 s8, $0xA;
	s6 =	sshrl.u32 s5, $0x1  }
0xb: {  	s8 =	simm.s32 $0x2;
	_ =	strace $0x80000047;
	s7 =	ssub.s32 s5, s6  }
0xc: {  	v1 =	vlaneseq.u32;
	s2 =	sshll.u32 s2, $0x9;
	s5 =	sadd.s32 $0x57B600, s0;
	s31 =	smax.u32 s7, $0x1  }
0xd: {  	v0 =	vimm.s32 $0x0;
	vm0 =	vmmov $0x1fff;
	v1 =	vmul.u32 $0x6200, v1;
	s6 =	sor.u32 s2, s30;
	s2 =	simm.s32 $0x0;
	[dreg:$0x2] =	wrdreg s31  }
.LBB2_1:
0xe: {  	[dreg:$0x3] =	wrdreg s2;
	s30 =	simm.s32 $0x0  }
.LBB2_2:
0xf: {  	s0 =	sshll.u32 s30, $0x6  }
0x10: {  	s31 =	sadd.s32 s6, s0  }
0x11: {  	s0 =	sshll.u32 s31, $0x4  }
0x12: {  	s2 =	sadd.s32 s3, s0;
	s0 =	simm.s32 $0x0  }
0x13: {  	[tilespmem:s0], [sflag:$0x2] =	stream.linear.gather [hbm4b:s2+s0], $0x2000, $0x38;
	[tilespmem:$0xF350] =	vst v63  }
0x14: {  	_ =	swait.ge [sflag:s8], $0x2000  }
0x15: {  	[sflag:s8] =	ssyncset.done $0x0  }
0x16: {  	s2 =	simm.s32 $0x27;
	[sflag:s8] =	ssyncadd.s32 $0xFFFFE000  }
0x17: {  	s7 =	simm.s32 $0x34;
	v2 =	vld [tilespmem:s2+$0x0]  }
.LBB2_3:
0x18: {  	p0 =	sne.s32 s7, $0xCCC;
	_ =	sdelay $0x3  }
0x19: {  	vm1 =	vgt.s32 v2, $0x61FF;
	vm2 =	vgt.s32 v2, $0xC3FF  }
0x1a: {  	v3 =	vsel vm1, $0x1, v0;
	v4 =	vsel vm2, $0x1, v0;
	vm1 =	vgt.s32 v2, $0x125FF  }
0x1b: {  	v3 =	vadd.s32 v4, v3;
	v4 =	vsel vm1, $0x1, v0  }
0x1c: {  	v3 =	vadd.s32 v4, v3  }
0x1d: {  	v4 =	vmul.u32 $0x3FFF9E00, v3  }
0x1e: {  	v2 =	vadd.s32 v1, v2  }
0x1f: {  	v2 =	vadd.s32 v4, v2  }
.Ltmp0:
0x20: {  	v2 =	vshll.u32 v2, $0x2;
	(pc) =	sbr.rel @p0 .LBB2_3-.Ltmp0, $4  }
0x21: {  	v2 =	vadd.s32 v3, v2  }
0x22: {  	s29 =	sshra.s32 s0, $0x2;
	s0 =	smov.u32 s7;
	v2 =	vnsel vm0, $0x0, v2  }
0x23: {  	s2 =	sadd.s32 $0x80, s2;
	[tilespmem:s29+$0x2000] =	vst v2  }
0x24: {  	s7 =	sadd.s32 $0x34, s7;
	v2 =	vld [tilespmem:s2+$0x0]  }
0x25: {  	_ =	sdelay $0x3  }
0x26: {  	vm1 =	vgt.s32 v2, $0x61FF;
	vm2 =	vgt.s32 v2, $0xC3FF  }
0x27: {  	v3 =	vsel vm1, $0x1, v0;
	v4 =	vsel vm2, $0x1, v0;
	vm1 =	vgt.s32 v2, $0x125FF  }
0x28: {  	v3 =	vadd.s32 v4, v3;
	v4 =	vsel vm1, $0x1, v0  }
0x29: {  	v3 =	vadd.s32 v4, v3  }
0x2a: {  	v4 =	vmul.u32 $0x3FFF9E00, v3  }
0x2b: {  	v2 =	vadd.s32 v1, v2  }
0x2c: {  	v2 =	vadd.s32 v4, v2  }
0x2d: {  	v2 =	vshll.u32 v2, $0x2  }
0x2e: {  	v2 =	vadd.s32 v3, v2  }
0x2f: {  	s0 =	sshra.s32 s0, $0x2;
	v2 =	vnsel vm0, $0x0, v2  }
0x30: {  	[tilespmem:s0+$0x2000] =	vst v2  }
0x31: {  	[tilespmem:s11], [sflag:$0x1] =	stream.indirect.gather [hbm4b:s4+s9], $0x20, s10, s9, $0xb8;
	[tilespmem:$0xF350] =	vst v63  }
0x32: {  	_ = 	snop  }
0x33: {  	[tilespmem:s13], [sflag:$0x1] =	stream.indirect.gather [hbm4b:s4+s9], $0x20, s12, s9, $0xb8;
	[tilespmem:$0xF350] =	vst v63  }
0x34: {  	_ = 	snop  }
0x35: {  	[tilespmem:s15], [sflag:$0x1] =	stream.indirect.gather [hbm4b:s4+s9], $0x20, s14, s9, $0xb8;
	[tilespmem:$0xF350] =	vst v63  }
0x36: {  	_ = 	snop  }
0x37: {  	[tilespmem:s17], [sflag:$0x1] =	stream.indirect.gather [hbm4b:s4+s9], $0x20, s16, s9, $0xb8;
	[tilespmem:$0xF350] =	vst v63  }
0x38: {  	_ = 	snop  }
0x39: {  	[tilespmem:s19], [sflag:$0x1] =	stream.indirect.gather [hbm4b:s4+s9], $0x20, s18, s9, $0xb8;
	[tilespmem:$0xF350] =	vst v63  }
0x3a: {  	_ = 	snop  }
0x3b: {  	[tilespmem:s21], [sflag:$0x1] =	stream.indirect.gather [hbm4b:s4+s9], $0x20, s20, s9, $0xb8;
	[tilespmem:$0xF350] =	vst v63  }
0x3c: {  	_ = 	snop  }
0x3d: {  	[tilespmem:s23], [sflag:$0x1] =	stream.indirect.gather [hbm4b:s4+s9], $0x20, s22, s9, $0xb8;
	[tilespmem:$0xF350] =	vst v63  }
0x3e: {  	_ = 	snop  }
0x3f: {  	[tilespmem:s25], [sflag:$0x1] =	stream.indirect.gather [hbm4b:s4+s9], $0x20, s24, s9, $0xb8;
	[tilespmem:$0xF350] =	vst v63  }
0x40: {  	_ =	swait.ge [sflag:s26], $0x6800  }
0x41: {  	[sflag:s26] =	ssyncset.done $0x0  }
0x42: {  	s0 =	simm.s32 $0x0;
	[sflag:s26] =	ssyncadd.s32 $0xFFFF9800  }
0x43: {  	v2 =	vld [tilespmem:s0+$0x24E0]  }
0x44: {  	v3 =	vld [tilespmem:s0+$0x2350]  }
0x45: {  	v4 =	vld [tilespmem:s0+$0x2360]  }
0x46: {  	v5 =	vld [tilespmem:s0+$0x2370]  }
0x47: {  	v6 =	vld [tilespmem:s0+$0x2380]  }
0x48: {  	v7 =	vld [tilespmem:s0+$0x2390];
	[tilespmem:s0+$0x8CE0] =	vst v2  }
0x49: {  	[tilespmem:s0+$0x8B50] =	vst v3;
	v2 =	vld [tilespmem:s0+$0x23A0]  }
0x4a: {  	[tilespmem:s0+$0x8B60] =	vst v4;
	v3 =	vld [tilespmem:s0+$0x23B0]  }
0x4b: {  	[tilespmem:s0+$0x8B70] =	vst v5;
	v4 =	vld [tilespmem:s0+$0x23C0]  }
0x4c: {  	[tilespmem:s0+$0x8B80] =	vst v6;
	v5 =	vld [tilespmem:s0+$0x23D0]  }
0x4d: {  	[tilespmem:s0+$0x8B90] =	vst v7;
	v6 =	vld [tilespmem:s0+$0x23E0]  }
0x4e: {  	[tilespmem:s0+$0x8BA0] =	vst v2;
	v2 =	vld [tilespmem:s0+$0x23F0]  }
0x4f: {  	[tilespmem:s0+$0x8BB0] =	vst v3;
	v3 =	vld [tilespmem:s0+$0x2400]  }
0x50: {  	[tilespmem:s0+$0x8BC0] =	vst v4;
	v4 =	vld [tilespmem:s0+$0x2410]  }
0x51: {  	[tilespmem:s0+$0x8BD0] =	vst v5;
	v5 =	vld [tilespmem:s0+$0x2420]  }
0x52: {  	[tilespmem:s0+$0x8BE0] =	vst v6;
	v6 =	vld [tilespmem:s0+$0x2430]  }
0x53: {  	[tilespmem:s0+$0x8BF0] =	vst v2;
	v2 =	vld [tilespmem:s0+$0x2440]  }
0x54: {  	[tilespmem:s0+$0x8C00] =	vst v3;
	v3 =	vld [tilespmem:s0+$0x2450]  }
0x55: {  	[tilespmem:s0+$0x8C10] =	vst v4;
	v4 =	vld [tilespmem:s0+$0x2460]  }
0x56: {  	[tilespmem:s0+$0x8C20] =	vst v5;
	v5 =	vld [tilespmem:s0+$0x2470]  }
0x57: {  	[tilespmem:s0+$0x8C30] =	vst v6;
	v6 =	vld [tilespmem:s0+$0x2480]  }
0x58: {  	[tilespmem:s0+$0x8C40] =	vst v2;
	v2 =	vld [tilespmem:s0+$0x2490]  }
0x59: {  	[tilespmem:s0+$0x8C50] =	vst v3;
	v3 =	vld [tilespmem:s0+$0x24A0]  }
0x5a: {  	[tilespmem:s0+$0x8C60] =	vst v4;
	v4 =	vld [tilespmem:s0+$0x24B0]  }
0x5b: {  	[tilespmem:s0+$0x8C70] =	vst v5;
	v5 =	vld [tilespmem:s0+$0x24C0]  }
0x5c: {  	s7 =	simm.s32 $0x1A0;
	s2 =	simm.s32 $0xD00;
	[tilespmem:s0+$0x8C80] =	vst v6;
	v6 =	vld [tilespmem:s0+$0x24D0]  }
.LBB2_5:
0x5d: {  	p0 =	sne.s32 s2, $0x19980;
	v7 =	vld [tilespmem:s7+$0x24E0];
	[tilespmem:s0+$0x8C90] =	vst v2  }
0x5e: {  	v2 =	vld [tilespmem:s7+$0x2350];
	[tilespmem:s0+$0x8CA0] =	vst v3  }
0x5f: {  	v3 =	vld [tilespmem:s7+$0x2360];
	[tilespmem:s0+$0x8CB0] =	vst v4  }
0x60: {  	v4 =	vld [tilespmem:s7+$0x2370];
	[tilespmem:s0+$0x8CC0] =	vst v5  }
0x61: {  	v5 =	vld [tilespmem:s7+$0x2380];
	[tilespmem:s0+$0x8CD0] =	vst v6;
	s0 =	smov.u32 s7  }
0x62: {  	v6 =	vld [tilespmem:s0+$0x2390];
	[tilespmem:s0+$0x8CE0] =	vst v7  }
0x63: {  	[tilespmem:s0+$0x8B50] =	vst v2;
	v2 =	vld [tilespmem:s0+$0x23A0]  }
0x64: {  	[tilespmem:s0+$0x8B60] =	vst v3;
	v3 =	vld [tilespmem:s0+$0x23B0]  }
0x65: {  	[tilespmem:s0+$0x8B70] =	vst v4;
	v4 =	vld [tilespmem:s0+$0x23C0]  }
0x66: {  	[tilespmem:s0+$0x8B80] =	vst v5;
	v5 =	vld [tilespmem:s0+$0x23D0]  }
0x67: {  	[tilespmem:s0+$0x8B90] =	vst v6;
	v6 =	vld [tilespmem:s0+$0x23E0]  }
0x68: {  	[tilespmem:s0+$0x8BA0] =	vst v2;
	v2 =	vld [tilespmem:s0+$0x23F0]  }
0x69: {  	[tilespmem:s0+$0x8BB0] =	vst v3;
	v3 =	vld [tilespmem:s0+$0x2400]  }
0x6a: {  	[tilespmem:s0+$0x8BC0] =	vst v4;
	v4 =	vld [tilespmem:s0+$0x2410]  }
0x6b: {  	[tilespmem:s0+$0x8BD0] =	vst v5;
	v5 =	vld [tilespmem:s0+$0x2420]  }
0x6c: {  	[tilespmem:s0+$0x8BE0] =	vst v6;
	v6 =	vld [tilespmem:s0+$0x2430]  }
0x6d: {  	[tilespmem:s0+$0x8BF0] =	vst v2;
	v2 =	vld [tilespmem:s0+$0x2440]  }
0x6e: {  	[tilespmem:s0+$0x8C00] =	vst v3;
	v3 =	vld [tilespmem:s0+$0x2450]  }
0x6f: {  	[tilespmem:s0+$0x8C10] =	vst v4;
	v4 =	vld [tilespmem:s0+$0x2460]  }
0x70: {  	[tilespmem:s0+$0x8C20] =	vst v5;
	v5 =	vld [tilespmem:s0+$0x2470]  }
0x71: {  	[tilespmem:s0+$0x8C30] =	vst v6;
	v6 =	vld [tilespmem:s0+$0x2480]  }
.Ltmp1:
0x72: {  	[tilespmem:s0+$0x8C40] =	vst v2;
	v2 =	vld [tilespmem:s0+$0x2490];
	(pc) =	sbr.rel @p0 .LBB2_5-.Ltmp1, $4  }
0x73: {  	[tilespmem:s0+$0x8C50] =	vst v3;
	v3 =	vld [tilespmem:s0+$0x24A0]  }
0x74: {  	[tilespmem:s0+$0x8C60] =	vst v4;
	v4 =	vld [tilespmem:s0+$0x24B0]  }
0x75: {  	[tilespmem:s0+$0x8C70] =	vst v5;
	v5 =	vld [tilespmem:s0+$0x24C0]  }
0x76: {  	s7 =	sshra.s32 s2, $0x2;
	s2 =	sadd.s32 $0x680, s2;
	[tilespmem:s0+$0x8C80] =	vst v6;
	v6 =	vld [tilespmem:s0+$0x24D0]  }
0x77: {  	v7 =	vld [tilespmem:s7+$0x24E0];
	[tilespmem:s0+$0x8C90] =	vst v2  }
0x78: {  	v2 =	vld [tilespmem:s7+$0x2350];
	[tilespmem:s0+$0x8CA0] =	vst v3  }
0x79: {  	v3 =	vld [tilespmem:s7+$0x2360];
	[tilespmem:s0+$0x8CB0] =	vst v4  }
0x7a: {  	v4 =	vld [tilespmem:s7+$0x2370];
	[tilespmem:s0+$0x8CC0] =	vst v5  }
0x7b: {  	v5 =	vld [tilespmem:s7+$0x2380];
	[tilespmem:s0+$0x8CD0] =	vst v6  }
0x7c: {  	v6 =	vld [tilespmem:s7+$0x2390];
	[tilespmem:s7+$0x8CE0] =	vst v7  }
0x7d: {  	v52 =	vld [tilespmem:s7+$0x23C0];
	[tilespmem:s7+$0x8B50] =	vst v2  }
0x7e: {  	v53 =	vld [tilespmem:s7+$0x23D0];
	[tilespmem:s7+$0x8B60] =	vst v3  }
0x7f: {  	v54 =	vld [tilespmem:s7+$0x23E0];
	[tilespmem:s7+$0x8B70] =	vst v4  }
0x80: {  	v2 =	vld [tilespmem:s7+$0x23A0];
	[tilespmem:s7+$0x8B80] =	vst v5  }
0x81: {  	v3 =	vld [tilespmem:s7+$0x23B0];
	[tilespmem:s7+$0x8B90] =	vst v6  }
0x82: {  	v55 =	vld [tilespmem:s7+$0x2410];
	[tilespmem:s7+$0x8BC0] =	vst v52  }
0x83: {  	v56 =	vld [tilespmem:s7+$0x2420];
	[tilespmem:s7+$0x8BD0] =	vst v53  }
0x84: {  	v57 =	vld [tilespmem:s7+$0x2430];
	[tilespmem:s7+$0x8BE0] =	vst v54  }
0x85: {  	[tilespmem:s7+$0x8BA0] =	vst v2;
	v2 =	vld [tilespmem:s7+$0x23F0]  }
0x86: {  	[tilespmem:s7+$0x8BB0] =	vst v3;
	v3 =	vld [tilespmem:s7+$0x2400]  }
0x87: {  	v58 =	vld [tilespmem:s7+$0x2460];
	[tilespmem:s7+$0x8C10] =	vst v55  }
0x88: {  	v59 =	vld [tilespmem:s7+$0x2470];
	[tilespmem:s7+$0x8C20] =	vst v56  }
0x89: {  	v60 =	vld [tilespmem:s7+$0x2480];
	[tilespmem:s7+$0x8C30] =	vst v57  }
0x8a: {  	[tilespmem:s7+$0x8BF0] =	vst v2;
	v2 =	vld [tilespmem:s7+$0x2440]  }
0x8b: {  	[tilespmem:s7+$0x8C00] =	vst v3;
	v3 =	vld [tilespmem:s7+$0x2450]  }
0x8c: {  	v61 =	vld [tilespmem:s7+$0x24B0];
	[tilespmem:s7+$0x8C60] =	vst v58  }
0x8d: {  	v62 =	vld [tilespmem:s7+$0x24C0];
	[tilespmem:s7+$0x8C70] =	vst v59  }
0x8e: {  	v63 =	vld [tilespmem:s7+$0x24D0];
	[tilespmem:s7+$0x8C80] =	vst v60  }
0x8f: {  	[tilespmem:s7+$0x8C40] =	vst v2;
	v2 =	vld [tilespmem:s7+$0x2490]  }
0x90: {  	[tilespmem:s7+$0x8C50] =	vst v3;
	v3 =	vld [tilespmem:s7+$0x24A0]  }
0x91: {  	[tilespmem:s7+$0x8CB0] =	vst v61  }
0x92: {  	[tilespmem:s7+$0x8CC0] =	vst v62  }
0x93: {  	s31 =	smul.u32 $0x34, s31;
	s30 =	sadd.s32 $0x1, s30;
	[tilespmem:s7+$0x8CD0] =	vst v63  }
0x94: {  	p0 =	sne.s32 s30, $0x8;
	[tilespmem:s7+$0x8C90] =	vst v2  }
.Ltmp2:
0x95: {  	s0 =	sadd.s32 s5, s31;
	[tilespmem:s7+$0x8CA0] =	vst v3;
	(pc) =	sbr.rel @p0 .LBB2_2-.Ltmp2, $4  }
0x96: {  	[hbm4b:s0+s1] =	stream.linear.scatter [tilespmem:s28], [sflag:$0x2], $0x6800, $0x38;
	[tilespmem:$0xF350] =	vst v63  }
0x97: {  	_ =	swait.ge [sflag:s8], $0x6800  }
0x98: {  	[sflag:s8] =	ssyncset.done $0x0  }
0x99: {  	[sflag:s8] =	ssyncadd.s32 $0xFFFF9800  }
0x9a: {  	s2 =	rddreg [dreg:$0x3]  }
0x9b: {  	s0 =	rddreg [dreg:$0x2];
	s2 =	sadd.s32 $0x1, s2  }
0x9c: {  	p0 =	sne.s32 s2, s0  }
.Ltmp3:
0x9d: {  	_ = 	snop;
	(pc) =	sbr.rel @p0 .LBB2_1-.Ltmp3, $1  }
0x9e: {  	_ =	sdelay $0x3  }
0x9f: {  	_ =	sfence.sel $0x180000  }
0xa0: {  	[bflag:$0x0] =	sbarrier.arrive $0xFFFF  }
0xa1: {  	_ =	strace $0x90000047  }
0xa2: {  	s0 =	stileid.u32;
	[bflag:$0x2] =	sbarrier.arrive $0xFFFF  }
0xa3: {  	p0 =	sne.s32 s0, $0x0;
	s0 =	rddreg [dreg:$0x1]  }
0xa4: {  	s0 =	sadd.s32 @!p0 $0x100000, s0  }
0xa5: {  	[sflag:s0] =	ssyncadd.tile.s32 @!p0 $0x1;
	_ =	shalt  }
.Lfunc_end2:
_tile_overlayer_lowered:
.L_overlay_start_2:
0xa6: {  	(tag) =	ssettag $0x2  }
0xa7: {  	s0 =	rddreg [dreg:$0x0];
	s2 =	stileid.u32  }
0xa8: {  	s1 =	rddreg [dreg:$0x1];
	p0 =	sne.s32 s2, $0x0  }
0xa9: {  	s3 =	rddreg [dreg:$0x2];
	[bflag:$0x3] =	sbarrier.arrive $0xFFFF;
	s2 =	simm.s32 @!p0 $0x1C02  }
0xaa: {  	[timem:s3], [sflag:s2] =	dma.local @!p0 [hbm:s0], s1  }
0xab: {  	s0 =	simm.s32 @!p0 $0x2  }
0xac: {  	_ =	swait.ge @!p0 [sflag:s0], s1  }
0xad: {  	s1 =	ssub.s32 @!p0 $0x0, s1;
	[sflag:s0] =	ssyncset.done @!p0 $0x0  }
0xae: {  	[sflag:s0] =	ssyncadd.s32 @!p0 s1  }
0xaf: {  	[bflag:$0x3] =	sbarrier.arrive $0xFFFF  }
0xb0: {  	_ =	shalt  }

// kernel: _run.7.cloned.1.call-start
scs
__scs_entry_jumppad:
0x0: {  	(pc) =	sbr.rel $0x88, $3  }
0x1: {  	(tag) =	ssettag $0x0;
	lr =	simm.s32 $0x1  }
0x2: {  	[smem:$0x3F9F] =	sst lr;
	_ =	strace $0xD0000000  }
0x3: {  	_ = 	snop  }
0x4: {  	_ = 	snop  }
0x5: {  	_ = 	snop  }
0x6: {  	_ = 	snop  }
0x7: {  	_ = 	snop  }
__scs_overlays_trampoline_lowered:
0x8: {  	[smem:$0x3FAE] =	sst s0  }
0x9: {  	[smem:$0x3FAF] =	sst s1  }
0xa: {  	[smem:$0x3FB0] =	sst s2  }
0xb: {  	[smem:$0x3FB1] =	sst s3  }
0xc: {  	[smem:$0x3FB2] =	sst s4  }
0xd: {  	[smem:$0x3FB3] =	sst s5  }
0xe: {  	[smem:$0x3FB4] =	sst s6  }
0xf: {  	[smem:$0x3FB5] =	sst s7  }
0x10: {  	[smem:$0x3FB6] =	sst s8  }
0x11: {  	[smem:$0x3FB7] =	sst s9;
	s0 =	simm.s32 @!p0 $0x0  }
0x12: {  	s1 =	sld [smem:$0x3F9D];
	s0 =	simm.s32 @p0 $0x1  }
0x13: {  	[smem:$0x3FB8] =	sst s0;
	s0 =	simm.s32 @!p1 $0x0  }
0x14: {  	s2 =	sld [smem:$0x3F9C];
	s0 =	simm.s32 @p1 $0x1  }
0x15: {  	[smem:$0x3FB9] =	sst s0;
	s0 =	simm.s32 @!p2 $0x0  }
0x16: {  	s3 =	sld [smem:$0x3FDB];
	s0 =	simm.s32 @p2 $0x1  }
0x17: {  	s4 =	simm.s32 $0x1BF5;
	[smem:$0x3FBB] =	sst s0  }
0x18: {  	s0 =	sld [smem:$0x3F9E];
	_ =	swait.ge [sflag:s4], $0x0  }
0x19: {  	s7 =	sld [smem:$0x3F9F]  }
0x1a: {  	s8 =	sadd.s32 $0xFFFFE003, lr  }
0x1b: {  	s9 =	sadd.s32 $0xFFFFFEF7, lr;
	s5 =	simm.s32 $0xFFFFFFFF;
	p2 =	slt.u32 s8, $0xFFFFF086  }
0x1c: {  	p1 =	slt.u32 s9, $0xF7A;
	s5 =	simm.s32 @!p2 $0x0  }
0x1d: {  	s5 =	simm.s32 @p1 $0x1;
	p0 =	seq.s32 s7, s2  }
0x1e: {  	s7 =	smul.u32 @!p0 $0xF7A, s2;
	p2 =	seq.s32 @!p0 s5, $0x0  }
0x1f: {  	s9 =	smul.u32 $0xF7A, s1;
	s8 =	simm.s32 @!p0 $0x1BF5;
	p2 =	por !p2, p0  }
0x20: {  	[sflag:s8] =	ssyncset.s32 @!p0 $0xFFFFF086;
	s6 =	sadd.s32 @!p0 s3, s7;
	s7 =	simm.s32 @!p0 $0x108  }
0x21: {  	s3 =	sadd.s32 s3, s9;
	s6 =	sadd.s32 @!p0 $0x88, s6;
	s7 =	simm.s32 @p2 $0x1082  }
0x22: {  	[simem:s7], [sflag:s8] =	dma.local @!p0 [hbm:s6], $0xF7A  }
0x23: {  	s9 =	sor.u32 $0xD0000000, s2;
	s6 =	simm.s32 $0x108;
	_ =	swait.ge @!p0 [sflag:s8], $0x0  }
0x24: {  	s3 =	sadd.s32 $0x88, s3;
	s6 =	simm.s32 @!p1 $0x1082;
	[sflag:s4] =	ssyncset.s32 $0xFFFFF086  }
0x25: {  	[simem:s6], [sflag:s4] =	dma.local [hbm:s3], $0xF7A  }
0x26: {  	[smem:$0x3F9F] =	sst s1;
	(tag) =	ssettag s2;
	_ =	strace s9  }
0x27: {  	s1 =	sld [smem:$0x3FAF]  }
0x28: {  	s2 =	sld [smem:$0x3FB0]  }
0x29: {  	s4 =	sld [smem:$0x3FB2]  }
0x2a: {  	p0 =	seq.s32 s5, $0x0;
	s5 =	sld [smem:$0x3FB3]  }
0x2b: {  	s6 =	sld [smem:$0x3FB4]  }
0x2c: {  	s7 =	sld [smem:$0x3FB5]  }
0x2d: {  	s3 =	simm.s32 $0x108;
	s8 =	sld [smem:$0x3FB6]  }
0x2e: {  	s3 =	simm.s32 @!p0 $0x1082;
	s9 =	sld [smem:$0x3FB7]  }
0x2f: {  	lr =	sadd.s32 s0, s3;
	s0 =	sld [smem:$0x3FAE]  }
0x30: {  	s3 =	sld [smem:$0x3FB1]  }
0x31: {  	[smem:$0x3FBA] =	sst s10  }
0x32: {  	s10 =	sld [smem:$0x3FB8];
	_ =	sdelay $0x3  }
0x33: {  	p0 =	seq.s32 s10, $0x1;
	s10 =	sld [smem:$0x3FBA];
	_ =	sdelay $0x3  }
0x34: {  	[smem:$0x3FBA] =	sst s10  }
0x35: {  	s10 =	sld [smem:$0x3FB9];
	_ =	sdelay $0x3  }
0x36: {  	p1 =	seq.s32 s10, $0x1;
	s10 =	sld [smem:$0x3FBA];
	_ =	sdelay $0x3  }
0x37: {  	[smem:$0x3FBA] =	sst s10  }
0x38: {  	s10 =	sld [smem:$0x3FBB]  }
0x39: {  	_ = 	snop;
	(pc) =	sbr.ind lr, $3  }
0x3a: {  	_ = 	snop  }
0x3b: {  	_ = 	snop  }
0x3c: {  	p2 =	seq.s32 s10, $0x1;
	s10 =	sld [smem:$0x3FBA]  }
0x3d: {  	_ =	shalt  }
0x3e: {  	_ =	shalt  }
0x3f: {  	_ =	shalt  }
0x40: {  	_ =	shalt  }
0x41: {  	_ =	shalt  }
0x42: {  	_ =	shalt  }
0x43: {  	_ =	shalt  }
0x44: {  	_ =	shalt  }
0x45: {  	_ =	shalt  }
0x46: {  	_ =	shalt  }
0x47: {  	_ =	shalt  }
0x48: {  	_ =	shalt  }
0x49: {  	_ =	shalt  }
0x4a: {  	_ =	shalt  }
0x4b: {  	_ =	shalt  }
0x4c: {  	_ =	shalt  }
0x4d: {  	_ =	shalt  }
0x4e: {  	_ =	shalt  }
0x4f: {  	_ =	shalt  }
0x50: {  	_ =	shalt  }
0x51: {  	_ =	shalt  }
0x52: {  	_ =	shalt  }
0x53: {  	_ =	shalt  }
0x54: {  	_ =	shalt  }
0x55: {  	_ =	shalt  }
0x56: {  	_ =	shalt  }
0x57: {  	_ =	shalt  }
0x58: {  	_ =	shalt  }
0x59: {  	_ =	shalt  }
0x5a: {  	_ =	shalt  }
0x5b: {  	_ =	shalt  }
0x5c: {  	_ =	shalt  }
0x5d: {  	_ =	shalt  }
0x5e: {  	_ =	shalt  }
0x5f: {  	_ =	shalt  }
0x60: {  	_ =	shalt  }
0x61: {  	_ =	shalt  }
0x62: {  	_ =	shalt  }
0x63: {  	_ =	shalt  }
0x64: {  	_ =	shalt  }
0x65: {  	_ =	shalt  }
0x66: {  	_ =	shalt  }
0x67: {  	_ =	shalt  }
0x68: {  	_ =	shalt  }
0x69: {  	_ =	shalt  }
0x6a: {  	_ =	shalt  }
0x6b: {  	_ =	shalt  }
0x6c: {  	_ =	shalt  }
0x6d: {  	_ =	shalt  }
0x6e: {  	_ =	shalt  }
0x6f: {  	_ =	shalt  }
0x70: {  	_ =	shalt  }
0x71: {  	_ =	shalt  }
0x72: {  	_ =	shalt  }
0x73: {  	_ =	shalt  }
0x74: {  	_ =	shalt  }
0x75: {  	_ =	shalt  }
0x76: {  	_ =	shalt  }
0x77: {  	_ =	shalt  }
0x78: {  	_ =	shalt  }
0x79: {  	_ =	shalt  }
0x7a: {  	_ =	shalt  }
0x7b: {  	_ =	shalt  }
0x7c: {  	_ =	shalt  }
0x7d: {  	_ =	shalt  }
0x7e: {  	_ =	shalt  }
0x7f: {  	_ =	shalt  }
0x80: {  	_ =	shalt  }
0x81: {  	_ =	shalt  }
0x82: {  	_ =	shalt  }
0x83: {  	_ =	shalt  }
0x84: {  	_ =	shalt  }
0x85: {  	_ =	shalt  }
0x86: {  	_ =	shalt  }
0x87: {  	_ =	shalt  }
.Lfunc_end0:
.L_simem_size_0:
called_computation_lowered:
.L_overlay_start_0:
0x88: {  	s2 =	sld [smem:$0x3FD9]  }
0x89: {  	s3 =	sld [smem:$0x3FFE];
	_ =	sdelay $0x1  }
0x8a: {  	s1 =	srdreg.scid  }
0x8b: {  	s0 =	sand.u32 $0x1, s1  }
0x8c: {  	s17 =	sshll.u32 s0, $0xA;
	s2 =	sadd.s32 s3, s2  }
0x8d: {  	s2 =	sadd.s32 s2, s17  }
0x8e: {  	[smem:$0x3FC6] =	sst s2  }
0x8f: {  	_ = 	snop  }
0x90: {  	s18 =	sld [smem:$0x3FD0];
	(tm) =	ssettm $0x1  }
0x91: {  	s19 =	sld [smem:$0x3FFB];
	_ =	sdelay $0x3  }
0x92: {  	_ =	strace s19  }
0x93: {  	s2 =	sld [smem:$0x3FFC];
	_ =	sdelay $0x3  }
0x94: {  	_ =	strace s2  }
0x95: {  	s2 =	sld [smem:$0x3FFD];
	_ =	sdelay $0x3  }
0x96: {  	_ =	strace s2  }
0x97: {  	_ =	strace $0x8FFFFFFF  }
0x98: {  	s20 =	sld [smem:$0x3FDB];
	_ =	sdelay $0x1  }
0x99: {  	s4 =	simm.s32 $_scs_section_size  }
0x9a: {  	s5 =	simm.s32 $_size__tile_overlayer_lowered;
	s6 =	simm.s32 $_tile_overlayer_lowered  }
0x9b: {  	s7 =	simm.s32 $0x1BFF;
	s21 =	sshll.u32 s6, $0x1;
	s4 =	sadd.s32 s4, s20  }
0x9c: {  	s22 =	simm.s32 $0x0;
	s5 =	sshll.u32 s5, $0x1;
	s6 =	sadd.s32 s21, s4  }
0x9d: {  	[timem:s22], [sflag:s7] =	dma.local [hbm:s6], s5  }
0x9e: {  	_ =	swait.ge [sflag:s7], s5  }
0x9f: {  	s5 =	ssub.s32 $0x0, s5;
	[sflag:s7] =	ssyncset.done $0x0  }
0xa0: {  	[sflag:s7] =	ssyncadd.s32 s5;
	_ =	sdelay $0x1  }
0xa1: {  	s23 =	simm.s32 $0x1B8B  }
0xa2: {  	_ =	swait.ge [sflag:s23], $0x1  }
0xa3: {  	[sflag:s23] =	ssyncset.done $0x0  }
0xa4: {  	[sflag:s23] =	ssyncadd.s32 $0xFFFFFFFF  }
0xa5: {  	s5 =	sld [smem:$0x0]  }
0xa6: {  	s6 =	sand.u32 $0xFFFFFFFE, s1  }
0xa7: {  	p0 =	sne.s32 s1, s6  }
0xa8: {  	s6 =	sshll.u32 @p0 s6, $0xE  }
0xa9: {  	s6 =	sadd.s32 @p0 $0x11B8D, s6;
	s7 =	sshll.u32 @p0 s5, $0x11  }
0xaa: {  	s6 =	sor.u32 @p0 s7, s6  }
0xab: {  	[sflag:s6] =	ssyncadd.remote.s32 @p0 $0x1;
	_ =	sdelay $0x1  }
0xac: {  	s6 =	simm.s32 @p0 $0x1B8D  }
0xad: {  	_ =	swait.eq @p0 [sflag:s6], $0x1  }
0xae: {  	[sflag:s6] =	ssyncadd.s32 @p0 $0xFFFFFFFF  }
0xaf: {  	s7 =	sshll.u32 @!p0 s1, $0xE  }
0xb0: {  	s7 =	sor.u32 @!p0 $0x4000, s7;
	s6 =	simm.s32 @!p0 $0x1B8D  }
0xb1: {  	s5 =	sshll.u32 @!p0 s5, $0x11;
	s7 =	sadd.s32 @!p0 $0x11B8D, s7;
	_ =	swait.eq @!p0 [sflag:s6], $0x1  }
0xb2: {  	s5 =	sor.u32 @!p0 s5, s7;
	[sflag:s6] =	ssyncadd.s32 @!p0 $0xFFFFFFFF  }
0xb3: {  	s25 =	simm.s32 $0x1B8E;
	s24 =	sld [smem:$0x3FFE];
	[sflag:s5] =	ssyncadd.remote.s32 @!p0 $0x1  }
0xb4: {  	s26 =	simm.s32 $execute0_lowered;
	[smem:$0x3FD2] =	sst s25  }
0xb5: {  	s6 =	sshll.u32 s26, $0x1;
	_ =	strace $0x80000049;
	[dreg:$0x1] =	wrdreg $0xFFFFFFFF  }
0xb6: {  	s28 =	simm.s32 $_size_execute0_lowered;
	s4 =	sadd.s32 s4, s6;
	[dreg:$0x0] =	wrdreg $0x0  }
0xb7: {  	s6 =	sshll.u32 s28, $0x1;
	[dreg:$0x2] =	wrdreg s4  }
0xb8: {  	[dreg:$0x3] =	wrdreg s6  }
0xb9: {  	[dreg:$0x4] =	wrdreg $0xC0  }
0xba: {  	_ =	task [dreg:s22], $0x5FFFF  }
0xbb: {  	[dreg:$0x1] =	wrdreg $0xFFFFFFFF  }
0xbc: {  	[dreg:$0x0] =	wrdreg $0x60  }
0xbd: {  	[dreg:$0x2] =	wrdreg s24  }
0xbe: {  	[dreg:$0x3] =	wrdreg s18  }
0xbf: {  	[dreg:$0x4] =	wrdreg $0x9  }
0xc0: {  	_ =	task.clear_ibuf [dreg:s22], $0x5FFFF;
	_ =	strace $0x90000049  }
0xc1: {  	s29 =	simm.s32 $0x9;
	_ =	strace $0x8000004B  }
0xc2: {  	_ =	swait.ge [sflag:s29], $0x1  }
0xc3: {  	[sflag:s29] =	ssyncadd.s32 $0xFFFFFFFF  }
0xc4: {  	_ =	strace $0x9000004B  }
0xc5: {  	_ =	sfence  }
0xc6: {  	s30 =	sld [smem:$0x0];
	_ =	sdelay $0x2  }
0xc7: {  	s31 =	sshll.u32 s1, $0xD;
	s1 =	sshrl.u32 s1, $0x2  }
0xc8: {  	s4 =	sand.u32 $0x4000, s31;
	s1 =	sadd.s32 s1, s30  }
0xc9: {  	s0 =	sor.u32 s4, s0;
	s1 =	sshll.u32 s1, $0x11  }
0xca: {  	s0 =	sor.u32 s1, s0  }
0xcb: {  	s0 =	sadd.s32 $0x8F2B, s0  }
0xcc: {  	[sflag:s0] =	ssyncadd.remote.s32 $0x1  }
0xcd: {  	_ =	sfence.sel $0xFFFF  }
0xce: {  	[dreg:$0x0] =	wrdreg $0xFFFFFFFF;
	(pc) =	sbr.abs _section_cstart, $3  }
0xcf: {  	[dreg:$0x1] =	wrdreg $0xFFFFFFFF  }
0xd0: {  	_ =	task.clear_ibuf [dreg:s22], $0x2FFFF;
	_ =	strace $0x9FFFFFFF  }
0xd1: {  	(tm) =	ssettm $0x7FFFFFFF  }
tec
execute0_lowered:
.L_overlay_start_1:
0x0: {  	(tag) =	ssettag $0x1  }
0x1: {  	s0 =	rddreg [dreg:$0x0]  }
0x2: {  	s1 =	rddreg [dreg:$0x1];
	s2 =	simm.s32 $0x0  }
0x3: {  	s3 =	srdreg.scid;
	s8 =	stileid.u32;
	s9 =	simm.s32 $0x68  }
0x4: {  	s10 =	simm.s32 $0x2000;
	s11 =	simm.s32 $0x2350;
	s12 =	simm.s32 $0x2068  }
0x5: {  	s13 =	simm.s32 $0x3050;
	s14 =	simm.s32 $0x20D0;
	s15 =	simm.s32 $0x3D50  }
0x6: {  	s16 =	simm.s32 $0x2138;
	s17 =	simm.s32 $0x4A50;
	s18 =	simm.s32 $0x21A0  }
0x7: {  	s19 =	simm.s32 $0x5750;
	s20 =	simm.s32 $0x2208;
	s21 =	simm.s32 $0x6450  }
0x8: {  	s22 =	simm.s32 $0x2270;
	s23 =	simm.s32 $0x7150;
	s24 =	simm.s32 $0x22D8  }
0x9: {  	s25 =	simm.s32 $0x7E50;
	s26 =	simm.s32 $0x1;
	s3 =	sand.u32 $0x1, s3  }
0xa: {  	s28 =	simm.s32 $0x8B50;
	[smem:$0x7FF] =	sst s2;
	s5 =	ssub.s32 $0x2, s3  }
0xb: {  	s4 =	sadd.s32 $0x53B600, s0;
	s30 =	sshll.u32 s8, $0xA;
	s6 =	sshrl.u32 s5, $0x1  }
0xc: {  	s8 =	simm.s32 $0x2;
	_ =	strace $0x8000004A;
	s7 =	ssub.s32 s5, s6  }
0xd: {  	v1 =	vlaneseq.u32;
	s3 =	sshll.u32 s3, $0x9;
	s5 =	sadd.s32 $0x64B600, s0;
	s31 =	smax.u32 s7, $0x1  }
0xe: {  	v0 =	vimm.s32 $0x0;
	vm0 =	vmmov $0x1fff;
	v1 =	vmul.u32 $0x6200, v1;
	s6 =	sor.u32 s3, s30;
	s3 =	simm.s32 $0x0;
	[dreg:$0x3] =	wrdreg s31  }
.LBB2_1:
0xf: {  	[dreg:$0x4] =	wrdreg s3;
	s30 =	simm.s32 $0x0  }
.LBB2_2:
0x10: {  	s0 =	sshll.u32 s30, $0x6  }
0x11: {  	s31 =	sadd.s32 s6, s0  }
0x12: {  	s0 =	sshll.u32 s31, $0x4  }
0x13: {  	s3 =	sadd.s32 s4, s0;
	s0 =	simm.s32 $0x0  }
0x14: {  	[tilespmem:s0], [sflag:$0x2] =	stream.linear.gather [hbm4b:s3+s0], $0x2000, $0x38;
	[tilespmem:$0xF350] =	vst v63  }
0x15: {  	_ =	swait.ge [sflag:s8], $0x2000  }
0x16: {  	[sflag:s8] =	ssyncset.done $0x0  }
0x17: {  	s3 =	simm.s32 $0x1A;
	[sflag:s8] =	ssyncadd.s32 $0xFFFFE000  }
0x18: {  	s7 =	simm.s32 $0x34;
	v2 =	vld [tilespmem:s3+$0x0]  }
.LBB2_3:
0x19: {  	p0 =	sne.s32 s7, $0xCCC;
	_ =	sdelay $0x3  }
0x1a: {  	vm1 =	vgt.s32 v2, $0x61FF;
	vm2 =	vgt.s32 v2, $0xC3FF  }
0x1b: {  	v3 =	vsel vm1, $0x1, v0;
	v4 =	vsel vm2, $0x1, v0;
	vm1 =	vgt.s32 v2, $0x125FF  }
0x1c: {  	v3 =	vadd.s32 v4, v3;
	v4 =	vsel vm1, $0x1, v0  }
0x1d: {  	v3 =	vadd.s32 v4, v3  }
0x1e: {  	v4 =	vmul.u32 $0x3FFF9E00, v3  }
0x1f: {  	v2 =	vadd.s32 v1, v2  }
0x20: {  	v2 =	vadd.s32 v4, v2  }
.Ltmp0:
0x21: {  	v2 =	vshll.u32 v2, $0x2;
	(pc) =	sbr.rel @p0 .LBB2_3-.Ltmp0, $4  }
0x22: {  	v2 =	vadd.s32 v3, v2  }
0x23: {  	s29 =	sshra.s32 s0, $0x2;
	s0 =	smov.u32 s7;
	v2 =	vnsel vm0, $0x0, v2  }
0x24: {  	s3 =	sadd.s32 $0x80, s3;
	[tilespmem:s29+$0x2000] =	vst v2  }
0x25: {  	s7 =	sadd.s32 $0x34, s7;
	v2 =	vld [tilespmem:s3+$0x0]  }
0x26: {  	_ =	sdelay $0x3  }
0x27: {  	vm1 =	vgt.s32 v2, $0x61FF;
	vm2 =	vgt.s32 v2, $0xC3FF  }
0x28: {  	v3 =	vsel vm1, $0x1, v0;
	v4 =	vsel vm2, $0x1, v0;
	vm1 =	vgt.s32 v2, $0x125FF  }
0x29: {  	v3 =	vadd.s32 v4, v3;
	v4 =	vsel vm1, $0x1, v0  }
0x2a: {  	v3 =	vadd.s32 v4, v3  }
0x2b: {  	v4 =	vmul.u32 $0x3FFF9E00, v3  }
0x2c: {  	v2 =	vadd.s32 v1, v2  }
0x2d: {  	v2 =	vadd.s32 v4, v2  }
0x2e: {  	v2 =	vshll.u32 v2, $0x2  }
0x2f: {  	v2 =	vadd.s32 v3, v2  }
0x30: {  	s0 =	sshra.s32 s0, $0x2;
	v2 =	vnsel vm0, $0x0, v2  }
0x31: {  	[tilespmem:s0+$0x2000] =	vst v2  }
0x32: {  	[tilespmem:s11], [sflag:$0x1] =	stream.indirect.gather [hbm4b:s5+s9], $0x20, s10, s9, $0xb8;
	[tilespmem:$0xF350] =	vst v63  }
0x33: {  	_ = 	snop  }
0x34: {  	[tilespmem:s13], [sflag:$0x1] =	stream.indirect.gather [hbm4b:s5+s9], $0x20, s12, s9, $0xb8;
	[tilespmem:$0xF350] =	vst v63  }
0x35: {  	_ = 	snop  }
0x36: {  	[tilespmem:s15], [sflag:$0x1] =	stream.indirect.gather [hbm4b:s5+s9], $0x20, s14, s9, $0xb8;
	[tilespmem:$0xF350] =	vst v63  }
0x37: {  	_ = 	snop  }
0x38: {  	[tilespmem:s17], [sflag:$0x1] =	stream.indirect.gather [hbm4b:s5+s9], $0x20, s16, s9, $0xb8;
	[tilespmem:$0xF350] =	vst v63  }
0x39: {  	_ = 	snop  }
0x3a: {  	[tilespmem:s19], [sflag:$0x1] =	stream.indirect.gather [hbm4b:s5+s9], $0x20, s18, s9, $0xb8;
	[tilespmem:$0xF350] =	vst v63  }
0x3b: {  	_ = 	snop  }
0x3c: {  	[tilespmem:s21], [sflag:$0x1] =	stream.indirect.gather [hbm4b:s5+s9], $0x20, s20, s9, $0xb8;
	[tilespmem:$0xF350] =	vst v63  }
0x3d: {  	_ = 	snop  }
0x3e: {  	[tilespmem:s23], [sflag:$0x1] =	stream.indirect.gather [hbm4b:s5+s9], $0x20, s22, s9, $0xb8;
	[tilespmem:$0xF350] =	vst v63  }
0x3f: {  	_ = 	snop  }
0x40: {  	[tilespmem:s25], [sflag:$0x1] =	stream.indirect.gather [hbm4b:s5+s9], $0x20, s24, s9, $0xb8;
	[tilespmem:$0xF350] =	vst v63  }
0x41: {  	_ =	swait.ge [sflag:s26], $0x6800  }
0x42: {  	[sflag:s26] =	ssyncset.done $0x0  }
0x43: {  	s0 =	simm.s32 $0x0;
	[sflag:s26] =	ssyncadd.s32 $0xFFFF9800  }
0x44: {  	v2 =	vld [tilespmem:s0+$0x24E0]  }
0x45: {  	v3 =	vld [tilespmem:s0+$0x2350]  }
0x46: {  	v4 =	vld [tilespmem:s0+$0x2360]  }
0x47: {  	v5 =	vld [tilespmem:s0+$0x2370]  }
0x48: {  	v6 =	vld [tilespmem:s0+$0x2380]  }
0x49: {  	v7 =	vld [tilespmem:s0+$0x2390];
	[tilespmem:s0+$0x8CE0] =	vst v2  }
0x4a: {  	[tilespmem:s0+$0x8B50] =	vst v3;
	v2 =	vld [tilespmem:s0+$0x23A0]  }
0x4b: {  	[tilespmem:s0+$0x8B60] =	vst v4;
	v3 =	vld [tilespmem:s0+$0x23B0]  }
0x4c: {  	[tilespmem:s0+$0x8B70] =	vst v5;
	v4 =	vld [tilespmem:s0+$0x23C0]  }
0x4d: {  	[tilespmem:s0+$0x8B80] =	vst v6;
	v5 =	vld [tilespmem:s0+$0x23D0]  }
0x4e: {  	[tilespmem:s0+$0x8B90] =	vst v7;
	v6 =	vld [tilespmem:s0+$0x23E0]  }
0x4f: {  	[tilespmem:s0+$0x8BA0] =	vst v2;
	v2 =	vld [tilespmem:s0+$0x23F0]  }
0x50: {  	[tilespmem:s0+$0x8BB0] =	vst v3;
	v3 =	vld [tilespmem:s0+$0x2400]  }
0x51: {  	[tilespmem:s0+$0x8BC0] =	vst v4;
	v4 =	vld [tilespmem:s0+$0x2410]  }
0x52: {  	[tilespmem:s0+$0x8BD0] =	vst v5;
	v5 =	vld [tilespmem:s0+$0x2420]  }
0x53: {  	[tilespmem:s0+$0x8BE0] =	vst v6;
	v6 =	vld [tilespmem:s0+$0x2430]  }
0x54: {  	[tilespmem:s0+$0x8BF0] =	vst v2;
	v2 =	vld [tilespmem:s0+$0x2440]  }
0x55: {  	[tilespmem:s0+$0x8C00] =	vst v3;
	v3 =	vld [tilespmem:s0+$0x2450]  }
0x56: {  	[tilespmem:s0+$0x8C10] =	vst v4;
	v4 =	vld [tilespmem:s0+$0x2460]  }
0x57: {  	[tilespmem:s0+$0x8C20] =	vst v5;
	v5 =	vld [tilespmem:s0+$0x2470]  }
0x58: {  	[tilespmem:s0+$0x8C30] =	vst v6;
	v6 =	vld [tilespmem:s0+$0x2480]  }
0x59: {  	[tilespmem:s0+$0x8C40] =	vst v2;
	v2 =	vld [tilespmem:s0+$0x2490]  }
0x5a: {  	[tilespmem:s0+$0x8C50] =	vst v3;
	v3 =	vld [tilespmem:s0+$0x24A0]  }
0x5b: {  	[tilespmem:s0+$0x8C60] =	vst v4;
	v4 =	vld [tilespmem:s0+$0x24B0]  }
0x5c: {  	[tilespmem:s0+$0x8C70] =	vst v5;
	v5 =	vld [tilespmem:s0+$0x24C0]  }
0x5d: {  	s7 =	simm.s32 $0x1A0;
	s3 =	simm.s32 $0xD00;
	[tilespmem:s0+$0x8C80] =	vst v6;
	v6 =	vld [tilespmem:s0+$0x24D0]  }
.LBB2_5:
0x5e: {  	p0 =	sne.s32 s3, $0x19980;
	v7 =	vld [tilespmem:s7+$0x24E0];
	[tilespmem:s0+$0x8C90] =	vst v2  }
0x5f: {  	v2 =	vld [tilespmem:s7+$0x2350];
	[tilespmem:s0+$0x8CA0] =	vst v3  }
0x60: {  	v3 =	vld [tilespmem:s7+$0x2360];
	[tilespmem:s0+$0x8CB0] =	vst v4  }
0x61: {  	v4 =	vld [tilespmem:s7+$0x2370];
	[tilespmem:s0+$0x8CC0] =	vst v5  }
0x62: {  	v5 =	vld [tilespmem:s7+$0x2380];
	[tilespmem:s0+$0x8CD0] =	vst v6;
	s0 =	smov.u32 s7  }
0x63: {  	v6 =	vld [tilespmem:s0+$0x2390];
	[tilespmem:s0+$0x8CE0] =	vst v7  }
0x64: {  	[tilespmem:s0+$0x8B50] =	vst v2;
	v2 =	vld [tilespmem:s0+$0x23A0]  }
0x65: {  	[tilespmem:s0+$0x8B60] =	vst v3;
	v3 =	vld [tilespmem:s0+$0x23B0]  }
0x66: {  	[tilespmem:s0+$0x8B70] =	vst v4;
	v4 =	vld [tilespmem:s0+$0x23C0]  }
0x67: {  	[tilespmem:s0+$0x8B80] =	vst v5;
	v5 =	vld [tilespmem:s0+$0x23D0]  }
0x68: {  	[tilespmem:s0+$0x8B90] =	vst v6;
	v6 =	vld [tilespmem:s0+$0x23E0]  }
0x69: {  	[tilespmem:s0+$0x8BA0] =	vst v2;
	v2 =	vld [tilespmem:s0+$0x23F0]  }
0x6a: {  	[tilespmem:s0+$0x8BB0] =	vst v3;
	v3 =	vld [tilespmem:s0+$0x2400]  }
0x6b: {  	[tilespmem:s0+$0x8BC0] =	vst v4;
	v4 =	vld [tilespmem:s0+$0x2410]  }
0x6c: {  	[tilespmem:s0+$0x8BD0] =	vst v5;
	v5 =	vld [tilespmem:s0+$0x2420]  }
0x6d: {  	[tilespmem:s0+$0x8BE0] =	vst v6;
	v6 =	vld [tilespmem:s0+$0x2430]  }
0x6e: {  	[tilespmem:s0+$0x8BF0] =	vst v2;
	v2 =	vld [tilespmem:s0+$0x2440]  }
0x6f: {  	[tilespmem:s0+$0x8C00] =	vst v3;
	v3 =	vld [tilespmem:s0+$0x2450]  }
0x70: {  	[tilespmem:s0+$0x8C10] =	vst v4;
	v4 =	vld [tilespmem:s0+$0x2460]  }
0x71: {  	[tilespmem:s0+$0x8C20] =	vst v5;
	v5 =	vld [tilespmem:s0+$0x2470]  }
0x72: {  	[tilespmem:s0+$0x8C30] =	vst v6;
	v6 =	vld [tilespmem:s0+$0x2480]  }
.Ltmp1:
0x73: {  	[tilespmem:s0+$0x8C40] =	vst v2;
	v2 =	vld [tilespmem:s0+$0x2490];
	(pc) =	sbr.rel @p0 .LBB2_5-.Ltmp1, $4  }
0x74: {  	[tilespmem:s0+$0x8C50] =	vst v3;
	v3 =	vld [tilespmem:s0+$0x24A0]  }
0x75: {  	[tilespmem:s0+$0x8C60] =	vst v4;
	v4 =	vld [tilespmem:s0+$0x24B0]  }
0x76: {  	[tilespmem:s0+$0x8C70] =	vst v5;
	v5 =	vld [tilespmem:s0+$0x24C0]  }
0x77: {  	s7 =	sshra.s32 s3, $0x2;
	s3 =	sadd.s32 $0x680, s3;
	[tilespmem:s0+$0x8C80] =	vst v6;
	v6 =	vld [tilespmem:s0+$0x24D0]  }
0x78: {  	v7 =	vld [tilespmem:s7+$0x24E0];
	[tilespmem:s0+$0x8C90] =	vst v2  }
0x79: {  	v2 =	vld [tilespmem:s7+$0x2350];
	[tilespmem:s0+$0x8CA0] =	vst v3  }
0x7a: {  	v3 =	vld [tilespmem:s7+$0x2360];
	[tilespmem:s0+$0x8CB0] =	vst v4  }
0x7b: {  	v4 =	vld [tilespmem:s7+$0x2370];
	[tilespmem:s0+$0x8CC0] =	vst v5  }
0x7c: {  	v5 =	vld [tilespmem:s7+$0x2380];
	[tilespmem:s0+$0x8CD0] =	vst v6  }
0x7d: {  	v6 =	vld [tilespmem:s7+$0x2390];
	[tilespmem:s7+$0x8CE0] =	vst v7  }
0x7e: {  	v52 =	vld [tilespmem:s7+$0x23C0];
	[tilespmem:s7+$0x8B50] =	vst v2  }
0x7f: {  	v53 =	vld [tilespmem:s7+$0x23D0];
	[tilespmem:s7+$0x8B60] =	vst v3  }
0x80: {  	v54 =	vld [tilespmem:s7+$0x23E0];
	[tilespmem:s7+$0x8B70] =	vst v4  }
0x81: {  	v2 =	vld [tilespmem:s7+$0x23A0];
	[tilespmem:s7+$0x8B80] =	vst v5  }
0x82: {  	v3 =	vld [tilespmem:s7+$0x23B0];
	[tilespmem:s7+$0x8B90] =	vst v6  }
0x83: {  	v55 =	vld [tilespmem:s7+$0x2410];
	[tilespmem:s7+$0x8BC0] =	vst v52  }
0x84: {  	v56 =	vld [tilespmem:s7+$0x2420];
	[tilespmem:s7+$0x8BD0] =	vst v53  }
0x85: {  	v57 =	vld [tilespmem:s7+$0x2430];
	[tilespmem:s7+$0x8BE0] =	vst v54  }
0x86: {  	[tilespmem:s7+$0x8BA0] =	vst v2;
	v2 =	vld [tilespmem:s7+$0x23F0]  }
0x87: {  	[tilespmem:s7+$0x8BB0] =	vst v3;
	v3 =	vld [tilespmem:s7+$0x2400]  }
0x88: {  	v58 =	vld [tilespmem:s7+$0x2460];
	[tilespmem:s7+$0x8C10] =	vst v55  }
0x89: {  	v59 =	vld [tilespmem:s7+$0x2470];
	[tilespmem:s7+$0x8C20] =	vst v56  }
0x8a: {  	v60 =	vld [tilespmem:s7+$0x2480];
	[tilespmem:s7+$0x8C30] =	vst v57  }
0x8b: {  	[tilespmem:s7+$0x8BF0] =	vst v2;
	v2 =	vld [tilespmem:s7+$0x2440]  }
0x8c: {  	[tilespmem:s7+$0x8C00] =	vst v3;
	v3 =	vld [tilespmem:s7+$0x2450]  }
0x8d: {  	v61 =	vld [tilespmem:s7+$0x24B0];
	[tilespmem:s7+$0x8C60] =	vst v58  }
0x8e: {  	v62 =	vld [tilespmem:s7+$0x24C0];
	[tilespmem:s7+$0x8C70] =	vst v59  }
0x8f: {  	v63 =	vld [tilespmem:s7+$0x24D0];
	[tilespmem:s7+$0x8C80] =	vst v60  }
0x90: {  	[tilespmem:s7+$0x8C40] =	vst v2;
	v2 =	vld [tilespmem:s7+$0x2490]  }
0x91: {  	[tilespmem:s7+$0x8C50] =	vst v3;
	v3 =	vld [tilespmem:s7+$0x24A0]  }
0x92: {  	[tilespmem:s7+$0x8CB0] =	vst v61  }
0x93: {  	[tilespmem:s7+$0x8CC0] =	vst v62  }
0x94: {  	s31 =	smul.u32 $0x34, s31;
	s30 =	sadd.s32 $0x1, s30;
	[tilespmem:s7+$0x8CD0] =	vst v63  }
0x95: {  	p0 =	sne.s32 s30, $0x8;
	[tilespmem:s7+$0x8C90] =	vst v2  }
.Ltmp2:
0x96: {  	s0 =	sadd.s32 s1, s31;
	[tilespmem:s7+$0x8CA0] =	vst v3;
	(pc) =	sbr.rel @p0 .LBB2_2-.Ltmp2, $4  }
0x97: {  	[hbm4b:s0+s2] =	stream.linear.scatter [tilespmem:s28], [sflag:$0x2], $0x6800, $0x38;
	[tilespmem:$0xF350] =	vst v63  }
0x98: {  	_ =	swait.ge [sflag:s8], $0x6800  }
0x99: {  	[sflag:s8] =	ssyncset.done $0x0  }
0x9a: {  	[sflag:s8] =	ssyncadd.s32 $0xFFFF9800  }
0x9b: {  	s3 =	rddreg [dreg:$0x4]  }
0x9c: {  	s0 =	rddreg [dreg:$0x3];
	s3 =	sadd.s32 $0x1, s3  }
0x9d: {  	p0 =	sne.s32 s3, s0  }
.Ltmp3:
0x9e: {  	_ = 	snop;
	(pc) =	sbr.rel @p0 .LBB2_1-.Ltmp3, $1  }
0x9f: {  	_ =	sdelay $0x3  }
0xa0: {  	_ =	sfence.sel $0x180000  }
0xa1: {  	[bflag:$0x0] =	sbarrier.arrive $0xFFFF  }
0xa2: {  	_ =	strace $0x9000004A  }
0xa3: {  	s0 =	stileid.u32;
	[bflag:$0x2] =	sbarrier.arrive $0xFFFF  }
0xa4: {  	p0 =	sne.s32 s0, $0x0;
	s0 =	rddreg [dreg:$0x2]  }
0xa5: {  	s0 =	sadd.s32 @!p0 $0x100000, s0  }
0xa6: {  	[sflag:s0] =	ssyncadd.tile.s32 @!p0 $0x1;
	_ =	shalt  }
.Lfunc_end2:
_tile_overlayer_lowered:
.L_overlay_start_2:
0xa7: {  	(tag) =	ssettag $0x2  }
0xa8: {  	s0 =	rddreg [dreg:$0x0];
	s2 =	stileid.u32  }
0xa9: {  	s1 =	rddreg [dreg:$0x1];
	p0 =	sne.s32 s2, $0x0  }
0xaa: {  	s3 =	rddreg [dreg:$0x2];
	[bflag:$0x3] =	sbarrier.arrive $0xFFFF;
	s2 =	simm.s32 @!p0 $0x1C02  }
0xab: {  	[timem:s3], [sflag:s2] =	dma.local @!p0 [hbm:s0], s1  }
0xac: {  	s0 =	simm.s32 @!p0 $0x2  }
0xad: {  	_ =	swait.ge @!p0 [sflag:s0], s1  }
0xae: {  	s1 =	ssub.s32 @!p0 $0x0, s1;
	[sflag:s0] =	ssyncset.done @!p0 $0x0  }
0xaf: {  	[sflag:s0] =	ssyncadd.s32 @!p0 s1  }
0xb0: {  	[bflag:$0x3] =	sbarrier.arrive $0xFFFF  }
0xb1: {  	_ =	shalt  }

</sc_bundles>
